<compile_context>
chip_gen: v7x
topology: tpu7x:2x2x1
jax: 0.10.2.dev20260603
libtpu: 0.0.44.dev20260713+nightly
codegen_flags: <defaults>
</compile_context>

<pallas_src>
import functools

import jax
import jax.numpy as jnp
from jax import lax
from jax.experimental import pallas as pl
from jax.experimental.pallas import tpu as pltpu
from jax.experimental.pallas import tpu_sc as plsc

N_NODES = 10000
D = 128
N_EDGES = 320000

NC = 2
NS = 16
NW = NC * NS
CH = 80
NCHUNK = 125
EPW = NCHUNK * CH
RPT = N_NODES // NS
DB = 125
NBUF = 5

_mesh = plsc.VectorSubcoreMesh(core_axis_name="c", subcore_axis_name="s")
_sc_params = pltpu.CompilerParams(use_tc_tiling_on_sc=False)


@functools.partial(
    pl.kernel,
    mesh=_mesh,
    compiler_params=_sc_params,
    out_type=jax.ShapeDtypeStruct((NC, N_NODES, 16), jnp.float32),
    scratch_types=[
        pltpu.VMEM((NCHUNK, CH), jnp.int32),
        pltpu.VMEM((CH, 16), jnp.float32),
        pltpu.VMEM((RPT, 16), jnp.float32),
        pltpu.VMEM_SHARED((N_NODES, 16), jnp.float32),
    ],
)
def _sc_deg(ei_hbm, out_hbm, dst_all, ones_v, z_v, deg_sh):
    cid = lax.axis_index("c")
    sid = lax.axis_index("s")
    wid = sid * NC + cid

    def fill_ones(i, _):
        ones_v[i] = jnp.full((16,), 1.0, jnp.float32)
        return _

    lax.fori_loop(0, CH, fill_ones, None)

    def fill_z(i, _):
        z_v[i] = jnp.zeros((16,), jnp.float32)
        return _

    lax.fori_loop(0, RPT, fill_z, None)
    pltpu.sync_copy(z_v, deg_sh.at[pl.ds(sid * RPT, RPT)])
    pltpu.sync_copy(ei_hbm.at[1, wid], dst_all)
    plsc.subcore_barrier()

    def chunk(c, _):
        pltpu.sync_copy(ones_v, deg_sh.at[dst_all.at[c]], add=True)
        return _

    lax.fori_loop(0, NCHUNK, chunk, None)
    plsc.subcore_barrier()
    pltpu.sync_copy(deg_sh.at[pl.ds(sid * RPT, RPT)],
                    out_hbm.at[cid, pl.ds(sid * RPT, RPT)])


@functools.partial(
    pl.kernel,
    mesh=_mesh,
    compiler_params=_sc_params,
    out_type=jax.ShapeDtypeStruct((NC, N_NODES, D), jnp.bfloat16),
    scratch_types=[
        pltpu.VMEM((NCHUNK, CH), jnp.int32),
        pltpu.VMEM((NCHUNK, CH), jnp.int32),
        pltpu.VMEM((NBUF, CH, D), jnp.bfloat16),
        pltpu.VMEM((DB, D), jnp.bfloat16),
        pltpu.VMEM_SHARED((N_NODES, D), jnp.bfloat16),
    ] + [pltpu.SemaphoreType.DMA] * NBUF,
)
def _sc_agg(p_hbm, ei_hbm, out_hbm,
            src_all, dst_all, rows, vb, agg_sh, *gsems):
    cid = lax.axis_index("c")
    sid = lax.axis_index("s")
    wid = sid * NC + cid

    def fill_z(i, _):
        for j in range(D // 32):
            vb[i, pl.ds(32 * j, 32)] = jnp.zeros((32,), jnp.bfloat16)
        return _

    lax.fori_loop(0, DB, fill_z, None)
    for r in range(RPT // DB):
        pltpu.sync_copy(vb, agg_sh.at[pl.ds(sid * RPT + r * DB, DB)])
    pltpu.sync_copy(ei_hbm.at[0, wid], src_all)
    pltpu.sync_copy(ei_hbm.at[1, wid], dst_all)
    plsc.subcore_barrier()

    for b in range(NBUF):
        pltpu.async_copy(p_hbm.at[src_all.at[b]], rows.at[b], gsems[b])

    def group(g, _):
        for b in range(NBUF):
            c = g * NBUF + b
            pltpu.make_async_copy(
                p_hbm.at[src_all.at[c]], rows.at[b], gsems[b]).wait()
            pltpu.sync_copy(rows.at[b], agg_sh.at[dst_all.at[c]], add=True)
            nxt = c + NBUF

            @pl.when(nxt < NCHUNK)
            def _start():
                pltpu.async_copy(p_hbm.at[src_all.at[nxt]], rows.at[b],
                                 gsems[b])
        return _

    lax.fori_loop(0, NCHUNK // NBUF, group, None)
    plsc.subcore_barrier()
    pltpu.sync_copy(agg_sh.at[pl.ds(sid * RPT, RPT)],
                    out_hbm.at[cid, pl.ds(sid * RPT, RPT)])


_R = 2000


def _mm_body(x_ref, w_ref, h_ref):
    h_ref[...] = jnp.dot(x_ref[...], w_ref[...],
                         preferred_element_type=jnp.float32)


def _prep_body(h_ref, degp_ref, p_ref, dis_ref):
    dis = lax.rsqrt(degp_ref[0] + degp_ref[1] + 1.0)
    dis_ref[...] = dis
    p_ref[...] = h_ref[...] * dis[:, :1]


def _mid_body(parts_ref, p1_ref, dis_ref, b1_ref, w2_ref, p2_ref):
    dis = dis_ref[...][:, :1]
    agg = (parts_ref[0] + parts_ref[1]).astype(jnp.float32)
    t = dis * (agg + p1_ref[...]) + b1_ref[...]
    h2 = jnp.maximum(t, 0.0)
    p2_ref[...] = jnp.dot(h2, w2_ref[...],
                          preferred_element_type=jnp.float32) * dis


def _out_body(parts_ref, p2_ref, dis_ref, b2_ref, out_ref):
    dis = dis_ref[...][:, :1]
    agg = (parts_ref[0] + parts_ref[1]).astype(jnp.float32)
    out_ref[...] = dis * (agg + p2_ref[...]) + b2_ref[...]


def _tc_mm(x, W1):
    grid = (N_NODES // _R,)
    return pl.pallas_call(
        _mm_body,
        grid=grid,
        in_specs=[
            pl.BlockSpec((_R, D), lambda i: (i, 0)),
            pl.BlockSpec((D, D), lambda i: (0, 0)),
        ],
        out_specs=pl.BlockSpec((_R, D), lambda i: (i, 0)),
        out_shape=jax.ShapeDtypeStruct((N_NODES, D), jnp.float32),
    )(x, W1)


def _tc_prep(h, degp):
    grid = (N_NODES // _R,)
    return pl.pallas_call(
        _prep_body,
        grid=grid,
        in_specs=[
            pl.BlockSpec((_R, D), lambda i: (i, 0)),
            pl.BlockSpec((NC, _R, 16), lambda i: (0, i, 0)),
        ],
        out_specs=[
            pl.BlockSpec((_R, D), lambda i: (i, 0)),
            pl.BlockSpec((_R, 16), lambda i: (i, 0)),
        ],
        out_shape=[
            jax.ShapeDtypeStruct((N_NODES, D), jnp.float32),
            jax.ShapeDtypeStruct((N_NODES, 16), jnp.float32),
        ],
    )(h, degp)


def _tc_mid(parts, p1, dis16, b1, W2):
    grid = (N_NODES // _R,)
    return pl.pallas_call(
        _mid_body,
        grid=grid,
        in_specs=[
            pl.BlockSpec((NC, _R, D), lambda i: (0, i, 0)),
            pl.BlockSpec((_R, D), lambda i: (i, 0)),
            pl.BlockSpec((_R, 16), lambda i: (i, 0)),
            pl.BlockSpec((1, D), lambda i: (0, 0)),
            pl.BlockSpec((D, D), lambda i: (0, 0)),
        ],
        out_specs=pl.BlockSpec((_R, D), lambda i: (i, 0)),
        out_shape=jax.ShapeDtypeStruct((N_NODES, D), jnp.float32),
    )(parts, p1, dis16, b1, W2)


def _tc_out(parts, p2, dis16, b2):
    grid = (N_NODES // _R,)
    return pl.pallas_call(
        _out_body,
        grid=grid,
        in_specs=[
            pl.BlockSpec((NC, _R, D), lambda i: (0, i, 0)),
            pl.BlockSpec((_R, D), lambda i: (i, 0)),
            pl.BlockSpec((_R, 16), lambda i: (i, 0)),
            pl.BlockSpec((1, D), lambda i: (0, 0)),
        ],
        out_specs=pl.BlockSpec((_R, D), lambda i: (i, 0)),
        out_shape=jax.ShapeDtypeStruct((N_NODES, D), jnp.float32),
    )(parts, p2, dis16, b2)


def kernel(x, edge_index, W1, b1, W2, b2):
    ei4 = edge_index.astype(jnp.int32).reshape(2, NW, NCHUNK, CH)

    degp = _sc_deg(ei4)
    h1 = _tc_mm(x, W1)
    p1, dis16 = _tc_prep(h1, degp)
    parts1 = _sc_agg(p1.astype(jnp.bfloat16), ei4)
    p2 = _tc_mid(parts1, p1, dis16, b1.reshape(1, D), W2)
    parts2 = _sc_agg(p2.astype(jnp.bfloat16), ei4)
    return _tc_out(parts2, p2, dis16, b2.reshape(1, D))

# --- scband reference (transcript-rebuilt; emitter-appended) ---
"""Pipeline reference for scband-gnnencoder-15049565405593 (READ-ONLY COPY).

The authoritative reference and input builder live on the scoring server;
editing this copy changes nothing except your own understanding.
"""

import jax, jax.numpy as jnp
import numpy as np

N_NODES = 10000
D = 128
N_EDGES = 320000


def gcn_conv(x, edge_index, W, b, num_nodes):
    # PyG GCNConv: x' = D^{-1/2} (A + I) D^{-1/2} (X W) + b
    h = x @ W
    src = edge_index[0]
    dst = edge_index[1]
    loop = jnp.arange(num_nodes, dtype=edge_index.dtype)
    src = jnp.concatenate([src, loop])
    dst = jnp.concatenate([dst, loop])
    ones = jnp.ones(src.shape[0], dtype=h.dtype)
    deg = jnp.zeros((num_nodes,), dtype=h.dtype).at[dst].add(ones)
    deg_inv_sqrt = jnp.where(deg > 0, 1.0 / jnp.sqrt(jnp.maximum(deg, 1.0)), 0.0)
    norm = deg_inv_sqrt[src] * deg_inv_sqrt[dst]
    msg = h[src] * norm[:, None]
    out = jnp.zeros_like(h).at[dst].add(msg)
    return out + b


def setup_inputs(seed: int = 0) -> dict:
    key = jax.random.key(seed)
    k_x, k_e, k_w1, k_b1, k_w2, k_b2 = jax.random.split(key, 6)
    x = jax.random.normal(k_x, (N_NODES, D), dtype=jnp.float32)
    edge_index = jax.random.randint(k_e, (2, N_EDGES), 0, N_NODES, dtype=jnp.int64)
    s = 1.0 / np.sqrt(D)
    W1 = jax.random.uniform(k_w1, (D, D), dtype=jnp.float32, minval=-s, maxval=s)
    b1 = jax.random.uniform(k_b1, (D,), dtype=jnp.float32, minval=-s, maxval=s)
    W2 = jax.random.uniform(k_w2, (D, D), dtype=jnp.float32, minval=-s, maxval=s)
    b2 = jax.random.uniform(k_b2, (D,), dtype=jnp.float32, minval=-s, maxval=s)
    return {"x": x, "edge_index": edge_index, "W1": W1, "b1": b1, "W2": W2, "b2": b2}


def reference(x, edge_index, W1, b1, W2, b2):
    # GNNEncoder (GCN, num_layers=2), eval mode (dropout is identity)
    h = gcn_conv(x, edge_index, W1, b1, N_NODES)
    h = jax.nn.relu(h)
    out = gcn_conv(h, edge_index, W2, b2, N_NODES)
    return out

if __name__ == "__main__":
    import jax
    _d = setup_inputs()
    print(jax.jit(kernel)(*tuple(_d.values())))

</pallas_src>

<mosaic_0001>
#map = affine_map<(d0, d1) -> (0, 0)>
#map1 = affine_map<(d0, d1) -> (0, 0, 0, 0)>
#map2 = affine_map<(d0, d1) -> (0, 0, 0)>
module attributes {stable_mosaic.version = 14 : i64} {
  func.func @_sc_agg(%arg0: i32, %arg1: i32, %arg2: memref<10000x128xbf16, #tpu.memory_space<hbm>>, %arg3: memref<2x32x125x80xi32, #tpu.memory_space<hbm>>, %arg4: memref<2x10000x128xbf16, #tpu.memory_space<hbm>>, %arg5: memref<125x80xi32, #tpu.memory_space<vmem>>, %arg6: memref<125x80xi32, #tpu.memory_space<vmem>>, %arg7: memref<5x80x128xbf16, #tpu.memory_space<vmem>>, %arg8: memref<125x128xbf16, #tpu.memory_space<vmem>>, %arg9: memref<10000x128xbf16, #tpu.memory_space<vmem_shared>>, %arg10: memref<!tpu.dma_semaphore, #tpu.memory_space<semaphore_mem>>, %arg11: memref<!tpu.dma_semaphore, #tpu.memory_space<semaphore_mem>>, %arg12: memref<!tpu.dma_semaphore, #tpu.memory_space<semaphore_mem>>, %arg13: memref<!tpu.dma_semaphore, #tpu.memory_space<semaphore_mem>>, %arg14: memref<!tpu.dma_semaphore, #tpu.memory_space<semaphore_mem>>) attributes {dimension_semantics = [#tpu.dimension_semantics<core_parallel>, #tpu.dimension_semantics<subcore_parallel>], iteration_bounds = array<i64: 2, 16>, scalar_prefetch = 0 : i64, scratch_operands = 10 : i64, tpu.core_type = #tpu.core_type<sc_vector_subcore>, window_params = [{transform_indices = #map}, {transform_indices = #map1}, {transform_indices = #map2}]} {
    %mul3A = arith.constant 2 : i32
    %mul3A_0 = arith.muli %arg1, %mul3A : i32
    %add3A = arith.addi %mul3A_0, %arg0 : i32
    %scan3A = arith.constant 0 : i32
    %scan3A_1 = arith.constant 125 : i32
    %scan3A_2 = arith.addi %scan3A, %scan3A_1 : i32
    %scan3A_3 = arith.constant 1 : i32
    scf.for %scan3A_95 = %scan3A to %scan3A_2 step %scan3A_3  : i32 {
      %broadcast_in_dim3A = arith.constant 0.000000e+00 : bf16
      %broadcast_in_dim3A_96 = vector.broadcast %broadcast_in_dim3A : bf16 to vector<32xbf16>
      %swap3A = arith.index_cast %scan3A_95 : i32 to index
      %swap3A_97 = arith.constant 0 : index
      %swap3A_98 = tpu.vector_load %arg8[%swap3A, %swap3A_97] {strides = array<i32>} : memref<125x128xbf16, #tpu.memory_space<vmem>>, vector<1x32xbf16>,
      %swap3A_99 = vector.shape_cast %swap3A_98 : vector<1x32xbf16> to vector<32xbf16>
      %swap3A_100 = vector.shape_cast %broadcast_in_dim3A_96 : vector<32xbf16> to vector<1x32xbf16>
      tpu.vector_store %arg8[%swap3A, %swap3A_97], %swap3A_100 {strides = array<i32>} : memref<125x128xbf16, #tpu.memory_space<vmem>>, vector<1x32xbf16>,
      %broadcast_in_dim3A_101 = arith.constant 0.000000e+00 : bf16
      %broadcast_in_dim3A_102 = vector.broadcast %broadcast_in_dim3A_101 : bf16 to vector<32xbf16>
      %swap3A_103 = arith.index_cast %scan3A_95 : i32 to index
      %swap3A_104 = arith.constant 32 : index
      %swap3A_105 = tpu.vector_load %arg8[%swap3A_103, %swap3A_104] {strides = array<i32>} : memref<125x128xbf16, #tpu.memory_space<vmem>>, vector<1x32xbf16>,
      %swap3A_106 = vector.shape_cast %swap3A_105 : vector<1x32xbf16> to vector<32xbf16>
      %swap3A_107 = vector.shape_cast %broadcast_in_dim3A_102 : vector<32xbf16> to vector<1x32xbf16>
      tpu.vector_store %arg8[%swap3A_103, %swap3A_104], %swap3A_107 {strides = array<i32>} : memref<125x128xbf16, #tpu.memory_space<vmem>>, vector<1x32xbf16>,
      %broadcast_in_dim3A_108 = arith.constant 0.000000e+00 : bf16
      %broadcast_in_dim3A_109 = vector.broadcast %broadcast_in_dim3A_108 : bf16 to vector<32xbf16>
      %swap3A_110 = arith.index_cast %scan3A_95 : i32 to index
      %swap3A_111 = arith.constant 64 : index
      %swap3A_112 = tpu.vector_load %arg8[%swap3A_110, %swap3A_111] {strides = array<i32>} : memref<125x128xbf16, #tpu.memory_space<vmem>>, vector<1x32xbf16>,
      %swap3A_113 = vector.shape_cast %swap3A_112 : vector<1x32xbf16> to vector<32xbf16>
      %swap3A_114 = vector.shape_cast %broadcast_in_dim3A_109 : vector<32xbf16> to vector<1x32xbf16>
      tpu.vector_store %arg8[%swap3A_110, %swap3A_111], %swap3A_114 {strides = array<i32>} : memref<125x128xbf16, #tpu.memory_space<vmem>>, vector<1x32xbf16>,
      %broadcast_in_dim3A_115 = arith.constant 0.000000e+00 : bf16
      %broadcast_in_dim3A_116 = vector.broadcast %broadcast_in_dim3A_115 : bf16 to vector<32xbf16>
      %swap3A_117 = arith.index_cast %scan3A_95 : i32 to index
      %swap3A_118 = arith.constant 96 : index
      %swap3A_119 = tpu.vector_load %arg8[%swap3A_117, %swap3A_118] {strides = array<i32>} : memref<125x128xbf16, #tpu.memory_space<vmem>>, vector<1x32xbf16>,
      %swap3A_120 = vector.shape_cast %swap3A_119 : vector<1x32xbf16> to vector<32xbf16>
      %swap3A_121 = vector.shape_cast %broadcast_in_dim3A_116 : vector<32xbf16> to vector<1x32xbf16>
      tpu.vector_store %arg8[%swap3A_117, %swap3A_118], %swap3A_121 {strides = array<i32>} : memref<125x128xbf16, #tpu.memory_space<vmem>>, vector<1x32xbf16>,
    }
    %scan3A_4 = arith.constant 125 : i32
    %mul3A_5 = arith.constant 625 : i32
    %mul3A_6 = arith.muli %arg1, %mul3A_5 : i32
    %add3A_7 = arith.constant 0 : i32
    %add3A_8 = arith.addi %mul3A_6, %add3A_7 : i32
    "tpu.region"() ({
      %run_scoped3A_95 = tpu.sem_alloc : memref<!tpu.dma_semaphore, #tpu.memory_space<semaphore_mem>>
      %dma_start3A_96 = arith.constant 0 : i32
      %dma_start3A_97 = tpu.memref_slice %arg9[%add3A_8, %dma_start3A_96] : memref<10000x128xbf16, #tpu.memory_space<vmem_shared>> -> memref<125x128xbf16, #tpu.memory_space<vmem_shared>>
      %dma_start3A_98 = arith.constant 0 : i32
      %dma_start3A_99 = tpu.memref_slice %arg9[%add3A_8, %dma_start3A_98] : memref<10000x128xbf16, #tpu.memory_space<vmem_shared>> -> memref<125x128xbf16, #tpu.memory_space<vmem_shared>>
      tpu.enqueue_dma source(%arg8 : memref<125x128xbf16, #tpu.memory_space<vmem>>) target(%dma_start3A_99 : memref<125x128xbf16, #tpu.memory_space<vmem_shared>>) target_semaphore(%run_scoped3A_95 : memref<!tpu.dma_semaphore, #tpu.memory_space<semaphore_mem>>)
      %dma_wait3A = arith.constant 0 : i32
      %dma_wait3A_100 = tpu.memref_slice %arg9[%add3A_8, %dma_wait3A] : memref<10000x128xbf16, #tpu.memory_space<vmem_shared>> -> memref<125x128xbf16, #tpu.memory_space<vmem_shared>>
      %dma_wait3A_101 = arith.constant 0 : i32
      %dma_wait3A_102 = tpu.memref_slice %arg9[%add3A_8, %dma_wait3A_101] : memref<10000x128xbf16, #tpu.memory_space<vmem_shared>> -> memref<125x128xbf16, #tpu.memory_space<vmem_shared>>
      tpu.wait_dma2 semaphore(%run_scoped3A_95 : memref<!tpu.dma_semaphore, #tpu.memory_space<semaphore_mem>>) src(%arg8 : memref<125x128xbf16, #tpu.memory_space<vmem>>) dst(%dma_wait3A_102 : memref<125x128xbf16, #tpu.memory_space<vmem_shared>>)
      tpu.yield
    }) : () -> ()
    %mul3A_9 = arith.constant 625 : i32
    %mul3A_10 = arith.muli %arg1, %mul3A_9 : i32
    %add3A_11 = arith.constant 125 : i32
    %add3A_12 = arith.addi %mul3A_10, %add3A_11 : i32
    "tpu.region"() ({
      %run_scoped3A_95 = tpu.sem_alloc : memref<!tpu.dma_semaphore, #tpu.memory_space<semaphore_mem>>
      %dma_start3A_96 = arith.constant 0 : i32
      %dma_start3A_97 = tpu.memref_slice %arg9[%add3A_12, %dma_start3A_96] : memref<10000x128xbf16, #tpu.memory_space<vmem_shared>> -> memref<125x128xbf16, #tpu.memory_space<vmem_shared>>
      %dma_start3A_98 = arith.constant 0 : i32
      %dma_start3A_99 = tpu.memref_slice %arg9[%add3A_12, %dma_start3A_98] : memref<10000x128xbf16, #tpu.memory_space<vmem_shared>> -> memref<125x128xbf16, #tpu.memory_space<vmem_shared>>
      tpu.enqueue_dma source(%arg8 : memref<125x128xbf16, #tpu.memory_space<vmem>>) target(%dma_start3A_99 : memref<125x128xbf16, #tpu.memory_space<vmem_shared>>) target_semaphore(%run_scoped3A_95 : memref<!tpu.dma_semaphore, #tpu.memory_space<semaphore_mem>>)
      %dma_wait3A = arith.constant 0 : i32
      %dma_wait3A_100 = tpu.memref_slice %arg9[%add3A_12, %dma_wait3A] : memref<10000x128xbf16, #tpu.memory_space<vmem_shared>> -> memref<125x128xbf16, #tpu.memory_space<vmem_shared>>
      %dma_wait3A_101 = arith.constant 0 : i32
      %dma_wait3A_102 = tpu.memref_slice %arg9[%add3A_12, %dma_wait3A_101] : memref<10000x128xbf16, #tpu.memory_space<vmem_shared>> -> memref<125x128xbf16, #tpu.memory_space<vmem_shared>>
      tpu.wait_dma2 semaphore(%run_scoped3A_95 : memref<!tpu.dma_semaphore, #tpu.memory_space<semaphore_mem>>) src(%arg8 : memref<125x128xbf16, #tpu.memory_space<vmem>>) dst(%dma_wait3A_102 : memref<125x128xbf16, #tpu.memory_space<vmem_shared>>)
      tpu.yield
    }) : () -> ()
    %mul3A_13 = arith.constant 625 : i32
    %mul3A_14 = arith.muli %arg1, %mul3A_13 : i32
    %add3A_15 = arith.constant 250 : i32
    %add3A_16 = arith.addi %mul3A_14, %add3A_15 : i32
    "tpu.region"() ({
      %run_scoped3A_95 = tpu.sem_alloc : memref<!tpu.dma_semaphore, #tpu.memory_space<semaphore_mem>>
      %dma_start3A_96 = arith.constant 0 : i32
      %dma_start3A_97 = tpu.memref_slice %arg9[%add3A_16, %dma_start3A_96] : memref<10000x128xbf16, #tpu.memory_space<vmem_shared>> -> memref<125x128xbf16, #tpu.memory_space<vmem_shared>>
      %dma_start3A_98 = arith.constant 0 : i32
      %dma_start3A_99 = tpu.memref_slice %arg9[%add3A_16, %dma_start3A_98] : memref<10000x128xbf16, #tpu.memory_space<vmem_shared>> -> memref<125x128xbf16, #tpu.memory_space<vmem_shared>>
      tpu.enqueue_dma source(%arg8 : memref<125x128xbf16, #tpu.memory_space<vmem>>) target(%dma_start3A_99 : memref<125x128xbf16, #tpu.memory_space<vmem_shared>>) target_semaphore(%run_scoped3A_95 : memref<!tpu.dma_semaphore, #tpu.memory_space<semaphore_mem>>)
      %dma_wait3A = arith.constant 0 : i32
      %dma_wait3A_100 = tpu.memref_slice %arg9[%add3A_16, %dma_wait3A] : memref<10000x128xbf16, #tpu.memory_space<vmem_shared>> -> memref<125x128xbf16, #tpu.memory_space<vmem_shared>>
      %dma_wait3A_101 = arith.constant 0 : i32
      %dma_wait3A_102 = tpu.memref_slice %arg9[%add3A_16, %dma_wait3A_101] : memref<10000x128xbf16, #tpu.memory_space<vmem_shared>> -> memref<125x128xbf16, #tpu.memory_space<vmem_shared>>
      tpu.wait_dma2 semaphore(%run_scoped3A_95 : memref<!tpu.dma_semaphore, #tpu.memory_space<semaphore_mem>>) src(%arg8 : memref<125x128xbf16, #tpu.memory_space<vmem>>) dst(%dma_wait3A_102 : memref<125x128xbf16, #tpu.memory_space<vmem_shared>>)
      tpu.yield
    }) : () -> ()
    %mul3A_17 = arith.constant 625 : i32
    %mul3A_18 = arith.muli %arg1, %mul3A_17 : i32
    %add3A_19 = arith.constant 375 : i32
    %add3A_20 = arith.addi %mul3A_18, %add3A_19 : i32
    "tpu.region"() ({
      %run_scoped3A_95 = tpu.sem_alloc : memref<!tpu.dma_semaphore, #tpu.memory_space<semaphore_mem>>
      %dma_start3A_96 = arith.constant 0 : i32
      %dma_start3A_97 = tpu.memref_slice %arg9[%add3A_20, %dma_start3A_96] : memref<10000x128xbf16, #tpu.memory_space<vmem_shared>> -> memref<125x128xbf16, #tpu.memory_space<vmem_shared>>
      %dma_start3A_98 = arith.constant 0 : i32
      %dma_start3A_99 = tpu.memref_slice %arg9[%add3A_20, %dma_start3A_98] : memref<10000x128xbf16, #tpu.memory_space<vmem_shared>> -> memref<125x128xbf16, #tpu.memory_space<vmem_shared>>
      tpu.enqueue_dma source(%arg8 : memref<125x128xbf16, #tpu.memory_space<vmem>>) target(%dma_start3A_99 : memref<125x128xbf16, #tpu.memory_space<vmem_shared>>) target_semaphore(%run_scoped3A_95 : memref<!tpu.dma_semaphore, #tpu.memory_space<semaphore_mem>>)
      %dma_wait3A = arith.constant 0 : i32
      %dma_wait3A_100 = tpu.memref_slice %arg9[%add3A_20, %dma_wait3A] : memref<10000x128xbf16, #tpu.memory_space<vmem_shared>> -> memref<125x128xbf16, #tpu.memory_space<vmem_shared>>
      %dma_wait3A_101 = arith.constant 0 : i32
      %dma_wait3A_102 = tpu.memref_slice %arg9[%add3A_20, %dma_wait3A_101] : memref<10000x128xbf16, #tpu.memory_space<vmem_shared>> -> memref<125x128xbf16, #tpu.memory_space<vmem_shared>>
      tpu.wait_dma2 semaphore(%run_scoped3A_95 : memref<!tpu.dma_semaphore, #tpu.memory_space<semaphore_mem>>) src(%arg8 : memref<125x128xbf16, #tpu.memory_space<vmem>>) dst(%dma_wait3A_102 : memref<125x128xbf16, #tpu.memory_space<vmem_shared>>)
      tpu.yield
    }) : () -> ()
    %mul3A_21 = arith.constant 625 : i32
    %mul3A_22 = arith.muli %arg1, %mul3A_21 : i32
    %add3A_23 = arith.constant 500 : i32
    %add3A_24 = arith.addi %mul3A_22, %add3A_23 : i32
    "tpu.region"() ({
      %run_scoped3A_95 = tpu.sem_alloc : memref<!tpu.dma_semaphore, #tpu.memory_space<semaphore_mem>>
      %dma_start3A_96 = arith.constant 0 : i32
      %dma_start3A_97 = tpu.memref_slice %arg9[%add3A_24, %dma_start3A_96] : memref<10000x128xbf16, #tpu.memory_space<vmem_shared>> -> memref<125x128xbf16, #tpu.memory_space<vmem_shared>>
      %dma_start3A_98 = arith.constant 0 : i32
      %dma_start3A_99 = tpu.memref_slice %arg9[%add3A_24, %dma_start3A_98] : memref<10000x128xbf16, #tpu.memory_space<vmem_shared>> -> memref<125x128xbf16, #tpu.memory_space<vmem_shared>>
      tpu.enqueue_dma source(%arg8 : memref<125x128xbf16, #tpu.memory_space<vmem>>) target(%dma_start3A_99 : memref<125x128xbf16, #tpu.memory_space<vmem_shared>>) target_semaphore(%run_scoped3A_95 : memref<!tpu.dma_semaphore, #tpu.memory_space<semaphore_mem>>)
      %dma_wait3A = arith.constant 0 : i32
      %dma_wait3A_100 = tpu.memref_slice %arg9[%add3A_24, %dma_wait3A] : memref<10000x128xbf16, #tpu.memory_space<vmem_shared>> -> memref<125x128xbf16, #tpu.memory_space<vmem_shared>>
      %dma_wait3A_101 = arith.constant 0 : i32
      %dma_wait3A_102 = tpu.memref_slice %arg9[%add3A_24, %dma_wait3A_101] : memref<10000x128xbf16, #tpu.memory_space<vmem_shared>> -> memref<125x128xbf16, #tpu.memory_space<vmem_shared>>
      tpu.wait_dma2 semaphore(%run_scoped3A_95 : memref<!tpu.dma_semaphore, #tpu.memory_space<semaphore_mem>>) src(%arg8 : memref<125x128xbf16, #tpu.memory_space<vmem>>) dst(%dma_wait3A_102 : memref<125x128xbf16, #tpu.memory_space<vmem_shared>>)
      tpu.yield
    }) : () -> ()
    %run_scoped3A = arith.constant 0 : i32
    "tpu.region"() ({
      %run_scoped3A_95 = tpu.sem_alloc : memref<!tpu.dma_semaphore, #tpu.memory_space<semaphore_mem>>
      %dma_start3A_96 = arith.constant 0 : i32
      %dma_start3A_97 = arith.constant 0 : i32
      %dma_start3A_98 = tpu.memref_slice %arg3[%run_scoped3A, %add3A, %dma_start3A_96, %dma_start3A_97] : memref<2x32x125x80xi32, #tpu.memory_space<hbm>> -> memref<1x1x125x80xi32, #tpu.memory_space<hbm>>
      %dma_start3A_99 = tpu.memref_squeeze %dma_start3A_98 : memref<1x1x125x80xi32, #tpu.memory_space<hbm>> -> memref<125x80xi32, #tpu.memory_space<hbm>>
      %dma_start3A_100 = arith.constant 0 : i32
      %dma_start3A_101 = arith.constant 0 : i32
      %dma_start3A_102 = tpu.memref_slice %arg3[%run_scoped3A, %add3A, %dma_start3A_100, %dma_start3A_101] : memref<2x32x125x80xi32, #tpu.memory_space<hbm>> -> memref<1x1x125x80xi32, #tpu.memory_space<hbm>>
      %dma_start3A_103 = tpu.memref_squeeze %dma_start3A_102 : memref<1x1x125x80xi32, #tpu.memory_space<hbm>> -> memref<125x80xi32, #tpu.memory_space<hbm>>
      tpu.enqueue_dma source(%dma_start3A_103 : memref<125x80xi32, #tpu.memory_space<hbm>>) target(%arg5 : memref<125x80xi32, #tpu.memory_space<vmem>>) target_semaphore(%run_scoped3A_95 : memref<!tpu.dma_semaphore, #tpu.memory_space<semaphore_mem>>)
      %dma_wait3A = arith.constant 0 : i32
      %dma_wait3A_104 = arith.constant 0 : i32
      %dma_wait3A_105 = tpu.memref_slice %arg3[%run_scoped3A, %add3A, %dma_wait3A, %dma_wait3A_104] : memref<2x32x125x80xi32, #tpu.memory_space<hbm>> -> memref<1x1x125x80xi32, #tpu.memory_space<hbm>>
      %dma_wait3A_106 = tpu.memref_squeeze %dma_wait3A_105 : memref<1x1x125x80xi32, #tpu.memory_space<hbm>> -> memref<125x80xi32, #tpu.memory_space<hbm>>
      %dma_wait3A_107 = arith.constant 0 : i32
      %dma_wait3A_108 = arith.constant 0 : i32
      %dma_wait3A_109 = tpu.memref_slice %arg3[%run_scoped3A, %add3A, %dma_wait3A_107, %dma_wait3A_108] : memref<2x32x125x80xi32, #tpu.memory_space<hbm>> -> memref<1x1x125x80xi32, #tpu.memory_space<hbm>>
      %dma_wait3A_110 = tpu.memref_squeeze %dma_wait3A_109 : memref<1x1x125x80xi32, #tpu.memory_space<hbm>> -> memref<125x80xi32, #tpu.memory_space<hbm>>
      tpu.wait_dma2 semaphore(%run_scoped3A_95 : memref<!tpu.dma_semaphore, #tpu.memory_space<semaphore_mem>>) src(%dma_wait3A_110 : memref<125x80xi32, #tpu.memory_space<hbm>>) dst(%arg5 : memref<125x80xi32, #tpu.memory_space<vmem>>)
      tpu.yield
    }) : () -> ()
    %run_scoped3A_25 = arith.constant 1 : i32
    "tpu.region"() ({
      %run_scoped3A_95 = tpu.sem_alloc : memref<!tpu.dma_semaphore, #tpu.memory_space<semaphore_mem>>
      %dma_start3A_96 = arith.constant 0 : i32
      %dma_start3A_97 = arith.constant 0 : i32
      %dma_start3A_98 = tpu.memref_slice %arg3[%run_scoped3A_25, %add3A, %dma_start3A_96, %dma_start3A_97] : memref<2x32x125x80xi32, #tpu.memory_space<hbm>> -> memref<1x1x125x80xi32, #tpu.memory_space<hbm>>
      %dma_start3A_99 = tpu.memref_squeeze %dma_start3A_98 : memref<1x1x125x80xi32, #tpu.memory_space<hbm>> -> memref<125x80xi32, #tpu.memory_space<hbm>>
      %dma_start3A_100 = arith.constant 0 : i32
      %dma_start3A_101 = arith.constant 0 : i32
      %dma_start3A_102 = tpu.memref_slice %arg3[%run_scoped3A_25, %add3A, %dma_start3A_100, %dma_start3A_101] : memref<2x32x125x80xi32, #tpu.memory_space<hbm>> -> memref<1x1x125x80xi32, #tpu.memory_space<hbm>>
      %dma_start3A_103 = tpu.memref_squeeze %dma_start3A_102 : memref<1x1x125x80xi32, #tpu.memory_space<hbm>> -> memref<125x80xi32, #tpu.memory_space<hbm>>
      tpu.enqueue_dma source(%dma_start3A_103 : memref<125x80xi32, #tpu.memory_space<hbm>>) target(%arg6 : memref<125x80xi32, #tpu.memory_space<vmem>>) target_semaphore(%run_scoped3A_95 : memref<!tpu.dma_semaphore, #tpu.memory_space<semaphore_mem>>)
      %dma_wait3A = arith.constant 0 : i32
      %dma_wait3A_104 = arith.constant 0 : i32
      %dma_wait3A_105 = tpu.memref_slice %arg3[%run_scoped3A_25, %add3A, %dma_wait3A, %dma_wait3A_104] : memref<2x32x125x80xi32, #tpu.memory_space<hbm>> -> memref<1x1x125x80xi32, #tpu.memory_space<hbm>>
      %dma_wait3A_106 = tpu.memref_squeeze %dma_wait3A_105 : memref<1x1x125x80xi32, #tpu.memory_space<hbm>> -> memref<125x80xi32, #tpu.memory_space<hbm>>
      %dma_wait3A_107 = arith.constant 0 : i32
      %dma_wait3A_108 = arith.constant 0 : i32
      %dma_wait3A_109 = tpu.memref_slice %arg3[%run_scoped3A_25, %add3A, %dma_wait3A_107, %dma_wait3A_108] : memref<2x32x125x80xi32, #tpu.memory_space<hbm>> -> memref<1x1x125x80xi32, #tpu.memory_space<hbm>>
      %dma_wait3A_110 = tpu.memref_squeeze %dma_wait3A_109 : memref<1x1x125x80xi32, #tpu.memory_space<hbm>> -> memref<125x80xi32, #tpu.memory_space<hbm>>
      tpu.wait_dma2 semaphore(%run_scoped3A_95 : memref<!tpu.dma_semaphore, #tpu.memory_space<semaphore_mem>>) src(%dma_wait3A_110 : memref<125x80xi32, #tpu.memory_space<hbm>>) dst(%arg6 : memref<125x80xi32, #tpu.memory_space<vmem>>)
      tpu.yield
    }) : () -> ()
    %barrier3A = arith.constant 0 : index
    tpu.barrier barrier_id(%barrier3A)
    %dma_start3A = arith.constant 0 : i32
    %dma_start3A_26 = arith.constant 0 : i32
    %dma_start3A_27 = arith.constant 0 : i32
    %dma_start3A_28 = arith.constant 0 : i32
    %dma_start3A_29 = tpu.memref_slice %arg7[%dma_start3A_26, %dma_start3A_27, %dma_start3A_28] : memref<5x80x128xbf16, #tpu.memory_space<vmem>> -> memref<1x80x128xbf16, #tpu.memory_space<vmem>>
    %dma_start3A_30 = tpu.memref_squeeze %dma_start3A_29 : memref<1x80x128xbf16, #tpu.memory_space<vmem>> -> memref<80x128xbf16, #tpu.memory_space<vmem>>
    %dma_start3A_31 = arith.constant 0 : i32
    %dma_start3A_32 = tpu.memref_slice %arg5[%dma_start3A, %dma_start3A_31] : memref<125x80xi32, #tpu.memory_space<vmem>> -> memref<1x80xi32, #tpu.memory_space<vmem>>
    %dma_start3A_33 = tpu.memref_squeeze %dma_start3A_32 : memref<1x80xi32, #tpu.memory_space<vmem>> -> memref<80xi32, #tpu.memory_space<vmem>>
    %dma_start3A_34 = arith.constant 0 : i32
    %dma_start3A_35 = arith.constant 0 : i32
    %dma_start3A_36 = tpu.memref_slice %arg2[%dma_start3A_34, %dma_start3A_35] : memref<10000x128xbf16, #tpu.memory_space<hbm>> -> memref<10000x128xbf16, #tpu.memory_space<hbm>>
    tpu.enqueue_indirect_dma source(%dma_start3A_36 : memref<10000x128xbf16, #tpu.memory_space<hbm>>) target(%dma_start3A_30 : memref<80x128xbf16, #tpu.memory_space<vmem>>) offsets(%dma_start3A_33 : memref<80xi32, #tpu.memory_space<vmem>>) semaphore(%arg10 : memref<!tpu.dma_semaphore, #tpu.memory_space<semaphore_mem>>)
    %dma_start3A_37 = arith.constant 1 : i32
    %dma_start3A_38 = arith.constant 1 : i32
    %dma_start3A_39 = arith.constant 0 : i32
    %dma_start3A_40 = arith.constant 0 : i32
    %dma_start3A_41 = tpu.memref_slice %arg7[%dma_start3A_38, %dma_start3A_39, %dma_start3A_40] : memref<5x80x128xbf16, #tpu.memory_space<vmem>> -> memref<1x80x128xbf16, #tpu.memory_space<vmem>>
    %dma_start3A_42 = tpu.memref_squeeze %dma_start3A_41 : memref<1x80x128xbf16, #tpu.memory_space<vmem>> -> memref<80x128xbf16, #tpu.memory_space<vmem>>
    %dma_start3A_43 = arith.constant 0 : i32
    %dma_start3A_44 = tpu.memref_slice %arg5[%dma_start3A_37, %dma_start3A_43] : memref<125x80xi32, #tpu.memory_space<vmem>> -> memref<1x80xi32, #tpu.memory_space<vmem>>
    %dma_start3A_45 = tpu.memref_squeeze %dma_start3A_44 : memref<1x80xi32, #tpu.memory_space<vmem>> -> memref<80xi32, #tpu.memory_space<vmem>>
    %dma_start3A_46 = arith.constant 0 : i32
    %dma_start3A_47 = arith.constant 0 : i32
    %dma_start3A_48 = tpu.memref_slice %arg2[%dma_start3A_46, %dma_start3A_47] : memref<10000x128xbf16, #tpu.memory_space<hbm>> -> memref<10000x128xbf16, #tpu.memory_space<hbm>>
    tpu.enqueue_indirect_dma source(%dma_start3A_48 : memref<10000x128xbf16, #tpu.memory_space<hbm>>) target(%dma_start3A_42 : memref<80x128xbf16, #tpu.memory_space<vmem>>) offsets(%dma_start3A_45 : memref<80xi32, #tpu.memory_space<vmem>>) semaphore(%arg11 : memref<!tpu.dma_semaphore, #tpu.memory_space<semaphore_mem>>)
    %dma_start3A_49 = arith.constant 2 : i32
    %dma_start3A_50 = arith.constant 2 : i32
    %dma_start3A_51 = arith.constant 0 : i32
    %dma_start3A_52 = arith.constant 0 : i32
    %dma_start3A_53 = tpu.memref_slice %arg7[%dma_start3A_50, %dma_start3A_51, %dma_start3A_52] : memref<5x80x128xbf16, #tpu.memory_space<vmem>> -> memref<1x80x128xbf16, #tpu.memory_space<vmem>>
    %dma_start3A_54 = tpu.memref_squeeze %dma_start3A_53 : memref<1x80x128xbf16, #tpu.memory_space<vmem>> -> memref<80x128xbf16, #tpu.memory_space<vmem>>
    %dma_start3A_55 = arith.constant 0 : i32
    %dma_start3A_56 = tpu.memref_slice %arg5[%dma_start3A_49, %dma_start3A_55] : memref<125x80xi32, #tpu.memory_space<vmem>> -> memref<1x80xi32, #tpu.memory_space<vmem>>
    %dma_start3A_57 = tpu.memref_squeeze %dma_start3A_56 : memref<1x80xi32, #tpu.memory_space<vmem>> -> memref<80xi32, #tpu.memory_space<vmem>>
    %dma_start3A_58 = arith.constant 0 : i32
    %dma_start3A_59 = arith.constant 0 : i32
    %dma_start3A_60 = tpu.memref_slice %arg2[%dma_start3A_58, %dma_start3A_59] : memref<10000x128xbf16, #tpu.memory_space<hbm>> -> memref<10000x128xbf16, #tpu.memory_space<hbm>>
    tpu.enqueue_indirect_dma source(%dma_start3A_60 : memref<10000x128xbf16, #tpu.memory_space<hbm>>) target(%dma_start3A_54 : memref<80x128xbf16, #tpu.memory_space<vmem>>) offsets(%dma_start3A_57 : memref<80xi32, #tpu.memory_space<vmem>>) semaphore(%arg12 : memref<!tpu.dma_semaphore, #tpu.memory_space<semaphore_mem>>)
    %dma_start3A_61 = arith.constant 3 : i32
    %dma_start3A_62 = arith.constant 3 : i32
    %dma_start3A_63 = arith.constant 0 : i32
    %dma_start3A_64 = arith.constant 0 : i32
    %dma_start3A_65 = tpu.memref_slice %arg7[%dma_start3A_62, %dma_start3A_63, %dma_start3A_64] : memref<5x80x128xbf16, #tpu.memory_space<vmem>> -> memref<1x80x128xbf16, #tpu.memory_space<vmem>>
    %dma_start3A_66 = tpu.memref_squeeze %dma_start3A_65 : memref<1x80x128xbf16, #tpu.memory_space<vmem>> -> memref<80x128xbf16, #tpu.memory_space<vmem>>
    %dma_start3A_67 = arith.constant 0 : i32
    %dma_start3A_68 = tpu.memref_slice %arg5[%dma_start3A_61, %dma_start3A_67] : memref<125x80xi32, #tpu.memory_space<vmem>> -> memref<1x80xi32, #tpu.memory_space<vmem>>
    %dma_start3A_69 = tpu.memref_squeeze %dma_start3A_68 : memref<1x80xi32, #tpu.memory_space<vmem>> -> memref<80xi32, #tpu.memory_space<vmem>>
    %dma_start3A_70 = arith.constant 0 : i32
    %dma_start3A_71 = arith.constant 0 : i32
    %dma_start3A_72 = tpu.memref_slice %arg2[%dma_start3A_70, %dma_start3A_71] : memref<10000x128xbf16, #tpu.memory_space<hbm>> -> memref<10000x128xbf16, #tpu.memory_space<hbm>>
    tpu.enqueue_indirect_dma source(%dma_start3A_72 : memref<10000x128xbf16, #tpu.memory_space<hbm>>) target(%dma_start3A_66 : memref<80x128xbf16, #tpu.memory_space<vmem>>) offsets(%dma_start3A_69 : memref<80xi32, #tpu.memory_space<vmem>>) semaphore(%arg13 : memref<!tpu.dma_semaphore, #tpu.memory_space<semaphore_mem>>)
    %dma_start3A_73 = arith.constant 4 : i32
    %dma_start3A_74 = arith.constant 4 : i32
    %dma_start3A_75 = arith.constant 0 : i32
    %dma_start3A_76 = arith.constant 0 : i32
    %dma_start3A_77 = tpu.memref_slice %arg7[%dma_start3A_74, %dma_start3A_75, %dma_start3A_76] : memref<5x80x128xbf16, #tpu.memory_space<vmem>> -> memref<1x80x128xbf16, #tpu.memory_space<vmem>>
    %dma_start3A_78 = tpu.memref_squeeze %dma_start3A_77 : memref<1x80x128xbf16, #tpu.memory_space<vmem>> -> memref<80x128xbf16, #tpu.memory_space<vmem>>
    %dma_start3A_79 = arith.constant 0 : i32
    %dma_start3A_80 = tpu.memref_slice %arg5[%dma_start3A_73, %dma_start3A_79] : memref<125x80xi32, #tpu.memory_space<vmem>> -> memref<1x80xi32, #tpu.memory_space<vmem>>
    %dma_start3A_81 = tpu.memref_squeeze %dma_start3A_80 : memref<1x80xi32, #tpu.memory_space<vmem>> -> memref<80xi32, #tpu.memory_space<vmem>>
    %dma_start3A_82 = arith.constant 0 : i32
    %dma_start3A_83 = arith.constant 0 : i32
    %dma_start3A_84 = tpu.memref_slice %arg2[%dma_start3A_82, %dma_start3A_83] : memref<10000x128xbf16, #tpu.memory_space<hbm>> -> memref<10000x128xbf16, #tpu.memory_space<hbm>>
    tpu.enqueue_indirect_dma source(%dma_start3A_84 : memref<10000x128xbf16, #tpu.memory_space<hbm>>) target(%dma_start3A_78 : memref<80x128xbf16, #tpu.memory_space<vmem>>) offsets(%dma_start3A_81 : memref<80xi32, #tpu.memory_space<vmem>>) semaphore(%arg14 : memref<!tpu.dma_semaphore, #tpu.memory_space<semaphore_mem>>)
    %scan3A_85 = arith.constant 0 : i32
    %scan3A_86 = arith.constant 25 : i32
    %scan3A_87 = arith.addi %scan3A_85, %scan3A_86 : i32
    %scan3A_88 = arith.constant 1 : i32
    scf.for %scan3A_95 = %scan3A_85 to %scan3A_87 step %scan3A_88  : i32 {
      %mul3A_96 = arith.constant 5 : i32
      %mul3A_97 = arith.muli %scan3A_95, %mul3A_96 : i32
      %add3A_98 = arith.constant 0 : i32
      %add3A_99 = arith.addi %mul3A_97, %add3A_98 : i32
      %dma_wait3A = arith.constant 0 : i32
      %dma_wait3A_100 = arith.constant 0 : i32
      %dma_wait3A_101 = arith.constant 0 : i32
      %dma_wait3A_102 = tpu.memref_slice %arg7[%dma_wait3A, %dma_wait3A_100, %dma_wait3A_101] : memref<5x80x128xbf16, #tpu.memory_space<vmem>> -> memref<1x80x128xbf16, #tpu.memory_space<vmem>>
      %dma_wait3A_103 = tpu.memref_squeeze %dma_wait3A_102 : memref<1x80x128xbf16, #tpu.memory_space<vmem>> -> memref<80x128xbf16, #tpu.memory_space<vmem>>
      %dma_wait3A_104 = arith.constant 0 : i32
      %dma_wait3A_105 = tpu.memref_slice %arg5[%add3A_99, %dma_wait3A_104] : memref<125x80xi32, #tpu.memory_space<vmem>> -> memref<1x80xi32, #tpu.memory_space<vmem>>
      %dma_wait3A_106 = tpu.memref_squeeze %dma_wait3A_105 : memref<1x80xi32, #tpu.memory_space<vmem>> -> memref<80xi32, #tpu.memory_space<vmem>>
      %dma_wait3A_107 = arith.constant 0 : i32
      %dma_wait3A_108 = arith.constant 0 : i32
      %dma_wait3A_109 = tpu.memref_slice %arg2[%dma_wait3A_107, %dma_wait3A_108] : memref<10000x128xbf16, #tpu.memory_space<hbm>> -> memref<10000x128xbf16, #tpu.memory_space<hbm>>
      tpu.wait_indirect_dma semaphore(%arg10 : memref<!tpu.dma_semaphore, #tpu.memory_space<semaphore_mem>>) src(%dma_wait3A_109 : memref<10000x128xbf16, #tpu.memory_space<hbm>>) dst(%dma_wait3A_103 : memref<80x128xbf16, #tpu.memory_space<vmem>>)
      %run_scoped3A_110 = arith.constant 0 : i32
      "tpu.region"() ({
        %run_scoped3A_207 = tpu.sem_alloc : memref<!tpu.dma_semaphore, #tpu.memory_space<semaphore_mem>>
        %dma_start3A_208 = arith.constant 0 : i32
        %dma_start3A_209 = arith.constant 0 : i32
        %dma_start3A_210 = tpu.memref_slice %arg7[%run_scoped3A_110, %dma_start3A_208, %dma_start3A_209] : memref<5x80x128xbf16, #tpu.memory_space<vmem>> -> memref<1x80x128xbf16, #tpu.memory_space<vmem>>
        %dma_start3A_211 = tpu.memref_squeeze %dma_start3A_210 : memref<1x80x128xbf16, #tpu.memory_space<vmem>> -> memref<80x128xbf16, #tpu.memory_space<vmem>>
        %dma_start3A_212 = arith.constant 0 : i32
        %dma_start3A_213 = tpu.memref_slice %arg6[%add3A_99, %dma_start3A_212] : memref<125x80xi32, #tpu.memory_space<vmem>> -> memref<1x80xi32, #tpu.memory_space<vmem>>
        %dma_start3A_214 = tpu.memref_squeeze %dma_start3A_213 : memref<1x80xi32, #tpu.memory_space<vmem>> -> memref<80xi32, #tpu.memory_space<vmem>>
        %dma_start3A_215 = arith.constant 0 : i32
        %dma_start3A_216 = arith.constant 0 : i32
        %dma_start3A_217 = tpu.memref_slice %arg9[%dma_start3A_215, %dma_start3A_216] : memref<10000x128xbf16, #tpu.memory_space<vmem_shared>> -> memref<10000x128xbf16, #tpu.memory_space<vmem_shared>>
        tpu.enqueue_indirect_dma source(%dma_start3A_211 : memref<80x128xbf16, #tpu.memory_space<vmem>>) target(%dma_start3A_217 : memref<10000x128xbf16, #tpu.memory_space<vmem_shared>>) offsets(%dma_start3A_214 : memref<80xi32, #tpu.memory_space<vmem>>) semaphore(%run_scoped3A_207 : memref<!tpu.dma_semaphore, #tpu.memory_space<semaphore_mem>>) {add = true}
        %dma_wait3A_218 = arith.constant 0 : i32
        %dma_wait3A_219 = arith.constant 0 : i32
        %dma_wait3A_220 = tpu.memref_slice %arg7[%run_scoped3A_110, %dma_wait3A_218, %dma_wait3A_219] : memref<5x80x128xbf16, #tpu.memory_space<vmem>> -> memref<1x80x128xbf16, #tpu.memory_space<vmem>>
        %dma_wait3A_221 = tpu.memref_squeeze %dma_wait3A_220 : memref<1x80x128xbf16, #tpu.memory_space<vmem>> -> memref<80x128xbf16, #tpu.memory_space<vmem>>
        %dma_wait3A_222 = arith.constant 0 : i32
        %dma_wait3A_223 = tpu.memref_slice %arg6[%add3A_99, %dma_wait3A_222] : memref<125x80xi32, #tpu.memory_space<vmem>> -> memref<1x80xi32, #tpu.memory_space<vmem>>
        %dma_wait3A_224 = tpu.memref_squeeze %dma_wait3A_223 : memref<1x80xi32, #tpu.memory_space<vmem>> -> memref<80xi32, #tpu.memory_space<vmem>>
        %dma_wait3A_225 = arith.constant 0 : i32
        %dma_wait3A_226 = arith.constant 0 : i32
        %dma_wait3A_227 = tpu.memref_slice %arg9[%dma_wait3A_225, %dma_wait3A_226] : memref<10000x128xbf16, #tpu.memory_space<vmem_shared>> -> memref<10000x128xbf16, #tpu.memory_space<vmem_shared>>
        tpu.wait_indirect_dma semaphore(%run_scoped3A_207 : memref<!tpu.dma_semaphore, #tpu.memory_space<semaphore_mem>>) src(%dma_wait3A_221 : memref<80x128xbf16, #tpu.memory_space<vmem>>) dst(%dma_wait3A_227 : memref<10000x128xbf16, #tpu.memory_space<vmem_shared>>)
        tpu.yield
      }) : () -> ()
      %add3A_111 = arith.constant 5 : i32
      %add3A_112 = arith.addi %add3A_99, %add3A_111 : i32
      %lt3A = arith.constant 125 : i32
      %lt3A_113 = arith.cmpi slt, %add3A_112, %lt3A : i32
      %convert_element_type3A = arith.extui %lt3A_113 : i1 to i32
      %cond3A = arith.constant 0 : i32
      %cond3A_114 = arith.cmpi ne, %convert_element_type3A, %cond3A : i32
      scf.if %cond3A_114 {
        %dma_start3A_207 = arith.constant 0 : i32
        %dma_start3A_208 = arith.constant 0 : i32
        %dma_start3A_209 = arith.constant 0 : i32
        %dma_start3A_210 = tpu.memref_slice %arg7[%dma_start3A_207, %dma_start3A_208, %dma_start3A_209] : memref<5x80x128xbf16, #tpu.memory_space<vmem>> -> memref<1x80x128xbf16, #tpu.memory_space<vmem>>
        %dma_start3A_211 = tpu.memref_squeeze %dma_start3A_210 : memref<1x80x128xbf16, #tpu.memory_space<vmem>> -> memref<80x128xbf16, #tpu.memory_space<vmem>>
        %dma_start3A_212 = arith.constant 0 : i32
        %dma_start3A_213 = tpu.memref_slice %arg5[%add3A_112, %dma_start3A_212] : memref<125x80xi32, #tpu.memory_space<vmem>> -> memref<1x80xi32, #tpu.memory_space<vmem>>
        %dma_start3A_214 = tpu.memref_squeeze %dma_start3A_213 : memref<1x80xi32, #tpu.memory_space<vmem>> -> memref<80xi32, #tpu.memory_space<vmem>>
        %dma_start3A_215 = arith.constant 0 : i32
        %dma_start3A_216 = arith.constant 0 : i32
        %dma_start3A_217 = tpu.memref_slice %arg2[%dma_start3A_215, %dma_start3A_216] : memref<10000x128xbf16, #tpu.memory_space<hbm>> -> memref<10000x128xbf16, #tpu.memory_space<hbm>>
        tpu.enqueue_indirect_dma source(%dma_start3A_217 : memref<10000x128xbf16, #tpu.memory_space<hbm>>) target(%dma_start3A_211 : memref<80x128xbf16, #tpu.memory_space<vmem>>) offsets(%dma_start3A_214 : memref<80xi32, #tpu.memory_space<vmem>>) semaphore(%arg10 : memref<!tpu.dma_semaphore, #tpu.memory_space<semaphore_mem>>)
      } else {
      }
      %mul3A_115 = arith.constant 5 : i32
      %mul3A_116 = arith.muli %scan3A_95, %mul3A_115 : i32
      %add3A_117 = arith.constant 1 : i32
      %add3A_118 = arith.addi %mul3A_116, %add3A_117 : i32
      %dma_wait3A_119 = arith.constant 1 : i32
      %dma_wait3A_120 = arith.constant 0 : i32
      %dma_wait3A_121 = arith.constant 0 : i32
      %dma_wait3A_122 = tpu.memref_slice %arg7[%dma_wait3A_119, %dma_wait3A_120, %dma_wait3A_121] : memref<5x80x128xbf16, #tpu.memory_space<vmem>> -> memref<1x80x128xbf16, #tpu.memory_space<vmem>>
      %dma_wait3A_123 = tpu.memref_squeeze %dma_wait3A_122 : memref<1x80x128xbf16, #tpu.memory_space<vmem>> -> memref<80x128xbf16, #tpu.memory_space<vmem>>
      %dma_wait3A_124 = arith.constant 0 : i32
      %dma_wait3A_125 = tpu.memref_slice %arg5[%add3A_118, %dma_wait3A_124] : memref<125x80xi32, #tpu.memory_space<vmem>> -> memref<1x80xi32, #tpu.memory_space<vmem>>
      %dma_wait3A_126 = tpu.memref_squeeze %dma_wait3A_125 : memref<1x80xi32, #tpu.memory_space<vmem>> -> memref<80xi32, #tpu.memory_space<vmem>>
      %dma_wait3A_127 = arith.constant 0 : i32
      %dma_wait3A_128 = arith.constant 0 : i32
      %dma_wait3A_129 = tpu.memref_slice %arg2[%dma_wait3A_127, %dma_wait3A_128] : memref<10000x128xbf16, #tpu.memory_space<hbm>> -> memref<10000x128xbf16, #tpu.memory_space<hbm>>
      tpu.wait_indirect_dma semaphore(%arg11 : memref<!tpu.dma_semaphore, #tpu.memory_space<semaphore_mem>>) src(%dma_wait3A_129 : memref<10000x128xbf16, #tpu.memory_space<hbm>>) dst(%dma_wait3A_123 : memref<80x128xbf16, #tpu.memory_space<vmem>>)
      %run_scoped3A_130 = arith.constant 1 : i32
      "tpu.region"() ({
        %run_scoped3A_207 = tpu.sem_alloc : memref<!tpu.dma_semaphore, #tpu.memory_space<semaphore_mem>>
        %dma_start3A_208 = arith.constant 0 : i32
        %dma_start3A_209 = arith.constant 0 : i32
        %dma_start3A_210 = tpu.memref_slice %arg7[%run_scoped3A_130, %dma_start3A_208, %dma_start3A_209] : memref<5x80x128xbf16, #tpu.memory_space<vmem>> -> memref<1x80x128xbf16, #tpu.memory_space<vmem>>
        %dma_start3A_211 = tpu.memref_squeeze %dma_start3A_210 : memref<1x80x128xbf16, #tpu.memory_space<vmem>> -> memref<80x128xbf16, #tpu.memory_space<vmem>>
        %dma_start3A_212 = arith.constant 0 : i32
        %dma_start3A_213 = tpu.memref_slice %arg6[%add3A_118, %dma_start3A_212] : memref<125x80xi32, #tpu.memory_space<vmem>> -> memref<1x80xi32, #tpu.memory_space<vmem>>
        %dma_start3A_214 = tpu.memref_squeeze %dma_start3A_213 : memref<1x80xi32, #tpu.memory_space<vmem>> -> memref<80xi32, #tpu.memory_space<vmem>>
        %dma_start3A_215 = arith.constant 0 : i32
        %dma_start3A_216 = arith.constant 0 : i32
        %dma_start3A_217 = tpu.memref_slice %arg9[%dma_start3A_215, %dma_start3A_216] : memref<10000x128xbf16, #tpu.memory_space<vmem_shared>> -> memref<10000x128xbf16, #tpu.memory_space<vmem_shared>>
        tpu.enqueue_indirect_dma source(%dma_start3A_211 : memref<80x128xbf16, #tpu.memory_space<vmem>>) target(%dma_start3A_217 : memref<10000x128xbf16, #tpu.memory_space<vmem_shared>>) offsets(%dma_start3A_214 : memref<80xi32, #tpu.memory_space<vmem>>) semaphore(%run_scoped3A_207 : memref<!tpu.dma_semaphore, #tpu.memory_space<semaphore_mem>>) {add = true}
        %dma_wait3A_218 = arith.constant 0 : i32
        %dma_wait3A_219 = arith.constant 0 : i32
        %dma_wait3A_220 = tpu.memref_slice %arg7[%run_scoped3A_130, %dma_wait3A_218, %dma_wait3A_219] : memref<5x80x128xbf16, #tpu.memory_space<vmem>> -> memref<1x80x128xbf16, #tpu.memory_space<vmem>>
        %dma_wait3A_221 = tpu.memref_squeeze %dma_wait3A_220 : memref<1x80x128xbf16, #tpu.memory_space<vmem>> -> memref<80x128xbf16, #tpu.memory_space<vmem>>
        %dma_wait3A_222 = arith.constant 0 : i32
        %dma_wait3A_223 = tpu.memref_slice %arg6[%add3A_118, %dma_wait3A_222] : memref<125x80xi32, #tpu.memory_space<vmem>> -> memref<1x80xi32, #tpu.memory_space<vmem>>
        %dma_wait3A_224 = tpu.memref_squeeze %dma_wait3A_223 : memref<1x80xi32, #tpu.memory_space<vmem>> -> memref<80xi32, #tpu.memory_space<vmem>>
        %dma_wait3A_225 = arith.constant 0 : i32
        %dma_wait3A_226 = arith.constant 0 : i32
        %dma_wait3A_227 = tpu.memref_slice %arg9[%dma_wait3A_225, %dma_wait3A_226] : memref<10000x128xbf16, #tpu.memory_space<vmem_shared>> -> memref<10000x128xbf16, #tpu.memory_space<vmem_shared>>
        tpu.wait_indirect_dma semaphore(%run_scoped3A_207 : memref<!tpu.dma_semaphore, #tpu.memory_space<semaphore_mem>>) src(%dma_wait3A_221 : memref<80x128xbf16, #tpu.memory_space<vmem>>) dst(%dma_wait3A_227 : memref<10000x128xbf16, #tpu.memory_space<vmem_shared>>)
        tpu.yield
      }) : () -> ()
      %add3A_131 = arith.constant 5 : i32
      %add3A_132 = arith.addi %add3A_118, %add3A_131 : i32
      %lt3A_133 = arith.constant 125 : i32
      %lt3A_134 = arith.cmpi slt, %add3A_132, %lt3A_133 : i32
      %convert_element_type3A_135 = arith.extui %lt3A_134 : i1 to i32
      %cond3A_136 = arith.constant 0 : i32
      %cond3A_137 = arith.cmpi ne, %convert_element_type3A_135, %cond3A_136 : i32
      scf.if %cond3A_137 {
        %dma_start3A_207 = arith.constant 1 : i32
        %dma_start3A_208 = arith.constant 0 : i32
        %dma_start3A_209 = arith.constant 0 : i32
        %dma_start3A_210 = tpu.memref_slice %arg7[%dma_start3A_207, %dma_start3A_208, %dma_start3A_209] : memref<5x80x128xbf16, #tpu.memory_space<vmem>> -> memref<1x80x128xbf16, #tpu.memory_space<vmem>>
        %dma_start3A_211 = tpu.memref_squeeze %dma_start3A_210 : memref<1x80x128xbf16, #tpu.memory_space<vmem>> -> memref<80x128xbf16, #tpu.memory_space<vmem>>
        %dma_start3A_212 = arith.constant 0 : i32
        %dma_start3A_213 = tpu.memref_slice %arg5[%add3A_132, %dma_start3A_212] : memref<125x80xi32, #tpu.memory_space<vmem>> -> memref<1x80xi32, #tpu.memory_space<vmem>>
        %dma_start3A_214 = tpu.memref_squeeze %dma_start3A_213 : memref<1x80xi32, #tpu.memory_space<vmem>> -> memref<80xi32, #tpu.memory_space<vmem>>
        %dma_start3A_215 = arith.constant 0 : i32
        %dma_start3A_216 = arith.constant 0 : i32
        %dma_start3A_217 = tpu.memref_slice %arg2[%dma_start3A_215, %dma_start3A_216] : memref<10000x128xbf16, #tpu.memory_space<hbm>> -> memref<10000x128xbf16, #tpu.memory_space<hbm>>
        tpu.enqueue_indirect_dma source(%dma_start3A_217 : memref<10000x128xbf16, #tpu.memory_space<hbm>>) target(%dma_start3A_211 : memref<80x128xbf16, #tpu.memory_space<vmem>>) offsets(%dma_start3A_214 : memref<80xi32, #tpu.memory_space<vmem>>) semaphore(%arg11 : memref<!tpu.dma_semaphore, #tpu.memory_space<semaphore_mem>>)
      } else {
      }
      %mul3A_138 = arith.constant 5 : i32
      %mul3A_139 = arith.muli %scan3A_95, %mul3A_138 : i32
      %add3A_140 = arith.constant 2 : i32
      %add3A_141 = arith.addi %mul3A_139, %add3A_140 : i32
      %dma_wait3A_142 = arith.constant 2 : i32
      %dma_wait3A_143 = arith.constant 0 : i32
      %dma_wait3A_144 = arith.constant 0 : i32
      %dma_wait3A_145 = tpu.memref_slice %arg7[%dma_wait3A_142, %dma_wait3A_143, %dma_wait3A_144] : memref<5x80x128xbf16, #tpu.memory_space<vmem>> -> memref<1x80x128xbf16, #tpu.memory_space<vmem>>
      %dma_wait3A_146 = tpu.memref_squeeze %dma_wait3A_145 : memref<1x80x128xbf16, #tpu.memory_space<vmem>> -> memref<80x128xbf16, #tpu.memory_space<vmem>>
      %dma_wait3A_147 = arith.constant 0 : i32
      %dma_wait3A_148 = tpu.memref_slice %arg5[%add3A_141, %dma_wait3A_147] : memref<125x80xi32, #tpu.memory_space<vmem>> -> memref<1x80xi32, #tpu.memory_space<vmem>>
      %dma_wait3A_149 = tpu.memref_squeeze %dma_wait3A_148 : memref<1x80xi32, #tpu.memory_space<vmem>> -> memref<80xi32, #tpu.memory_space<vmem>>
      %dma_wait3A_150 = arith.constant 0 : i32
      %dma_wait3A_151 = arith.constant 0 : i32
      %dma_wait3A_152 = tpu.memref_slice %arg2[%dma_wait3A_150, %dma_wait3A_151] : memref<10000x128xbf16, #tpu.memory_space<hbm>> -> memref<10000x128xbf16, #tpu.memory_space<hbm>>
      tpu.wait_indirect_dma semaphore(%arg12 : memref<!tpu.dma_semaphore, #tpu.memory_space<semaphore_mem>>) src(%dma_wait3A_152 : memref<10000x128xbf16, #tpu.memory_space<hbm>>) dst(%dma_wait3A_146 : memref<80x128xbf16, #tpu.memory_space<vmem>>)
      %run_scoped3A_153 = arith.constant 2 : i32
      "tpu.region"() ({
        %run_scoped3A_207 = tpu.sem_alloc : memref<!tpu.dma_semaphore, #tpu.memory_space<semaphore_mem>>
        %dma_start3A_208 = arith.constant 0 : i32
        %dma_start3A_209 = arith.constant 0 : i32
        %dma_start3A_210 = tpu.memref_slice %arg7[%run_scoped3A_153, %dma_start3A_208, %dma_start3A_209] : memref<5x80x128xbf16, #tpu.memory_space<vmem>> -> memref<1x80x128xbf16, #tpu.memory_space<vmem>>
        %dma_start3A_211 = tpu.memref_squeeze %dma_start3A_210 : memref<1x80x128xbf16, #tpu.memory_space<vmem>> -> memref<80x128xbf16, #tpu.memory_space<vmem>>
        %dma_start3A_212 = arith.constant 0 : i32
        %dma_start3A_213 = tpu.memref_slice %arg6[%add3A_141, %dma_start3A_212] : memref<125x80xi32, #tpu.memory_space<vmem>> -> memref<1x80xi32, #tpu.memory_space<vmem>>
        %dma_start3A_214 = tpu.memref_squeeze %dma_start3A_213 : memref<1x80xi32, #tpu.memory_space<vmem>> -> memref<80xi32, #tpu.memory_space<vmem>>
        %dma_start3A_215 = arith.constant 0 : i32
        %dma_start3A_216 = arith.constant 0 : i32
        %dma_start3A_217 = tpu.memref_slice %arg9[%dma_start3A_215, %dma_start3A_216] : memref<10000x128xbf16, #tpu.memory_space<vmem_shared>> -> memref<10000x128xbf16, #tpu.memory_space<vmem_shared>>
        tpu.enqueue_indirect_dma source(%dma_start3A_211 : memref<80x128xbf16, #tpu.memory_space<vmem>>) target(%dma_start3A_217 : memref<10000x128xbf16, #tpu.memory_space<vmem_shared>>) offsets(%dma_start3A_214 : memref<80xi32, #tpu.memory_space<vmem>>) semaphore(%run_scoped3A_207 : memref<!tpu.dma_semaphore, #tpu.memory_space<semaphore_mem>>) {add = true}
        %dma_wait3A_218 = arith.constant 0 : i32
        %dma_wait3A_219 = arith.constant 0 : i32
        %dma_wait3A_220 = tpu.memref_slice %arg7[%run_scoped3A_153, %dma_wait3A_218, %dma_wait3A_219] : memref<5x80x128xbf16, #tpu.memory_space<vmem>> -> memref<1x80x128xbf16, #tpu.memory_space<vmem>>
        %dma_wait3A_221 = tpu.memref_squeeze %dma_wait3A_220 : memref<1x80x128xbf16, #tpu.memory_space<vmem>> -> memref<80x128xbf16, #tpu.memory_space<vmem>>
        %dma_wait3A_222 = arith.constant 0 : i32
        %dma_wait3A_223 = tpu.memref_slice %arg6[%add3A_141, %dma_wait3A_222] : memref<125x80xi32, #tpu.memory_space<vmem>> -> memref<1x80xi32, #tpu.memory_space<vmem>>
        %dma_wait3A_224 = tpu.memref_squeeze %dma_wait3A_223 : memref<1x80xi32, #tpu.memory_space<vmem>> -> memref<80xi32, #tpu.memory_space<vmem>>
        %dma_wait3A_225 = arith.constant 0 : i32
        %dma_wait3A_226 = arith.constant 0 : i32
        %dma_wait3A_227 = tpu.memref_slice %arg9[%dma_wait3A_225, %dma_wait3A_226] : memref<10000x128xbf16, #tpu.memory_space<vmem_shared>> -> memref<10000x128xbf16, #tpu.memory_space<vmem_shared>>
        tpu.wait_indirect_dma semaphore(%run_scoped3A_207 : memref<!tpu.dma_semaphore, #tpu.memory_space<semaphore_mem>>) src(%dma_wait3A_221 : memref<80x128xbf16, #tpu.memory_space<vmem>>) dst(%dma_wait3A_227 : memref<10000x128xbf16, #tpu.memory_space<vmem_shared>>)
        tpu.yield
      }) : () -> ()
      %add3A_154 = arith.constant 5 : i32
      %add3A_155 = arith.addi %add3A_141, %add3A_154 : i32
      %lt3A_156 = arith.constant 125 : i32
      %lt3A_157 = arith.cmpi slt, %add3A_155, %lt3A_156 : i32
      %convert_element_type3A_158 = arith.extui %lt3A_157 : i1 to i32
      %cond3A_159 = arith.constant 0 : i32
      %cond3A_160 = arith.cmpi ne, %convert_element_type3A_158, %cond3A_159 : i32
      scf.if %cond3A_160 {
        %dma_start3A_207 = arith.constant 2 : i32
        %dma_start3A_208 = arith.constant 0 : i32
        %dma_start3A_209 = arith.constant 0 : i32
        %dma_start3A_210 = tpu.memref_slice %arg7[%dma_start3A_207, %dma_start3A_208, %dma_start3A_209] : memref<5x80x128xbf16, #tpu.memory_space<vmem>> -> memref<1x80x128xbf16, #tpu.memory_space<vmem>>
        %dma_start3A_211 = tpu.memref_squeeze %dma_start3A_210 : memref<1x80x128xbf16, #tpu.memory_space<vmem>> -> memref<80x128xbf16, #tpu.memory_space<vmem>>
        %dma_start3A_212 = arith.constant 0 : i32
        %dma_start3A_213 = tpu.memref_slice %arg5[%add3A_155, %dma_start3A_212] : memref<125x80xi32, #tpu.memory_space<vmem>> -> memref<1x80xi32, #tpu.memory_space<vmem>>
        %dma_start3A_214 = tpu.memref_squeeze %dma_start3A_213 : memref<1x80xi32, #tpu.memory_space<vmem>> -> memref<80xi32, #tpu.memory_space<vmem>>
        %dma_start3A_215 = arith.constant 0 : i32
        %dma_start3A_216 = arith.constant 0 : i32
        %dma_start3A_217 = tpu.memref_slice %arg2[%dma_start3A_215, %dma_start3A_216] : memref<10000x128xbf16, #tpu.memory_space<hbm>> -> memref<10000x128xbf16, #tpu.memory_space<hbm>>
        tpu.enqueue_indirect_dma source(%dma_start3A_217 : memref<10000x128xbf16, #tpu.memory_space<hbm>>) target(%dma_start3A_211 : memref<80x128xbf16, #tpu.memory_space<vmem>>) offsets(%dma_start3A_214 : memref<80xi32, #tpu.memory_space<vmem>>) semaphore(%arg12 : memref<!tpu.dma_semaphore, #tpu.memory_space<semaphore_mem>>)
      } else {
      }
      %mul3A_161 = arith.constant 5 : i32
      %mul3A_162 = arith.muli %scan3A_95, %mul3A_161 : i32
      %add3A_163 = arith.constant 3 : i32
      %add3A_164 = arith.addi %mul3A_162, %add3A_163 : i32
      %dma_wait3A_165 = arith.constant 3 : i32
      %dma_wait3A_166 = arith.constant 0 : i32
      %dma_wait3A_167 = arith.constant 0 : i32
      %dma_wait3A_168 = tpu.memref_slice %arg7[%dma_wait3A_165, %dma_wait3A_166, %dma_wait3A_167] : memref<5x80x128xbf16, #tpu.memory_space<vmem>> -> memref<1x80x128xbf16, #tpu.memory_space<vmem>>
      %dma_wait3A_169 = tpu.memref_squeeze %dma_wait3A_168 : memref<1x80x128xbf16, #tpu.memory_space<vmem>> -> memref<80x128xbf16, #tpu.memory_space<vmem>>
      %dma_wait3A_170 = arith.constant 0 : i32
      %dma_wait3A_171 = tpu.memref_slice %arg5[%add3A_164, %dma_wait3A_170] : memref<125x80xi32, #tpu.memory_space<vmem>> -> memref<1x80xi32, #tpu.memory_space<vmem>>
      %dma_wait3A_172 = tpu.memref_squeeze %dma_wait3A_171 : memref<1x80xi32, #tpu.memory_space<vmem>> -> memref<80xi32, #tpu.memory_space<vmem>>
      %dma_wait3A_173 = arith.constant 0 : i32
      %dma_wait3A_174 = arith.constant 0 : i32
      %dma_wait3A_175 = tpu.memref_slice %arg2[%dma_wait3A_173, %dma_wait3A_174] : memref<10000x128xbf16, #tpu.memory_space<hbm>> -> memref<10000x128xbf16, #tpu.memory_space<hbm>>
      tpu.wait_indirect_dma semaphore(%arg13 : memref<!tpu.dma_semaphore, #tpu.memory_space<semaphore_mem>>) src(%dma_wait3A_175 : memref<10000x128xbf16, #tpu.memory_space<hbm>>) dst(%dma_wait3A_169 : memref<80x128xbf16, #tpu.memory_space<vmem>>)
      %run_scoped3A_176 = arith.constant 3 : i32
      "tpu.region"() ({
        %run_scoped3A_207 = tpu.sem_alloc : memref<!tpu.dma_semaphore, #tpu.memory_space<semaphore_mem>>
        %dma_start3A_208 = arith.constant 0 : i32
        %dma_start3A_209 = arith.constant 0 : i32
        %dma_start3A_210 = tpu.memref_slice %arg7[%run_scoped3A_176, %dma_start3A_208, %dma_start3A_209] : memref<5x80x128xbf16, #tpu.memory_space<vmem>> -> memref<1x80x128xbf16, #tpu.memory_space<vmem>>
        %dma_start3A_211 = tpu.memref_squeeze %dma_start3A_210 : memref<1x80x128xbf16, #tpu.memory_space<vmem>> -> memref<80x128xbf16, #tpu.memory_space<vmem>>
        %dma_start3A_212 = arith.constant 0 : i32
        %dma_start3A_213 = tpu.memref_slice %arg6[%add3A_164, %dma_start3A_212] : memref<125x80xi32, #tpu.memory_space<vmem>> -> memref<1x80xi32, #tpu.memory_space<vmem>>
        %dma_start3A_214 = tpu.memref_squeeze %dma_start3A_213 : memref<1x80xi32, #tpu.memory_space<vmem>> -> memref<80xi32, #tpu.memory_space<vmem>>
        %dma_start3A_215 = arith.constant 0 : i32
        %dma_start3A_216 = arith.constant 0 : i32
        %dma_start3A_217 = tpu.memref_slice %arg9[%dma_start3A_215, %dma_start3A_216] : memref<10000x128xbf16, #tpu.memory_space<vmem_shared>> -> memref<10000x128xbf16, #tpu.memory_space<vmem_shared>>
        tpu.enqueue_indirect_dma source(%dma_start3A_211 : memref<80x128xbf16, #tpu.memory_space<vmem>>) target(%dma_start3A_217 : memref<10000x128xbf16, #tpu.memory_space<vmem_shared>>) offsets(%dma_start3A_214 : memref<80xi32, #tpu.memory_space<vmem>>) semaphore(%run_scoped3A_207 : memref<!tpu.dma_semaphore, #tpu.memory_space<semaphore_mem>>) {add = true}
        %dma_wait3A_218 = arith.constant 0 : i32
        %dma_wait3A_219 = arith.constant 0 : i32
        %dma_wait3A_220 = tpu.memref_slice %arg7[%run_scoped3A_176, %dma_wait3A_218, %dma_wait3A_219] : memref<5x80x128xbf16, #tpu.memory_space<vmem>> -> memref<1x80x128xbf16, #tpu.memory_space<vmem>>
        %dma_wait3A_221 = tpu.memref_squeeze %dma_wait3A_220 : memref<1x80x128xbf16, #tpu.memory_space<vmem>> -> memref<80x128xbf16, #tpu.memory_space<vmem>>
        %dma_wait3A_222 = arith.constant 0 : i32
        %dma_wait3A_223 = tpu.memref_slice %arg6[%add3A_164, %dma_wait3A_222] : memref<125x80xi32, #tpu.memory_space<vmem>> -> memref<1x80xi32, #tpu.memory_space<vmem>>
        %dma_wait3A_224 = tpu.memref_squeeze %dma_wait3A_223 : memref<1x80xi32, #tpu.memory_space<vmem>> -> memref<80xi32, #tpu.memory_space<vmem>>
        %dma_wait3A_225 = arith.constant 0 : i32
        %dma_wait3A_226 = arith.constant 0 : i32
        %dma_wait3A_227 = tpu.memref_slice %arg9[%dma_wait3A_225, %dma_wait3A_226] : memref<10000x128xbf16, #tpu.memory_space<vmem_shared>> -> memref<10000x128xbf16, #tpu.memory_space<vmem_shared>>
        tpu.wait_indirect_dma semaphore(%run_scoped3A_207 : memref<!tpu.dma_semaphore, #tpu.memory_space<semaphore_mem>>) src(%dma_wait3A_221 : memref<80x128xbf16, #tpu.memory_space<vmem>>) dst(%dma_wait3A_227 : memref<10000x128xbf16, #tpu.memory_space<vmem_shared>>)
        tpu.yield
      }) : () -> ()
      %add3A_177 = arith.constant 5 : i32
      %add3A_178 = arith.addi %add3A_164, %add3A_177 : i32
      %lt3A_179 = arith.constant 125 : i32
      %lt3A_180 = arith.cmpi slt, %add3A_178, %lt3A_179 : i32
      %convert_element_type3A_181 = arith.extui %lt3A_180 : i1 to i32
      %cond3A_182 = arith.constant 0 : i32
      %cond3A_183 = arith.cmpi ne, %convert_element_type3A_181, %cond3A_182 : i32
      scf.if %cond3A_183 {
        %dma_start3A_207 = arith.constant 3 : i32
        %dma_start3A_208 = arith.constant 0 : i32
        %dma_start3A_209 = arith.constant 0 : i32
        %dma_start3A_210 = tpu.memref_slice %arg7[%dma_start3A_207, %dma_start3A_208, %dma_start3A_209] : memref<5x80x128xbf16, #tpu.memory_space<vmem>> -> memref<1x80x128xbf16, #tpu.memory_space<vmem>>
        %dma_start3A_211 = tpu.memref_squeeze %dma_start3A_210 : memref<1x80x128xbf16, #tpu.memory_space<vmem>> -> memref<80x128xbf16, #tpu.memory_space<vmem>>
        %dma_start3A_212 = arith.constant 0 : i32
        %dma_start3A_213 = tpu.memref_slice %arg5[%add3A_178, %dma_start3A_212] : memref<125x80xi32, #tpu.memory_space<vmem>> -> memref<1x80xi32, #tpu.memory_space<vmem>>
        %dma_start3A_214 = tpu.memref_squeeze %dma_start3A_213 : memref<1x80xi32, #tpu.memory_space<vmem>> -> memref<80xi32, #tpu.memory_space<vmem>>
        %dma_start3A_215 = arith.constant 0 : i32
        %dma_start3A_216 = arith.constant 0 : i32
        %dma_start3A_217 = tpu.memref_slice %arg2[%dma_start3A_215, %dma_start3A_216] : memref<10000x128xbf16, #tpu.memory_space<hbm>> -> memref<10000x128xbf16, #tpu.memory_space<hbm>>
        tpu.enqueue_indirect_dma source(%dma_start3A_217 : memref<10000x128xbf16, #tpu.memory_space<hbm>>) target(%dma_start3A_211 : memref<80x128xbf16, #tpu.memory_space<vmem>>) offsets(%dma_start3A_214 : memref<80xi32, #tpu.memory_space<vmem>>) semaphore(%arg13 : memref<!tpu.dma_semaphore, #tpu.memory_space<semaphore_mem>>)
      } else {
      }
      %mul3A_184 = arith.constant 5 : i32
      %mul3A_185 = arith.muli %scan3A_95, %mul3A_184 : i32
      %add3A_186 = arith.constant 4 : i32
      %add3A_187 = arith.addi %mul3A_185, %add3A_186 : i32
      %dma_wait3A_188 = arith.constant 4 : i32
      %dma_wait3A_189 = arith.constant 0 : i32
      %dma_wait3A_190 = arith.constant 0 : i32
      %dma_wait3A_191 = tpu.memref_slice %arg7[%dma_wait3A_188, %dma_wait3A_189, %dma_wait3A_190] : memref<5x80x128xbf16, #tpu.memory_space<vmem>> -> memref<1x80x128xbf16, #tpu.memory_space<vmem>>
      %dma_wait3A_192 = tpu.memref_squeeze %dma_wait3A_191 : memref<1x80x128xbf16, #tpu.memory_space<vmem>> -> memref<80x128xbf16, #tpu.memory_space<vmem>>
      %dma_wait3A_193 = arith.constant 0 : i32
      %dma_wait3A_194 = tpu.memref_slice %arg5[%add3A_187, %dma_wait3A_193] : memref<125x80xi32, #tpu.memory_space<vmem>> -> memref<1x80xi32, #tpu.memory_space<vmem>>
      %dma_wait3A_195 = tpu.memref_squeeze %dma_wait3A_194 : memref<1x80xi32, #tpu.memory_space<vmem>> -> memref<80xi32, #tpu.memory_space<vmem>>
      %dma_wait3A_196 = arith.constant 0 : i32
      %dma_wait3A_197 = arith.constant 0 : i32
      %dma_wait3A_198 = tpu.memref_slice %arg2[%dma_wait3A_196, %dma_wait3A_197] : memref<10000x128xbf16, #tpu.memory_space<hbm>> -> memref<10000x128xbf16, #tpu.memory_space<hbm>>
      tpu.wait_indirect_dma semaphore(%arg14 : memref<!tpu.dma_semaphore, #tpu.memory_space<semaphore_mem>>) src(%dma_wait3A_198 : memref<10000x128xbf16, #tpu.memory_space<hbm>>) dst(%dma_wait3A_192 : memref<80x128xbf16, #tpu.memory_space<vmem>>)
      %run_scoped3A_199 = arith.constant 4 : i32
      "tpu.region"() ({
        %run_scoped3A_207 = tpu.sem_alloc : memref<!tpu.dma_semaphore, #tpu.memory_space<semaphore_mem>>
        %dma_start3A_208 = arith.constant 0 : i32
        %dma_start3A_209 = arith.constant 0 : i32
        %dma_start3A_210 = tpu.memref_slice %arg7[%run_scoped3A_199, %dma_start3A_208, %dma_start3A_209] : memref<5x80x128xbf16, #tpu.memory_space<vmem>> -> memref<1x80x128xbf16, #tpu.memory_space<vmem>>
        %dma_start3A_211 = tpu.memref_squeeze %dma_start3A_210 : memref<1x80x128xbf16, #tpu.memory_space<vmem>> -> memref<80x128xbf16, #tpu.memory_space<vmem>>
        %dma_start3A_212 = arith.constant 0 : i32
        %dma_start3A_213 = tpu.memref_slice %arg6[%add3A_187, %dma_start3A_212] : memref<125x80xi32, #tpu.memory_space<vmem>> -> memref<1x80xi32, #tpu.memory_space<vmem>>
        %dma_start3A_214 = tpu.memref_squeeze %dma_start3A_213 : memref<1x80xi32, #tpu.memory_space<vmem>> -> memref<80xi32, #tpu.memory_space<vmem>>
        %dma_start3A_215 = arith.constant 0 : i32
        %dma_start3A_216 = arith.constant 0 : i32
        %dma_start3A_217 = tpu.memref_slice %arg9[%dma_start3A_215, %dma_start3A_216] : memref<10000x128xbf16, #tpu.memory_space<vmem_shared>> -> memref<10000x128xbf16, #tpu.memory_space<vmem_shared>>
        tpu.enqueue_indirect_dma source(%dma_start3A_211 : memref<80x128xbf16, #tpu.memory_space<vmem>>) target(%dma_start3A_217 : memref<10000x128xbf16, #tpu.memory_space<vmem_shared>>) offsets(%dma_start3A_214 : memref<80xi32, #tpu.memory_space<vmem>>) semaphore(%run_scoped3A_207 : memref<!tpu.dma_semaphore, #tpu.memory_space<semaphore_mem>>) {add = true}
        %dma_wait3A_218 = arith.constant 0 : i32
        %dma_wait3A_219 = arith.constant 0 : i32
        %dma_wait3A_220 = tpu.memref_slice %arg7[%run_scoped3A_199, %dma_wait3A_218, %dma_wait3A_219] : memref<5x80x128xbf16, #tpu.memory_space<vmem>> -> memref<1x80x128xbf16, #tpu.memory_space<vmem>>
        %dma_wait3A_221 = tpu.memref_squeeze %dma_wait3A_220 : memref<1x80x128xbf16, #tpu.memory_space<vmem>> -> memref<80x128xbf16, #tpu.memory_space<vmem>>
        %dma_wait3A_222 = arith.constant 0 : i32
        %dma_wait3A_223 = tpu.memref_slice %arg6[%add3A_187, %dma_wait3A_222] : memref<125x80xi32, #tpu.memory_space<vmem>> -> memref<1x80xi32, #tpu.memory_space<vmem>>
        %dma_wait3A_224 = tpu.memref_squeeze %dma_wait3A_223 : memref<1x80xi32, #tpu.memory_space<vmem>> -> memref<80xi32, #tpu.memory_space<vmem>>
        %dma_wait3A_225 = arith.constant 0 : i32
        %dma_wait3A_226 = arith.constant 0 : i32
        %dma_wait3A_227 = tpu.memref_slice %arg9[%dma_wait3A_225, %dma_wait3A_226] : memref<10000x128xbf16, #tpu.memory_space<vmem_shared>> -> memref<10000x128xbf16, #tpu.memory_space<vmem_shared>>
        tpu.wait_indirect_dma semaphore(%run_scoped3A_207 : memref<!tpu.dma_semaphore, #tpu.memory_space<semaphore_mem>>) src(%dma_wait3A_221 : memref<80x128xbf16, #tpu.memory_space<vmem>>) dst(%dma_wait3A_227 : memref<10000x128xbf16, #tpu.memory_space<vmem_shared>>)
        tpu.yield
      }) : () -> ()
      %add3A_200 = arith.constant 5 : i32
      %add3A_201 = arith.addi %add3A_187, %add3A_200 : i32
      %lt3A_202 = arith.constant 125 : i32
      %lt3A_203 = arith.cmpi slt, %add3A_201, %lt3A_202 : i32
      %convert_element_type3A_204 = arith.extui %lt3A_203 : i1 to i32
      %cond3A_205 = arith.constant 0 : i32
      %cond3A_206 = arith.cmpi ne, %convert_element_type3A_204, %cond3A_205 : i32
      scf.if %cond3A_206 {
        %dma_start3A_207 = arith.constant 4 : i32
        %dma_start3A_208 = arith.constant 0 : i32
        %dma_start3A_209 = arith.constant 0 : i32
        %dma_start3A_210 = tpu.memref_slice %arg7[%dma_start3A_207, %dma_start3A_208, %dma_start3A_209] : memref<5x80x128xbf16, #tpu.memory_space<vmem>> -> memref<1x80x128xbf16, #tpu.memory_space<vmem>>
        %dma_start3A_211 = tpu.memref_squeeze %dma_start3A_210 : memref<1x80x128xbf16, #tpu.memory_space<vmem>> -> memref<80x128xbf16, #tpu.memory_space<vmem>>
        %dma_start3A_212 = arith.constant 0 : i32
        %dma_start3A_213 = tpu.memref_slice %arg5[%add3A_201, %dma_start3A_212] : memref<125x80xi32, #tpu.memory_space<vmem>> -> memref<1x80xi32, #tpu.memory_space<vmem>>
        %dma_start3A_214 = tpu.memref_squeeze %dma_start3A_213 : memref<1x80xi32, #tpu.memory_space<vmem>> -> memref<80xi32, #tpu.memory_space<vmem>>
        %dma_start3A_215 = arith.constant 0 : i32
        %dma_start3A_216 = arith.constant 0 : i32
        %dma_start3A_217 = tpu.memref_slice %arg2[%dma_start3A_215, %dma_start3A_216] : memref<10000x128xbf16, #tpu.memory_space<hbm>> -> memref<10000x128xbf16, #tpu.memory_space<hbm>>
        tpu.enqueue_indirect_dma source(%dma_start3A_217 : memref<10000x128xbf16, #tpu.memory_space<hbm>>) target(%dma_start3A_211 : memref<80x128xbf16, #tpu.memory_space<vmem>>) offsets(%dma_start3A_214 : memref<80xi32, #tpu.memory_space<vmem>>) semaphore(%arg14 : memref<!tpu.dma_semaphore, #tpu.memory_space<semaphore_mem>>)
      } else {
      }
    }
    %scan3A_89 = arith.constant 25 : i32
    %barrier3A_90 = arith.constant 0 : index
    tpu.barrier barrier_id(%barrier3A_90)
    %mul3A_91 = arith.constant 625 : i32
    %mul3A_92 = arith.muli %arg1, %mul3A_91 : i32
    %mul3A_93 = arith.constant 625 : i32
    %mul3A_94 = arith.muli %arg1, %mul3A_93 : i32
    "tpu.region"() ({
      %run_scoped3A_95 = tpu.sem_alloc : memref<!tpu.dma_semaphore, #tpu.memory_space<semaphore_mem>>
      %dma_start3A_96 = arith.constant 0 : i32
      %dma_start3A_97 = tpu.memref_slice %arg4[%arg0, %mul3A_94, %dma_start3A_96] : memref<2x10000x128xbf16, #tpu.memory_space<hbm>> -> memref<1x625x128xbf16, #tpu.memory_space<hbm>>
      %dma_start3A_98 = tpu.memref_squeeze %dma_start3A_97 : memref<1x625x128xbf16, #tpu.memory_space<hbm>> -> memref<625x128xbf16, #tpu.memory_space<hbm>>
      %dma_start3A_99 = arith.constant 0 : i32
      %dma_start3A_100 = tpu.memref_slice %arg9[%mul3A_92, %dma_start3A_99] : memref<10000x128xbf16, #tpu.memory_space<vmem_shared>> -> memref<625x128xbf16, #tpu.memory_space<vmem_shared>>
      tpu.enqueue_dma source(%dma_start3A_100 : memref<625x128xbf16, #tpu.memory_space<vmem_shared>>) target(%dma_start3A_98 : memref<625x128xbf16, #tpu.memory_space<hbm>>) target_semaphore(%run_scoped3A_95 : memref<!tpu.dma_semaphore, #tpu.memory_space<semaphore_mem>>)
      %dma_wait3A = arith.constant 0 : i32
      %dma_wait3A_101 = tpu.memref_slice %arg4[%arg0, %mul3A_94, %dma_wait3A] : memref<2x10000x128xbf16, #tpu.memory_space<hbm>> -> memref<1x625x128xbf16, #tpu.memory_space<hbm>>
      %dma_wait3A_102 = tpu.memref_squeeze %dma_wait3A_101 : memref<1x625x128xbf16, #tpu.memory_space<hbm>> -> memref<625x128xbf16, #tpu.memory_space<hbm>>
      %dma_wait3A_103 = arith.constant 0 : i32
      %dma_wait3A_104 = tpu.memref_slice %arg9[%mul3A_92, %dma_wait3A_103] : memref<10000x128xbf16, #tpu.memory_space<vmem_shared>> -> memref<625x128xbf16, #tpu.memory_space<vmem_shared>>
      tpu.wait_dma2 semaphore(%run_scoped3A_95 : memref<!tpu.dma_semaphore, #tpu.memory_space<semaphore_mem>>) src(%dma_wait3A_104 : memref<625x128xbf16, #tpu.memory_space<vmem_shared>>) dst(%dma_wait3A_102 : memref<625x128xbf16, #tpu.memory_space<hbm>>)
      tpu.yield
    }) : () -> ()
    return
  }
}

#map = affine_map<(d0, d1) -> (0, 0)>
#map1 = affine_map<(d0, d1) -> (0, 0, 0, 0)>
#map2 = affine_map<(d0, d1) -> (0, 0, 0)>
module attributes {stable_mosaic.version = 14 : i64} {
  func.func @_sc_agg(%arg0: i32, %arg1: i32, %arg2: memref<10000x128xbf16, #tpu.memory_space<hbm>>, %arg3: memref<2x32x125x80xi32, #tpu.memory_space<hbm>>, %arg4: memref<2x10000x128xbf16, #tpu.memory_space<hbm>>, %arg5: memref<125x80xi32, #tpu.memory_space<vmem>>, %arg6: memref<125x80xi32, #tpu.memory_space<vmem>>, %arg7: memref<5x80x128xbf16, #tpu.memory_space<vmem>>, %arg8: memref<125x128xbf16, #tpu.memory_space<vmem>>, %arg9: memref<10000x128xbf16, #tpu.memory_space<vmem_shared>>, %arg10: memref<!tpu.dma_semaphore, #tpu.memory_space<semaphore_mem>>, %arg11: memref<!tpu.dma_semaphore, #tpu.memory_space<semaphore_mem>>, %arg12: memref<!tpu.dma_semaphore, #tpu.memory_space<semaphore_mem>>, %arg13: memref<!tpu.dma_semaphore, #tpu.memory_space<semaphore_mem>>, %arg14: memref<!tpu.dma_semaphore, #tpu.memory_space<semaphore_mem>>) attributes {dimension_semantics = [#tpu.dimension_semantics<core_parallel>, #tpu.dimension_semantics<subcore_parallel>], iteration_bounds = array<i64: 2, 16>, scalar_prefetch = 0 : i64, scratch_operands = 10 : i64, tpu.core_type = #tpu.core_type<sc_vector_subcore>, window_params = [{transform_indices = #map}, {transform_indices = #map1}, {transform_indices = #map2}]} {
    %mul3A = arith.constant 2 : i32
    %mul3A_0 = arith.muli %arg1, %mul3A : i32
    %add3A = arith.addi %mul3A_0, %arg0 : i32
    %scan3A = arith.constant 0 : i32
    %scan3A_1 = arith.constant 125 : i32
    %scan3A_2 = arith.addi %scan3A, %scan3A_1 : i32
    %scan3A_3 = arith.constant 1 : i32
    scf.for %scan3A_95 = %scan3A to %scan3A_2 step %scan3A_3  : i32 {
      %broadcast_in_dim3A = arith.constant 0.000000e+00 : bf16
      %broadcast_in_dim3A_96 = vector.broadcast %broadcast_in_dim3A : bf16 to vector<32xbf16>
      %swap3A = arith.index_cast %scan3A_95 : i32 to index
      %swap3A_97 = arith.constant 0 : index
      %swap3A_98 = tpu.vector_load %arg8[%swap3A, %swap3A_97] {strides = array<i32>} : memref<125x128xbf16, #tpu.memory_space<vmem>>, vector<1x32xbf16>,
      %swap3A_99 = vector.shape_cast %swap3A_98 : vector<1x32xbf16> to vector<32xbf16>
      %swap3A_100 = vector.shape_cast %broadcast_in_dim3A_96 : vector<32xbf16> to vector<1x32xbf16>
      tpu.vector_store %arg8[%swap3A, %swap3A_97], %swap3A_100 {strides = array<i32>} : memref<125x128xbf16, #tpu.memory_space<vmem>>, vector<1x32xbf16>,
      %broadcast_in_dim3A_101 = arith.constant 0.000000e+00 : bf16
      %broadcast_in_dim3A_102 = vector.broadcast %broadcast_in_dim3A_101 : bf16 to vector<32xbf16>
      %swap3A_103 = arith.index_cast %scan3A_95 : i32 to index
      %swap3A_104 = arith.constant 32 : index
      %swap3A_105 = tpu.vector_load %arg8[%swap3A_103, %swap3A_104] {strides = array<i32>} : memref<125x128xbf16, #tpu.memory_space<vmem>>, vector<1x32xbf16>,
      %swap3A_106 = vector.shape_cast %swap3A_105 : vector<1x32xbf16> to vector<32xbf16>
      %swap3A_107 = vector.shape_cast %broadcast_in_dim3A_102 : vector<32xbf16> to vector<1x32xbf16>
      tpu.vector_store %arg8[%swap3A_103, %swap3A_104], %swap3A_107 {strides = array<i32>} : memref<125x128xbf16, #tpu.memory_space<vmem>>, vector<1x32xbf16>,
      %broadcast_in_dim3A_108 = arith.constant 0.000000e+00 : bf16
      %broadcast_in_dim3A_109 = vector.broadcast %broadcast_in_dim3A_108 : bf16 to vector<32xbf16>
      %swap3A_110 = arith.index_cast %scan3A_95 : i32 to index
      %swap3A_111 = arith.constant 64 : index
      %swap3A_112 = tpu.vector_load %arg8[%swap3A_110, %swap3A_111] {strides = array<i32>} : memref<125x128xbf16, #tpu.memory_space<vmem>>, vector<1x32xbf16>,
      %swap3A_113 = vector.shape_cast %swap3A_112 : vector<1x32xbf16> to vector<32xbf16>
      %swap3A_114 = vector.shape_cast %broadcast_in_dim3A_109 : vector<32xbf16> to vector<1x32xbf16>
      tpu.vector_store %arg8[%swap3A_110, %swap3A_111], %swap3A_114 {strides = array<i32>} : memref<125x128xbf16, #tpu.memory_space<vmem>>, vector<1x32xbf16>,
      %broadcast_in_dim3A_115 = arith.constant 0.000000e+00 : bf16
      %broadcast_in_dim3A_116 = vector.broadcast %broadcast_in_dim3A_115 : bf16 to vector<32xbf16>
      %swap3A_117 = arith.index_cast %scan3A_95 : i32 to index
      %swap3A_118 = arith.constant 96 : index
      %swap3A_119 = tpu.vector_load %arg8[%swap3A_117, %swap3A_118] {strides = array<i32>} : memref<125x128xbf16, #tpu.memory_space<vmem>>, vector<1x32xbf16>,
      %swap3A_120 = vector.shape_cast %swap3A_119 : vector<1x32xbf16> to vector<32xbf16>
      %swap3A_121 = vector.shape_cast %broadcast_in_dim3A_116 : vector<32xbf16> to vector<1x32xbf16>
      tpu.vector_store %arg8[%swap3A_117, %swap3A_118], %swap3A_121 {strides = array<i32>} : memref<125x128xbf16, #tpu.memory_space<vmem>>, vector<1x32xbf16>,
    }
    %scan3A_4 = arith.constant 125 : i32
    %mul3A_5 = arith.constant 625 : i32
    %mul3A_6 = arith.muli %arg1, %mul3A_5 : i32
    %add3A_7 = arith.constant 0 : i32
    %add3A_8 = arith.addi %mul3A_6, %add3A_7 : i32
    "tpu.region"() ({
      %run_scoped3A_95 = tpu.sem_alloc : memref<!tpu.dma_semaphore, #tpu.memory_space<semaphore_mem>>
      %dma_start3A_96 = arith.constant 0 : i32
      %dma_start3A_97 = tpu.memref_slice %arg9[%add3A_8, %dma_start3A_96] : memref<10000x128xbf16, #tpu.memory_space<vmem_shared>> -> memref<125x128xbf16, #tpu.memory_space<vmem_shared>>
      %dma_start3A_98 = arith.constant 0 : i32
      %dma_start3A_99 = tpu.memref_slice %arg9[%add3A_8, %dma_start3A_98] : memref<10000x128xbf16, #tpu.memory_space<vmem_shared>> -> memref<125x128xbf16, #tpu.memory_space<vmem_shared>>
      tpu.enqueue_dma source(%arg8 : memref<125x128xbf16, #tpu.memory_space<vmem>>) target(%dma_start3A_99 : memref<125x128xbf16, #tpu.memory_space<vmem_shared>>) target_semaphore(%run_scoped3A_95 : memref<!tpu.dma_semaphore, #tpu.memory_space<semaphore_mem>>)
      %dma_wait3A = arith.constant 0 : i32
      %dma_wait3A_100 = tpu.memref_slice %arg9[%add3A_8, %dma_wait3A] : memref<10000x128xbf16, #tpu.memory_space<vmem_shared>> -> memref<125x128xbf16, #tpu.memory_space<vmem_shared>>
      %dma_wait3A_101 = arith.constant 0 : i32
      %dma_wait3A_102 = tpu.memref_slice %arg9[%add3A_8, %dma_wait3A_101] : memref<10000x128xbf16, #tpu.memory_space<vmem_shared>> -> memref<125x128xbf16, #tpu.memory_space<vmem_shared>>
      tpu.wait_dma2 semaphore(%run_scoped3A_95 : memref<!tpu.dma_semaphore, #tpu.memory_space<semaphore_mem>>) src(%arg8 : memref<125x128xbf16, #tpu.memory_space<vmem>>) dst(%dma_wait3A_102 : memref<125x128xbf16, #tpu.memory_space<vmem_shared>>)
      tpu.yield
    }) : () -> ()
    %mul3A_9 = arith.constant 625 : i32
    %mul3A_10 = arith.muli %arg1, %mul3A_9 : i32
    %add3A_11 = arith.constant 125 : i32
    %add3A_12 = arith.addi %mul3A_10, %add3A_11 : i32
    "tpu.region"() ({
      %run_scoped3A_95 = tpu.sem_alloc : memref<!tpu.dma_semaphore, #tpu.memory_space<semaphore_mem>>
      %dma_start3A_96 = arith.constant 0 : i32
      %dma_start3A_97 = tpu.memref_slice %arg9[%add3A_12, %dma_start3A_96] : memref<10000x128xbf16, #tpu.memory_space<vmem_shared>> -> memref<125x128xbf16, #tpu.memory_space<vmem_shared>>
      %dma_start3A_98 = arith.constant 0 : i32
      %dma_start3A_99 = tpu.memref_slice %arg9[%add3A_12, %dma_start3A_98] : memref<10000x128xbf16, #tpu.memory_space<vmem_shared>> -> memref<125x128xbf16, #tpu.memory_space<vmem_shared>>
      tpu.enqueue_dma source(%arg8 : memref<125x128xbf16, #tpu.memory_space<vmem>>) target(%dma_start3A_99 : memref<125x128xbf16, #tpu.memory_space<vmem_shared>>) target_semaphore(%run_scoped3A_95 : memref<!tpu.dma_semaphore, #tpu.memory_space<semaphore_mem>>)
      %dma_wait3A = arith.constant 0 : i32
      %dma_wait3A_100 = tpu.memref_slice %arg9[%add3A_12, %dma_wait3A] : memref<10000x128xbf16, #tpu.memory_space<vmem_shared>> -> memref<125x128xbf16, #tpu.memory_space<vmem_shared>>
      %dma_wait3A_101 = arith.constant 0 : i32
      %dma_wait3A_102 = tpu.memref_slice %arg9[%add3A_12, %dma_wait3A_101] : memref<10000x128xbf16, #tpu.memory_space<vmem_shared>> -> memref<125x128xbf16, #tpu.memory_space<vmem_shared>>
      tpu.wait_dma2 semaphore(%run_scoped3A_95 : memref<!tpu.dma_semaphore, #tpu.memory_space<semaphore_mem>>) src(%arg8 : memref<125x128xbf16, #tpu.memory_space<vmem>>) dst(%dma_wait3A_102 : memref<125x128xbf16, #tpu.memory_space<vmem_shared>>)
      tpu.yield
    }) : () -> ()
    %mul3A_13 = arith.constant 625 : i32
    %mul3A_14 = arith.muli %arg1, %mul3A_13 : i32
    %add3A_15 = arith.constant 250 : i32
    %add3A_16 = arith.addi %mul3A_14, %add3A_15 : i32
    "tpu.region"() ({
      %run_scoped3A_95 = tpu.sem_alloc : memref<!tpu.dma_semaphore, #tpu.memory_space<semaphore_mem>>
      %dma_start3A_96 = arith.constant 0 : i32
      %dma_start3A_97 = tpu.memref_slice %arg9[%add3A_16, %dma_start3A_96] : memref<10000x128xbf16, #tpu.memory_space<vmem_shared>> -> memref<125x128xbf16, #tpu.memory_space<vmem_shared>>
      %dma_start3A_98 = arith.constant 0 : i32
      %dma_start3A_99 = tpu.memref_slice %arg9[%add3A_16, %dma_start3A_98] : memref<10000x128xbf16, #tpu.memory_space<vmem_shared>> -> memref<125x128xbf16, #tpu.memory_space<vmem_shared>>
      tpu.enqueue_dma source(%arg8 : memref<125x128xbf16, #tpu.memory_space<vmem>>) target(%dma_start3A_99 : memref<125x128xbf16, #tpu.memory_space<vmem_shared>>) target_semaphore(%run_scoped3A_95 : memref<!tpu.dma_semaphore, #tpu.memory_space<semaphore_mem>>)
      %dma_wait3A = arith.constant 0 : i32
      %dma_wait3A_100 = tpu.memref_slice %arg9[%add3A_16, %dma_wait3A] : memref<10000x128xbf16, #tpu.memory_space<vmem_shared>> -> memref<125x128xbf16, #tpu.memory_space<vmem_shared>>
      %dma_wait3A_101 = arith.constant 0 : i32
      %dma_wait3A_102 = tpu.memref_slice %arg9[%add3A_16, %dma_wait3A_101] : memref<10000x128xbf16, #tpu.memory_space<vmem_shared>> -> memref<125x128xbf16, #tpu.memory_space<vmem_shared>>
      tpu.wait_dma2 semaphore(%run_scoped3A_95 : memref<!tpu.dma_semaphore, #tpu.memory_space<semaphore_mem>>) src(%arg8 : memref<125x128xbf16, #tpu.memory_space<vmem>>) dst(%dma_wait3A_102 : memref<125x128xbf16, #tpu.memory_space<vmem_shared>>)
      tpu.yield
    }) : () -> ()
    %mul3A_17 = arith.constant 625 : i32
    %mul3A_18 = arith.muli %arg1, %mul3A_17 : i32
    %add3A_19 = arith.constant 375 : i32
    %add3A_20 = arith.addi %mul3A_18, %add3A_19 : i32
    "tpu.region"() ({
      %run_scoped3A_95 = tpu.sem_alloc : memref<!tpu.dma_semaphore, #tpu.memory_space<semaphore_mem>>
      %dma_start3A_96 = arith.constant 0 : i32
      %dma_start3A_97 = tpu.memref_slice %arg9[%add3A_20, %dma_start3A_96] : memref<10000x128xbf16, #tpu.memory_space<vmem_shared>> -> memref<125x128xbf16, #tpu.memory_space<vmem_shared>>
      %dma_start3A_98 = arith.constant 0 : i32
      %dma_start3A_99 = tpu.memref_slice %arg9[%add3A_20, %dma_start3A_98] : memref<10000x128xbf16, #tpu.memory_space<vmem_shared>> -> memref<125x128xbf16, #tpu.memory_space<vmem_shared>>
      tpu.enqueue_dma source(%arg8 : memref<125x128xbf16, #tpu.memory_space<vmem>>) target(%dma_start3A_99 : memref<125x128xbf16, #tpu.memory_space<vmem_shared>>) target_semaphore(%run_scoped3A_95 : memref<!tpu.dma_semaphore, #tpu.memory_space<semaphore_mem>>)
      %dma_wait3A = arith.constant 0 : i32
      %dma_wait3A_100 = tpu.memref_slice %arg9[%add3A_20, %dma_wait3A] : memref<10000x128xbf16, #tpu.memory_space<vmem_shared>> -> memref<125x128xbf16, #tpu.memory_space<vmem_shared>>
      %dma_wait3A_101 = arith.constant 0 : i32
      %dma_wait3A_102 = tpu.memref_slice %arg9[%add3A_20, %dma_wait3A_101] : memref<10000x128xbf16, #tpu.memory_space<vmem_shared>> -> memref<125x128xbf16, #tpu.memory_space<vmem_shared>>
      tpu.wait_dma2 semaphore(%run_scoped3A_95 : memref<!tpu.dma_semaphore, #tpu.memory_space<semaphore_mem>>) src(%arg8 : memref<125x128xbf16, #tpu.memory_space<vmem>>) dst(%dma_wait3A_102 : memref<125x128xbf16, #tpu.memory_space<vmem_shared>>)
      tpu.yield
    }) : () -> ()
    %mul3A_21 = arith.constant 625 : i32
    %mul3A_22 = arith.muli %arg1, %mul3A_21 : i32
    %add3A_23 = arith.constant 500 : i32
    %add3A_24 = arith.addi %mul3A_22, %add3A_23 : i32
    "tpu.region"() ({
      %run_scoped3A_95 = tpu.sem_alloc : memref<!tpu.dma_semaphore, #tpu.memory_space<semaphore_mem>>
      %dma_start3A_96 = arith.constant 0 : i32
      %dma_start3A_97 = tpu.memref_slice %arg9[%add3A_24, %dma_start3A_96] : memref<10000x128xbf16, #tpu.memory_space<vmem_shared>> -> memref<125x128xbf16, #tpu.memory_space<vmem_shared>>
      %dma_start3A_98 = arith.constant 0 : i32
      %dma_start3A_99 = tpu.memref_slice %arg9[%add3A_24, %dma_start3A_98] : memref<10000x128xbf16, #tpu.memory_space<vmem_shared>> -> memref<125x128xbf16, #tpu.memory_space<vmem_shared>>
      tpu.enqueue_dma source(%arg8 : memref<125x128xbf16, #tpu.memory_space<vmem>>) target(%dma_start3A_99 : memref<125x128xbf16, #tpu.memory_space<vmem_shared>>) target_semaphore(%run_scoped3A_95 : memref<!tpu.dma_semaphore, #tpu.memory_space<semaphore_mem>>)
      %dma_wait3A = arith.constant 0 : i32
      %dma_wait3A_100 = tpu.memref_slice %arg9[%add3A_24, %dma_wait3A] : memref<10000x128xbf16, #tpu.memory_space<vmem_shared>> -> memref<125x128xbf16, #tpu.memory_space<vmem_shared>>
      %dma_wait3A_101 = arith.constant 0 : i32
      %dma_wait3A_102 = tpu.memref_slice %arg9[%add3A_24, %dma_wait3A_101] : memref<10000x128xbf16, #tpu.memory_space<vmem_shared>> -> memref<125x128xbf16, #tpu.memory_space<vmem_shared>>
      tpu.wait_dma2 semaphore(%run_scoped3A_95 : memref<!tpu.dma_semaphore, #tpu.memory_space<semaphore_mem>>) src(%arg8 : memref<125x128xbf16, #tpu.memory_space<vmem>>) dst(%dma_wait3A_102 : memref<125x128xbf16, #tpu.memory_space<vmem_shared>>)
      tpu.yield
    }) : () -> ()
    %run_scoped3A = arith.constant 0 : i32
    "tpu.region"() ({
      %run_scoped3A_95 = tpu.sem_alloc : memref<!tpu.dma_semaphore, #tpu.memory_space<semaphore_mem>>
      %dma_start3A_96 = arith.constant 0 : i32
      %dma_start3A_97 = arith.constant 0 : i32
      %dma_start3A_98 = tpu.memref_slice %arg3[%run_scoped3A, %add3A, %dma_start3A_96, %dma_start3A_97] : memref<2x32x125x80xi32, #tpu.memory_space<hbm>> -> memref<1x1x125x80xi32, #tpu.memory_space<hbm>>
      %dma_start3A_99 = tpu.memref_squeeze %dma_start3A_98 : memref<1x1x125x80xi32, #tpu.memory_space<hbm>> -> memref<125x80xi32, #tpu.memory_space<hbm>>
      %dma_start3A_100 = arith.constant 0 : i32
      %dma_start3A_101 = arith.constant 0 : i32
      %dma_start3A_102 = tpu.memref_slice %arg3[%run_scoped3A, %add3A, %dma_start3A_100, %dma_start3A_101] : memref<2x32x125x80xi32, #tpu.memory_space<hbm>> -> memref<1x1x125x80xi32, #tpu.memory_space<hbm>>
      %dma_start3A_103 = tpu.memref_squeeze %dma_start3A_102 : memref<1x1x125x80xi32, #tpu.memory_space<hbm>> -> memref<125x80xi32, #tpu.memory_space<hbm>>
      tpu.enqueue_dma source(%dma_start3A_103 : memref<125x80xi32, #tpu.memory_space<hbm>>) target(%arg5 : memref<125x80xi32, #tpu.memory_space<vmem>>) target_semaphore(%run_scoped3A_95 : memref<!tpu.dma_semaphore, #tpu.memory_space<semaphore_mem>>)
      %dma_wait3A = arith.constant 0 : i32
      %dma_wait3A_104 = arith.constant 0 : i32
      %dma_wait3A_105 = tpu.memref_slice %arg3[%run_scoped3A, %add3A, %dma_wait3A, %dma_wait3A_104] : memref<2x32x125x80xi32, #tpu.memory_space<hbm>> -> memref<1x1x125x80xi32, #tpu.memory_space<hbm>>
      %dma_wait3A_106 = tpu.memref_squeeze %dma_wait3A_105 : memref<1x1x125x80xi32, #tpu.memory_space<hbm>> -> memref<125x80xi32, #tpu.memory_space<hbm>>
      %dma_wait3A_107 = arith.constant 0 : i32
      %dma_wait3A_108 = arith.constant 0 : i32
      %dma_wait3A_109 = tpu.memref_slice %arg3[%run_scoped3A, %add3A, %dma_wait3A_107, %dma_wait3A_108] : memref<2x32x125x80xi32, #tpu.memory_space<hbm>> -> memref<1x1x125x80xi32, #tpu.memory_space<hbm>>
      %dma_wait3A_110 = tpu.memref_squeeze %dma_wait3A_109 : memref<1x1x125x80xi32, #tpu.memory_space<hbm>> -> memref<125x80xi32, #tpu.memory_space<hbm>>
      tpu.wait_dma2 semaphore(%run_scoped3A_95 : memref<!tpu.dma_semaphore, #tpu.memory_space<semaphore_mem>>) src(%dma_wait3A_110 : memref<125x80xi32, #tpu.memory_space<hbm>>) dst(%arg5 : memref<125x80xi32, #tpu.memory_space<vmem>>)
      tpu.yield
    }) : () -> ()
    %run_scoped3A_25 = arith.constant 1 : i32
    "tpu.region"() ({
      %run_scoped3A_95 = tpu.sem_alloc : memref<!tpu.dma_semaphore, #tpu.memory_space<semaphore_mem>>
      %dma_start3A_96 = arith.constant 0 : i32
      %dma_start3A_97 = arith.constant 0 : i32
      %dma_start3A_98 = tpu.memref_slice %arg3[%run_scoped3A_25, %add3A, %dma_start3A_96, %dma_start3A_97] : memref<2x32x125x80xi32, #tpu.memory_space<hbm>> -> memref<1x1x125x80xi32, #tpu.memory_space<hbm>>
      %dma_start3A_99 = tpu.memref_squeeze %dma_start3A_98 : memref<1x1x125x80xi32, #tpu.memory_space<hbm>> -> memref<125x80xi32, #tpu.memory_space<hbm>>
      %dma_start3A_100 = arith.constant 0 : i32
      %dma_start3A_101 = arith.constant 0 : i32
      %dma_start3A_102 = tpu.memref_slice %arg3[%run_scoped3A_25, %add3A, %dma_start3A_100, %dma_start3A_101] : memref<2x32x125x80xi32, #tpu.memory_space<hbm>> -> memref<1x1x125x80xi32, #tpu.memory_space<hbm>>
      %dma_start3A_103 = tpu.memref_squeeze %dma_start3A_102 : memref<1x1x125x80xi32, #tpu.memory_space<hbm>> -> memref<125x80xi32, #tpu.memory_space<hbm>>
      tpu.enqueue_dma source(%dma_start3A_103 : memref<125x80xi32, #tpu.memory_space<hbm>>) target(%arg6 : memref<125x80xi32, #tpu.memory_space<vmem>>) target_semaphore(%run_scoped3A_95 : memref<!tpu.dma_semaphore, #tpu.memory_space<semaphore_mem>>)
      %dma_wait3A = arith.constant 0 : i32
      %dma_wait3A_104 = arith.constant 0 : i32
      %dma_wait3A_105 = tpu.memref_slice %arg3[%run_scoped3A_25, %add3A, %dma_wait3A, %dma_wait3A_104] : memref<2x32x125x80xi32, #tpu.memory_space<hbm>> -> memref<1x1x125x80xi32, #tpu.memory_space<hbm>>
      %dma_wait3A_106 = tpu.memref_squeeze %dma_wait3A_105 : memref<1x1x125x80xi32, #tpu.memory_space<hbm>> -> memref<125x80xi32, #tpu.memory_space<hbm>>
      %dma_wait3A_107 = arith.constant 0 : i32
      %dma_wait3A_108 = arith.constant 0 : i32
      %dma_wait3A_109 = tpu.memref_slice %arg3[%run_scoped3A_25, %add3A, %dma_wait3A_107, %dma_wait3A_108] : memref<2x32x125x80xi32, #tpu.memory_space<hbm>> -> memref<1x1x125x80xi32, #tpu.memory_space<hbm>>
      %dma_wait3A_110 = tpu.memref_squeeze %dma_wait3A_109 : memref<1x1x125x80xi32, #tpu.memory_space<hbm>> -> memref<125x80xi32, #tpu.memory_space<hbm>>
      tpu.wait_dma2 semaphore(%run_scoped3A_95 : memref<!tpu.dma_semaphore, #tpu.memory_space<semaphore_mem>>) src(%dma_wait3A_110 : memref<125x80xi32, #tpu.memory_space<hbm>>) dst(%arg6 : memref<125x80xi32, #tpu.memory_space<vmem>>)
      tpu.yield
    }) : () -> ()
    %barrier3A = arith.constant 0 : index
    tpu.barrier barrier_id(%barrier3A)
    %dma_start3A = arith.constant 0 : i32
    %dma_start3A_26 = arith.constant 0 : i32
    %dma_start3A_27 = arith.constant 0 : i32
    %dma_start3A_28 = arith.constant 0 : i32
    %dma_start3A_29 = tpu.memref_slice %arg7[%dma_start3A_26, %dma_start3A_27, %dma_start3A_28] : memref<5x80x128xbf16, #tpu.memory_space<vmem>> -> memref<1x80x128xbf16, #tpu.memory_space<vmem>>
    %dma_start3A_30 = tpu.memref_squeeze %dma_start3A_29 : memref<1x80x128xbf16, #tpu.memory_space<vmem>> -> memref<80x128xbf16, #tpu.memory_space<vmem>>
    %dma_start3A_31 = arith.constant 0 : i32
    %dma_start3A_32 = tpu.memref_slice %arg5[%dma_start3A, %dma_start3A_31] : memref<125x80xi32, #tpu.memory_space<vmem>> -> memref<1x80xi32, #tpu.memory_space<vmem>>
    %dma_start3A_33 = tpu.memref_squeeze %dma_start3A_32 : memref<1x80xi32, #tpu.memory_space<vmem>> -> memref<80xi32, #tpu.memory_space<vmem>>
    %dma_start3A_34 = arith.constant 0 : i32
    %dma_start3A_35 = arith.constant 0 : i32
    %dma_start3A_36 = tpu.memref_slice %arg2[%dma_start3A_34, %dma_start3A_35] : memref<10000x128xbf16, #tpu.memory_space<hbm>> -> memref<10000x128xbf16, #tpu.memory_space<hbm>>
    tpu.enqueue_indirect_dma source(%dma_start3A_36 : memref<10000x128xbf16, #tpu.memory_space<hbm>>) target(%dma_start3A_30 : memref<80x128xbf16, #tpu.memory_space<vmem>>) offsets(%dma_start3A_33 : memref<80xi32, #tpu.memory_space<vmem>>) semaphore(%arg10 : memref<!tpu.dma_semaphore, #tpu.memory_space<semaphore_mem>>)
    %dma_start3A_37 = arith.constant 1 : i32
    %dma_start3A_38 = arith.constant 1 : i32
    %dma_start3A_39 = arith.constant 0 : i32
    %dma_start3A_40 = arith.constant 0 : i32
    %dma_start3A_41 = tpu.memref_slice %arg7[%dma_start3A_38, %dma_start3A_39, %dma_start3A_40] : memref<5x80x128xbf16, #tpu.memory_space<vmem>> -> memref<1x80x128xbf16, #tpu.memory_space<vmem>>
    %dma_start3A_42 = tpu.memref_squeeze %dma_start3A_41 : memref<1x80x128xbf16, #tpu.memory_space<vmem>> -> memref<80x128xbf16, #tpu.memory_space<vmem>>
    %dma_start3A_43 = arith.constant 0 : i32
    %dma_start3A_44 = tpu.memref_slice %arg5[%dma_start3A_37, %dma_start3A_43] : memref<125x80xi32, #tpu.memory_space<vmem>> -> memref<1x80xi32, #tpu.memory_space<vmem>>
    %dma_start3A_45 = tpu.memref_squeeze %dma_start3A_44 : memref<1x80xi32, #tpu.memory_space<vmem>> -> memref<80xi32, #tpu.memory_space<vmem>>
    %dma_start3A_46 = arith.constant 0 : i32
    %dma_start3A_47 = arith.constant 0 : i32
    %dma_start3A_48 = tpu.memref_slice %arg2[%dma_start3A_46, %dma_start3A_47] : memref<10000x128xbf16, #tpu.memory_space<hbm>> -> memref<10000x128xbf16, #tpu.memory_space<hbm>>
    tpu.enqueue_indirect_dma source(%dma_start3A_48 : memref<10000x128xbf16, #tpu.memory_space<hbm>>) target(%dma_start3A_42 : memref<80x128xbf16, #tpu.memory_space<vmem>>) offsets(%dma_start3A_45 : memref<80xi32, #tpu.memory_space<vmem>>) semaphore(%arg11 : memref<!tpu.dma_semaphore, #tpu.memory_space<semaphore_mem>>)
    %dma_start3A_49 = arith.constant 2 : i32
    %dma_start3A_50 = arith.constant 2 : i32
    %dma_start3A_51 = arith.constant 0 : i32
    %dma_start3A_52 = arith.constant 0 : i32
    %dma_start3A_53 = tpu.memref_slice %arg7[%dma_start3A_50, %dma_start3A_51, %dma_start3A_52] : memref<5x80x128xbf16, #tpu.memory_space<vmem>> -> memref<1x80x128xbf16, #tpu.memory_space<vmem>>
    %dma_start3A_54 = tpu.memref_squeeze %dma_start3A_53 : memref<1x80x128xbf16, #tpu.memory_space<vmem>> -> memref<80x128xbf16, #tpu.memory_space<vmem>>
    %dma_start3A_55 = arith.constant 0 : i32
    %dma_start3A_56 = tpu.memref_slice %arg5[%dma_start3A_49, %dma_start3A_55] : memref<125x80xi32, #tpu.memory_space<vmem>> -> memref<1x80xi32, #tpu.memory_space<vmem>>
    %dma_start3A_57 = tpu.memref_squeeze %dma_start3A_56 : memref<1x80xi32, #tpu.memory_space<vmem>> -> memref<80xi32, #tpu.memory_space<vmem>>
    %dma_start3A_58 = arith.constant 0 : i32
    %dma_start3A_59 = arith.constant 0 : i32
    %dma_start3A_60 = tpu.memref_slice %arg2[%dma_start3A_58, %dma_start3A_59] : memref<10000x128xbf16, #tpu.memory_space<hbm>> -> memref<10000x128xbf16, #tpu.memory_space<hbm>>
    tpu.enqueue_indirect_dma source(%dma_start3A_60 : memref<10000x128xbf16, #tpu.memory_space<hbm>>) target(%dma_start3A_54 : memref<80x128xbf16, #tpu.memory_space<vmem>>) offsets(%dma_start3A_57 : memref<80xi32, #tpu.memory_space<vmem>>) semaphore(%arg12 : memref<!tpu.dma_semaphore, #tpu.memory_space<semaphore_mem>>)
    %dma_start3A_61 = arith.constant 3 : i32
    %dma_start3A_62 = arith.constant 3 : i32
    %dma_start3A_63 = arith.constant 0 : i32
    %dma_start3A_64 = arith.constant 0 : i32
    %dma_start3A_65 = tpu.memref_slice %arg7[%dma_start3A_62, %dma_start3A_63, %dma_start3A_64] : memref<5x80x128xbf16, #tpu.memory_space<vmem>> -> memref<1x80x128xbf16, #tpu.memory_space<vmem>>
    %dma_start3A_66 = tpu.memref_squeeze %dma_start3A_65 : memref<1x80x128xbf16, #tpu.memory_space<vmem>> -> memref<80x128xbf16, #tpu.memory_space<vmem>>
    %dma_start3A_67 = arith.constant 0 : i32
    %dma_start3A_68 = tpu.memref_slice %arg5[%dma_start3A_61, %dma_start3A_67] : memref<125x80xi32, #tpu.memory_space<vmem>> -> memref<1x80xi32, #tpu.memory_space<vmem>>
    %dma_start3A_69 = tpu.memref_squeeze %dma_start3A_68 : memref<1x80xi32, #tpu.memory_space<vmem>> -> memref<80xi32, #tpu.memory_space<vmem>>
    %dma_start3A_70 = arith.constant 0 : i32
    %dma_start3A_71 = arith.constant 0 : i32
    %dma_start3A_72 = tpu.memref_slice %arg2[%dma_start3A_70, %dma_start3A_71] : memref<10000x128xbf16, #tpu.memory_space<hbm>> -> memref<10000x128xbf16, #tpu.memory_space<hbm>>
    tpu.enqueue_indirect_dma source(%dma_start3A_72 : memref<10000x128xbf16, #tpu.memory_space<hbm>>) target(%dma_start3A_66 : memref<80x128xbf16, #tpu.memory_space<vmem>>) offsets(%dma_start3A_69 : memref<80xi32, #tpu.memory_space<vmem>>) semaphore(%arg13 : memref<!tpu.dma_semaphore, #tpu.memory_space<semaphore_mem>>)
    %dma_start3A_73 = arith.constant 4 : i32
    %dma_start3A_74 = arith.constant 4 : i32
    %dma_start3A_75 = arith.constant 0 : i32
    %dma_start3A_76 = arith.constant 0 : i32
    %dma_start3A_77 = tpu.memref_slice %arg7[%dma_start3A_74, %dma_start3A_75, %dma_start3A_76] : memref<5x80x128xbf16, #tpu.memory_space<vmem>> -> memref<1x80x128xbf16, #tpu.memory_space<vmem>>
    %dma_start3A_78 = tpu.memref_squeeze %dma_start3A_77 : memref<1x80x128xbf16, #tpu.memory_space<vmem>> -> memref<80x128xbf16, #tpu.memory_space<vmem>>
    %dma_start3A_79 = arith.constant 0 : i32
    %dma_start3A_80 = tpu.memref_slice %arg5[%dma_start3A_73, %dma_start3A_79] : memref<125x80xi32, #tpu.memory_space<vmem>> -> memref<1x80xi32, #tpu.memory_space<vmem>>
    %dma_start3A_81 = tpu.memref_squeeze %dma_start3A_80 : memref<1x80xi32, #tpu.memory_space<vmem>> -> memref<80xi32, #tpu.memory_space<vmem>>
    %dma_start3A_82 = arith.constant 0 : i32
    %dma_start3A_83 = arith.constant 0 : i32
    %dma_start3A_84 = tpu.memref_slice %arg2[%dma_start3A_82, %dma_start3A_83] : memref<10000x128xbf16, #tpu.memory_space<hbm>> -> memref<10000x128xbf16, #tpu.memory_space<hbm>>
    tpu.enqueue_indirect_dma source(%dma_start3A_84 : memref<10000x128xbf16, #tpu.memory_space<hbm>>) target(%dma_start3A_78 : memref<80x128xbf16, #tpu.memory_space<vmem>>) offsets(%dma_start3A_81 : memref<80xi32, #tpu.memory_space<vmem>>) semaphore(%arg14 : memref<!tpu.dma_semaphore, #tpu.memory_space<semaphore_mem>>)
    %scan3A_85 = arith.constant 0 : i32
    %scan3A_86 = arith.constant 25 : i32
    %scan3A_87 = arith.addi %scan3A_85, %scan3A_86 : i32
    %scan3A_88 = arith.constant 1 : i32
    scf.for %scan3A_95 = %scan3A_85 to %scan3A_87 step %scan3A_88  : i32 {
      %mul3A_96 = arith.constant 5 : i32
      %mul3A_97 = arith.muli %scan3A_95, %mul3A_96 : i32
      %add3A_98 = arith.constant 0 : i32
      %add3A_99 = arith.addi %mul3A_97, %add3A_98 : i32
      %dma_wait3A = arith.constant 0 : i32
      %dma_wait3A_100 = arith.constant 0 : i32
      %dma_wait3A_101 = arith.constant 0 : i32
      %dma_wait3A_102 = tpu.memref_slice %arg7[%dma_wait3A, %dma_wait3A_100, %dma_wait3A_101] : memref<5x80x128xbf16, #tpu.memory_space<vmem>> -> memref<1x80x128xbf16, #tpu.memory_space<vmem>>
      %dma_wait3A_103 = tpu.memref_squeeze %dma_wait3A_102 : memref<1x80x128xbf16, #tpu.memory_space<vmem>> -> memref<80x128xbf16, #tpu.memory_space<vmem>>
      %dma_wait3A_104 = arith.constant 0 : i32
      %dma_wait3A_105 = tpu.memref_slice %arg5[%add3A_99, %dma_wait3A_104] : memref<125x80xi32, #tpu.memory_space<vmem>> -> memref<1x80xi32, #tpu.memory_space<vmem>>
      %dma_wait3A_106 = tpu.memref_squeeze %dma_wait3A_105 : memref<1x80xi32, #tpu.memory_space<vmem>> -> memref<80xi32, #tpu.memory_space<vmem>>
      %dma_wait3A_107 = arith.constant 0 : i32
      %dma_wait3A_108 = arith.constant 0 : i32
      %dma_wait3A_109 = tpu.memref_slice %arg2[%dma_wait3A_107, %dma_wait3A_108] : memref<10000x128xbf16, #tpu.memory_space<hbm>> -> memref<10000x128xbf16, #tpu.memory_space<hbm>>
      tpu.wait_indirect_dma semaphore(%arg10 : memref<!tpu.dma_semaphore, #tpu.memory_space<semaphore_mem>>) src(%dma_wait3A_109 : memref<10000x128xbf16, #tpu.memory_space<hbm>>) dst(%dma_wait3A_103 : memref<80x128xbf16, #tpu.memory_space<vmem>>)
      %run_scoped3A_110 = arith.constant 0 : i32
      "tpu.region"() ({
        %run_scoped3A_207 = tpu.sem_alloc : memref<!tpu.dma_semaphore, #tpu.memory_space<semaphore_mem>>
        %dma_start3A_208 = arith.constant 0 : i32
        %dma_start3A_209 = arith.constant 0 : i32
        %dma_start3A_210 = tpu.memref_slice %arg7[%run_scoped3A_110, %dma_start3A_208, %dma_start3A_209] : memref<5x80x128xbf16, #tpu.memory_space<vmem>> -> memref<1x80x128xbf16, #tpu.memory_space<vmem>>
        %dma_start3A_211 = tpu.memref_squeeze %dma_start3A_210 : memref<1x80x128xbf16, #tpu.memory_space<vmem>> -> memref<80x128xbf16, #tpu.memory_space<vmem>>
        %dma_start3A_212 = arith.constant 0 : i32
        %dma_start3A_213 = tpu.memref_slice %arg6[%add3A_99, %dma_start3A_212] : memref<125x80xi32, #tpu.memory_space<vmem>> -> memref<1x80xi32, #tpu.memory_space<vmem>>
        %dma_start3A_214 = tpu.memref_squeeze %dma_start3A_213 : memref<1x80xi32, #tpu.memory_space<vmem>> -> memref<80xi32, #tpu.memory_space<vmem>>
        %dma_start3A_215 = arith.constant 0 : i32
        %dma_start3A_216 = arith.constant 0 : i32
        %dma_start3A_217 = tpu.memref_slice %arg9[%dma_start3A_215, %dma_start3A_216] : memref<10000x128xbf16, #tpu.memory_space<vmem_shared>> -> memref<10000x128xbf16, #tpu.memory_space<vmem_shared>>
        tpu.enqueue_indirect_dma source(%dma_start3A_211 : memref<80x128xbf16, #tpu.memory_space<vmem>>) target(%dma_start3A_217 : memref<10000x128xbf16, #tpu.memory_space<vmem_shared>>) offsets(%dma_start3A_214 : memref<80xi32, #tpu.memory_space<vmem>>) semaphore(%run_scoped3A_207 : memref<!tpu.dma_semaphore, #tpu.memory_space<semaphore_mem>>) {add = true}
        %dma_wait3A_218 = arith.constant 0 : i32
        %dma_wait3A_219 = arith.constant 0 : i32
        %dma_wait3A_220 = tpu.memref_slice %arg7[%run_scoped3A_110, %dma_wait3A_218, %dma_wait3A_219] : memref<5x80x128xbf16, #tpu.memory_space<vmem>> -> memref<1x80x128xbf16, #tpu.memory_space<vmem>>
        %dma_wait3A_221 = tpu.memref_squeeze %dma_wait3A_220 : memref<1x80x128xbf16, #tpu.memory_space<vmem>> -> memref<80x128xbf16, #tpu.memory_space<vmem>>
        %dma_wait3A_222 = arith.constant 0 : i32
        %dma_wait3A_223 = tpu.memref_slice %arg6[%add3A_99, %dma_wait3A_222] : memref<125x80xi32, #tpu.memory_space<vmem>> -> memref<1x80xi32, #tpu.memory_space<vmem>>
        %dma_wait3A_224 = tpu.memref_squeeze %dma_wait3A_223 : memref<1x80xi32, #tpu.memory_space<vmem>> -> memref<80xi32, #tpu.memory_space<vmem>>
        %dma_wait3A_225 = arith.constant 0 : i32
        %dma_wait3A_226 = arith.constant 0 : i32
        %dma_wait3A_227 = tpu.memref_slice %arg9[%dma_wait3A_225, %dma_wait3A_226] : memref<10000x128xbf16, #tpu.memory_space<vmem_shared>> -> memref<10000x128xbf16, #tpu.memory_space<vmem_shared>>
        tpu.wait_indirect_dma semaphore(%run_scoped3A_207 : memref<!tpu.dma_semaphore, #tpu.memory_space<semaphore_mem>>) src(%dma_wait3A_221 : memref<80x128xbf16, #tpu.memory_space<vmem>>) dst(%dma_wait3A_227 : memref<10000x128xbf16, #tpu.memory_space<vmem_shared>>)
        tpu.yield
      }) : () -> ()
      %add3A_111 = arith.constant 5 : i32
      %add3A_112 = arith.addi %add3A_99, %add3A_111 : i32
      %lt3A = arith.constant 125 : i32
      %lt3A_113 = arith.cmpi slt, %add3A_112, %lt3A : i32
      %convert_element_type3A = arith.extui %lt3A_113 : i1 to i32
      %cond3A = arith.constant 0 : i32
      %cond3A_114 = arith.cmpi ne, %convert_element_type3A, %cond3A : i32
      scf.if %cond3A_114 {
        %dma_start3A_207 = arith.constant 0 : i32
        %dma_start3A_208 = arith.constant 0 : i32
        %dma_start3A_209 = arith.constant 0 : i32
        %dma_start3A_210 = tpu.memref_slice %arg7[%dma_start3A_207, %dma_start3A_208, %dma_start3A_209] : memref<5x80x128xbf16, #tpu.memory_space<vmem>> -> memref<1x80x128xbf16, #tpu.memory_space<vmem>>
        %dma_start3A_211 = tpu.memref_squeeze %dma_start3A_210 : memref<1x80x128xbf16, #tpu.memory_space<vmem>> -> memref<80x128xbf16, #tpu.memory_space<vmem>>
        %dma_start3A_212 = arith.constant 0 : i32
        %dma_start3A_213 = tpu.memref_slice %arg5[%add3A_112, %dma_start3A_212] : memref<125x80xi32, #tpu.memory_space<vmem>> -> memref<1x80xi32, #tpu.memory_space<vmem>>
        %dma_start3A_214 = tpu.memref_squeeze %dma_start3A_213 : memref<1x80xi32, #tpu.memory_space<vmem>> -> memref<80xi32, #tpu.memory_space<vmem>>
        %dma_start3A_215 = arith.constant 0 : i32
        %dma_start3A_216 = arith.constant 0 : i32
        %dma_start3A_217 = tpu.memref_slice %arg2[%dma_start3A_215, %dma_start3A_216] : memref<10000x128xbf16, #tpu.memory_space<hbm>> -> memref<10000x128xbf16, #tpu.memory_space<hbm>>
        tpu.enqueue_indirect_dma source(%dma_start3A_217 : memref<10000x128xbf16, #tpu.memory_space<hbm>>) target(%dma_start3A_211 : memref<80x128xbf16, #tpu.memory_space<vmem>>) offsets(%dma_start3A_214 : memref<80xi32, #tpu.memory_space<vmem>>) semaphore(%arg10 : memref<!tpu.dma_semaphore, #tpu.memory_space<semaphore_mem>>)
      } else {
      }
      %mul3A_115 = arith.constant 5 : i32
      %mul3A_116 = arith.muli %scan3A_95, %mul3A_115 : i32
      %add3A_117 = arith.constant 1 : i32
      %add3A_118 = arith.addi %mul3A_116, %add3A_117 : i32
      %dma_wait3A_119 = arith.constant 1 : i32
      %dma_wait3A_120 = arith.constant 0 : i32
      %dma_wait3A_121 = arith.constant 0 : i32
      %dma_wait3A_122 = tpu.memref_slice %arg7[%dma_wait3A_119, %dma_wait3A_120, %dma_wait3A_121] : memref<5x80x128xbf16, #tpu.memory_space<vmem>> -> memref<1x80x128xbf16, #tpu.memory_space<vmem>>
      %dma_wait3A_123 = tpu.memref_squeeze %dma_wait3A_122 : memref<1x80x128xbf16, #tpu.memory_space<vmem>> -> memref<80x128xbf16, #tpu.memory_space<vmem>>
      %dma_wait3A_124 = arith.constant 0 : i32
      %dma_wait3A_125 = tpu.memref_slice %arg5[%add3A_118, %dma_wait3A_124] : memref<125x80xi32, #tpu.memory_space<vmem>> -> memref<1x80xi32, #tpu.memory_space<vmem>>
      %dma_wait3A_126 = tpu.memref_squeeze %dma_wait3A_125 : memref<1x80xi32, #tpu.memory_space<vmem>> -> memref<80xi32, #tpu.memory_space<vmem>>
      %dma_wait3A_127 = arith.constant 0 : i32
      %dma_wait3A_128 = arith.constant 0 : i32
      %dma_wait3A_129 = tpu.memref_slice %arg2[%dma_wait3A_127, %dma_wait3A_128] : memref<10000x128xbf16, #tpu.memory_space<hbm>> -> memref<10000x128xbf16, #tpu.memory_space<hbm>>
      tpu.wait_indirect_dma semaphore(%arg11 : memref<!tpu.dma_semaphore, #tpu.memory_space<semaphore_mem>>) src(%dma_wait3A_129 : memref<10000x128xbf16, #tpu.memory_space<hbm>>) dst(%dma_wait3A_123 : memref<80x128xbf16, #tpu.memory_space<vmem>>)
      %run_scoped3A_130 = arith.constant 1 : i32
      "tpu.region"() ({
        %run_scoped3A_207 = tpu.sem_alloc : memref<!tpu.dma_semaphore, #tpu.memory_space<semaphore_mem>>
        %dma_start3A_208 = arith.constant 0 : i32
        %dma_start3A_209 = arith.constant 0 : i32
        %dma_start3A_210 = tpu.memref_slice %arg7[%run_scoped3A_130, %dma_start3A_208, %dma_start3A_209] : memref<5x80x128xbf16, #tpu.memory_space<vmem>> -> memref<1x80x128xbf16, #tpu.memory_space<vmem>>
        %dma_start3A_211 = tpu.memref_squeeze %dma_start3A_210 : memref<1x80x128xbf16, #tpu.memory_space<vmem>> -> memref<80x128xbf16, #tpu.memory_space<vmem>>
        %dma_start3A_212 = arith.constant 0 : i32
        %dma_start3A_213 = tpu.memref_slice %arg6[%add3A_118, %dma_start3A_212] : memref<125x80xi32, #tpu.memory_space<vmem>> -> memref<1x80xi32, #tpu.memory_space<vmem>>
        %dma_start3A_214 = tpu.memref_squeeze %dma_start3A_213 : memref<1x80xi32, #tpu.memory_space<vmem>> -> memref<80xi32, #tpu.memory_space<vmem>>
        %dma_start3A_215 = arith.constant 0 : i32
        %dma_start3A_216 = arith.constant 0 : i32
        %dma_start3A_217 = tpu.memref_slice %arg9[%dma_start3A_215, %dma_start3A_216] : memref<10000x128xbf16, #tpu.memory_space<vmem_shared>> -> memref<10000x128xbf16, #tpu.memory_space<vmem_shared>>
        tpu.enqueue_indirect_dma source(%dma_start3A_211 : memref<80x128xbf16, #tpu.memory_space<vmem>>) target(%dma_start3A_217 : memref<10000x128xbf16, #tpu.memory_space<vmem_shared>>) offsets(%dma_start3A_214 : memref<80xi32, #tpu.memory_space<vmem>>) semaphore(%run_scoped3A_207 : memref<!tpu.dma_semaphore, #tpu.memory_space<semaphore_mem>>) {add = true}
        %dma_wait3A_218 = arith.constant 0 : i32
        %dma_wait3A_219 = arith.constant 0 : i32
        %dma_wait3A_220 = tpu.memref_slice %arg7[%run_scoped3A_130, %dma_wait3A_218, %dma_wait3A_219] : memref<5x80x128xbf16, #tpu.memory_space<vmem>> -> memref<1x80x128xbf16, #tpu.memory_space<vmem>>
        %dma_wait3A_221 = tpu.memref_squeeze %dma_wait3A_220 : memref<1x80x128xbf16, #tpu.memory_space<vmem>> -> memref<80x128xbf16, #tpu.memory_space<vmem>>
        %dma_wait3A_222 = arith.constant 0 : i32
        %dma_wait3A_223 = tpu.memref_slice %arg6[%add3A_118, %dma_wait3A_222] : memref<125x80xi32, #tpu.memory_space<vmem>> -> memref<1x80xi32, #tpu.memory_space<vmem>>
        %dma_wait3A_224 = tpu.memref_squeeze %dma_wait3A_223 : memref<1x80xi32, #tpu.memory_space<vmem>> -> memref<80xi32, #tpu.memory_space<vmem>>
        %dma_wait3A_225 = arith.constant 0 : i32
        %dma_wait3A_226 = arith.constant 0 : i32
        %dma_wait3A_227 = tpu.memref_slice %arg9[%dma_wait3A_225, %dma_wait3A_226] : memref<10000x128xbf16, #tpu.memory_space<vmem_shared>> -> memref<10000x128xbf16, #tpu.memory_space<vmem_shared>>
        tpu.wait_indirect_dma semaphore(%run_scoped3A_207 : memref<!tpu.dma_semaphore, #tpu.memory_space<semaphore_mem>>) src(%dma_wait3A_221 : memref<80x128xbf16, #tpu.memory_space<vmem>>) dst(%dma_wait3A_227 : memref<10000x128xbf16, #tpu.memory_space<vmem_shared>>)
        tpu.yield
      }) : () -> ()
      %add3A_131 = arith.constant 5 : i32
      %add3A_132 = arith.addi %add3A_118, %add3A_131 : i32
      %lt3A_133 = arith.constant 125 : i32
      %lt3A_134 = arith.cmpi slt, %add3A_132, %lt3A_133 : i32
      %convert_element_type3A_135 = arith.extui %lt3A_134 : i1 to i32
      %cond3A_136 = arith.constant 0 : i32
      %cond3A_137 = arith.cmpi ne, %convert_element_type3A_135, %cond3A_136 : i32
      scf.if %cond3A_137 {
        %dma_start3A_207 = arith.constant 1 : i32
        %dma_start3A_208 = arith.constant 0 : i32
        %dma_start3A_209 = arith.constant 0 : i32
        %dma_start3A_210 = tpu.memref_slice %arg7[%dma_start3A_207, %dma_start3A_208, %dma_start3A_209] : memref<5x80x128xbf16, #tpu.memory_space<vmem>> -> memref<1x80x128xbf16, #tpu.memory_space<vmem>>
        %dma_start3A_211 = tpu.memref_squeeze %dma_start3A_210 : memref<1x80x128xbf16, #tpu.memory_space<vmem>> -> memref<80x128xbf16, #tpu.memory_space<vmem>>
        %dma_start3A_212 = arith.constant 0 : i32
        %dma_start3A_213 = tpu.memref_slice %arg5[%add3A_132, %dma_start3A_212] : memref<125x80xi32, #tpu.memory_space<vmem>> -> memref<1x80xi32, #tpu.memory_space<vmem>>
        %dma_start3A_214 = tpu.memref_squeeze %dma_start3A_213 : memref<1x80xi32, #tpu.memory_space<vmem>> -> memref<80xi32, #tpu.memory_space<vmem>>
        %dma_start3A_215 = arith.constant 0 : i32
        %dma_start3A_216 = arith.constant 0 : i32
        %dma_start3A_217 = tpu.memref_slice %arg2[%dma_start3A_215, %dma_start3A_216] : memref<10000x128xbf16, #tpu.memory_space<hbm>> -> memref<10000x128xbf16, #tpu.memory_space<hbm>>
        tpu.enqueue_indirect_dma source(%dma_start3A_217 : memref<10000x128xbf16, #tpu.memory_space<hbm>>) target(%dma_start3A_211 : memref<80x128xbf16, #tpu.memory_space<vmem>>) offsets(%dma_start3A_214 : memref<80xi32, #tpu.memory_space<vmem>>) semaphore(%arg11 : memref<!tpu.dma_semaphore, #tpu.memory_space<semaphore_mem>>)
      } else {
      }
      %mul3A_138 = arith.constant 5 : i32
      %mul3A_139 = arith.muli %scan3A_95, %mul3A_138 : i32
      %add3A_140 = arith.constant 2 : i32
      %add3A_141 = arith.addi %mul3A_139, %add3A_140 : i32
      %dma_wait3A_142 = arith.constant 2 : i32
      %dma_wait3A_143 = arith.constant 0 : i32
      %dma_wait3A_144 = arith.constant 0 : i32
      %dma_wait3A_145 = tpu.memref_slice %arg7[%dma_wait3A_142, %dma_wait3A_143, %dma_wait3A_144] : memref<5x80x128xbf16, #tpu.memory_space<vmem>> -> memref<1x80x128xbf16, #tpu.memory_space<vmem>>
      %dma_wait3A_146 = tpu.memref_squeeze %dma_wait3A_145 : memref<1x80x128xbf16, #tpu.memory_space<vmem>> -> memref<80x128xbf16, #tpu.memory_space<vmem>>
      %dma_wait3A_147 = arith.constant 0 : i32
      %dma_wait3A_148 = tpu.memref_slice %arg5[%add3A_141, %dma_wait3A_147] : memref<125x80xi32, #tpu.memory_space<vmem>> -> memref<1x80xi32, #tpu.memory_space<vmem>>
      %dma_wait3A_149 = tpu.memref_squeeze %dma_wait3A_148 : memref<1x80xi32, #tpu.memory_space<vmem>> -> memref<80xi32, #tpu.memory_space<vmem>>
      %dma_wait3A_150 = arith.constant 0 : i32
      %dma_wait3A_151 = arith.constant 0 : i32
      %dma_wait3A_152 = tpu.memref_slice %arg2[%dma_wait3A_150, %dma_wait3A_151] : memref<10000x128xbf16, #tpu.memory_space<hbm>> -> memref<10000x128xbf16, #tpu.memory_space<hbm>>
      tpu.wait_indirect_dma semaphore(%arg12 : memref<!tpu.dma_semaphore, #tpu.memory_space<semaphore_mem>>) src(%dma_wait3A_152 : memref<10000x128xbf16, #tpu.memory_space<hbm>>) dst(%dma_wait3A_146 : memref<80x128xbf16, #tpu.memory_space<vmem>>)
      %run_scoped3A_153 = arith.constant 2 : i32
      "tpu.region"() ({
        %run_scoped3A_207 = tpu.sem_alloc : memref<!tpu.dma_semaphore, #tpu.memory_space<semaphore_mem>>
        %dma_start3A_208 = arith.constant 0 : i32
        %dma_start3A_209 = arith.constant 0 : i32
        %dma_start3A_210 = tpu.memref_slice %arg7[%run_scoped3A_153, %dma_start3A_208, %dma_start3A_209] : memref<5x80x128xbf16, #tpu.memory_space<vmem>> -> memref<1x80x128xbf16, #tpu.memory_space<vmem>>
        %dma_start3A_211 = tpu.memref_squeeze %dma_start3A_210 : memref<1x80x128xbf16, #tpu.memory_space<vmem>> -> memref<80x128xbf16, #tpu.memory_space<vmem>>
        %dma_start3A_212 = arith.constant 0 : i32
        %dma_start3A_213 = tpu.memref_slice %arg6[%add3A_141, %dma_start3A_212] : memref<125x80xi32, #tpu.memory_space<vmem>> -> memref<1x80xi32, #tpu.memory_space<vmem>>
        %dma_start3A_214 = tpu.memref_squeeze %dma_start3A_213 : memref<1x80xi32, #tpu.memory_space<vmem>> -> memref<80xi32, #tpu.memory_space<vmem>>
        %dma_start3A_215 = arith.constant 0 : i32
        %dma_start3A_216 = arith.constant 0 : i32
        %dma_start3A_217 = tpu.memref_slice %arg9[%dma_start3A_215, %dma_start3A_216] : memref<10000x128xbf16, #tpu.memory_space<vmem_shared>> -> memref<10000x128xbf16, #tpu.memory_space<vmem_shared>>
        tpu.enqueue_indirect_dma source(%dma_start3A_211 : memref<80x128xbf16, #tpu.memory_space<vmem>>) target(%dma_start3A_217 : memref<10000x128xbf16, #tpu.memory_space<vmem_shared>>) offsets(%dma_start3A_214 : memref<80xi32, #tpu.memory_space<vmem>>) semaphore(%run_scoped3A_207 : memref<!tpu.dma_semaphore, #tpu.memory_space<semaphore_mem>>) {add = true}
        %dma_wait3A_218 = arith.constant 0 : i32
        %dma_wait3A_219 = arith.constant 0 : i32
        %dma_wait3A_220 = tpu.memref_slice %arg7[%run_scoped3A_153, %dma_wait3A_218, %dma_wait3A_219] : memref<5x80x128xbf16, #tpu.memory_space<vmem>> -> memref<1x80x128xbf16, #tpu.memory_space<vmem>>
        %dma_wait3A_221 = tpu.memref_squeeze %dma_wait3A_220 : memref<1x80x128xbf16, #tpu.memory_space<vmem>> -> memref<80x128xbf16, #tpu.memory_space<vmem>>
        %dma_wait3A_222 = arith.constant 0 : i32
        %dma_wait3A_223 = tpu.memref_slice %arg6[%add3A_141, %dma_wait3A_222] : memref<125x80xi32, #tpu.memory_space<vmem>> -> memref<1x80xi32, #tpu.memory_space<vmem>>
        %dma_wait3A_224 = tpu.memref_squeeze %dma_wait3A_223 : memref<1x80xi32, #tpu.memory_space<vmem>> -> memref<80xi32, #tpu.memory_space<vmem>>
        %dma_wait3A_225 = arith.constant 0 : i32
        %dma_wait3A_226 = arith.constant 0 : i32
        %dma_wait3A_227 = tpu.memref_slice %arg9[%dma_wait3A_225, %dma_wait3A_226] : memref<10000x128xbf16, #tpu.memory_space<vmem_shared>> -> memref<10000x128xbf16, #tpu.memory_space<vmem_shared>>
        tpu.wait_indirect_dma semaphore(%run_scoped3A_207 : memref<!tpu.dma_semaphore, #tpu.memory_space<semaphore_mem>>) src(%dma_wait3A_221 : memref<80x128xbf16, #tpu.memory_space<vmem>>) dst(%dma_wait3A_227 : memref<10000x128xbf16, #tpu.memory_space<vmem_shared>>)
        tpu.yield
      }) : () -> ()
      %add3A_154 = arith.constant 5 : i32
      %add3A_155 = arith.addi %add3A_141, %add3A_154 : i32
      %lt3A_156 = arith.constant 125 : i32
      %lt3A_157 = arith.cmpi slt, %add3A_155, %lt3A_156 : i32
      %convert_element_type3A_158 = arith.extui %lt3A_157 : i1 to i32
      %cond3A_159 = arith.constant 0 : i32
      %cond3A_160 = arith.cmpi ne, %convert_element_type3A_158, %cond3A_159 : i32
      scf.if %cond3A_160 {
        %dma_start3A_207 = arith.constant 2 : i32
        %dma_start3A_208 = arith.constant 0 : i32
        %dma_start3A_209 = arith.constant 0 : i32
        %dma_start3A_210 = tpu.memref_slice %arg7[%dma_start3A_207, %dma_start3A_208, %dma_start3A_209] : memref<5x80x128xbf16, #tpu.memory_space<vmem>> -> memref<1x80x128xbf16, #tpu.memory_space<vmem>>
        %dma_start3A_211 = tpu.memref_squeeze %dma_start3A_210 : memref<1x80x128xbf16, #tpu.memory_space<vmem>> -> memref<80x128xbf16, #tpu.memory_space<vmem>>
        %dma_start3A_212 = arith.constant 0 : i32
        %dma_start3A_213 = tpu.memref_slice %arg5[%add3A_155, %dma_start3A_212] : memref<125x80xi32, #tpu.memory_space<vmem>> -> memref<1x80xi32, #tpu.memory_space<vmem>>
        %dma_start3A_214 = tpu.memref_squeeze %dma_start3A_213 : memref<1x80xi32, #tpu.memory_space<vmem>> -> memref<80xi32, #tpu.memory_space<vmem>>
        %dma_start3A_215 = arith.constant 0 : i32
        %dma_start3A_216 = arith.constant 0 : i32
        %dma_start3A_217 = tpu.memref_slice %arg2[%dma_start3A_215, %dma_start3A_216] : memref<10000x128xbf16, #tpu.memory_space<hbm>> -> memref<10000x128xbf16, #tpu.memory_space<hbm>>
        tpu.enqueue_indirect_dma source(%dma_start3A_217 : memref<10000x128xbf16, #tpu.memory_space<hbm>>) target(%dma_start3A_211 : memref<80x128xbf16, #tpu.memory_space<vmem>>) offsets(%dma_start3A_214 : memref<80xi32, #tpu.memory_space<vmem>>) semaphore(%arg12 : memref<!tpu.dma_semaphore, #tpu.memory_space<semaphore_mem>>)
      } else {
      }
      %mul3A_161 = arith.constant 5 : i32
      %mul3A_162 = arith.muli %scan3A_95, %mul3A_161 : i32
      %add3A_163 = arith.constant 3 : i32
      %add3A_164 = arith.addi %mul3A_162, %add3A_163 : i32
      %dma_wait3A_165 = arith.constant 3 : i32
      %dma_wait3A_166 = arith.constant 0 : i32
      %dma_wait3A_167 = arith.constant 0 : i32
      %dma_wait3A_168 = tpu.memref_slice %arg7[%dma_wait3A_165, %dma_wait3A_166, %dma_wait3A_167] : memref<5x80x128xbf16, #tpu.memory_space<vmem>> -> memref<1x80x128xbf16, #tpu.memory_space<vmem>>
      %dma_wait3A_169 = tpu.memref_squeeze %dma_wait3A_168 : memref<1x80x128xbf16, #tpu.memory_space<vmem>> -> memref<80x128xbf16, #tpu.memory_space<vmem>>
      %dma_wait3A_170 = arith.constant 0 : i32
      %dma_wait3A_171 = tpu.memref_slice %arg5[%add3A_164, %dma_wait3A_170] : memref<125x80xi32, #tpu.memory_space<vmem>> -> memref<1x80xi32, #tpu.memory_space<vmem>>
      %dma_wait3A_172 = tpu.memref_squeeze %dma_wait3A_171 : memref<1x80xi32, #tpu.memory_space<vmem>> -> memref<80xi32, #tpu.memory_space<vmem>>
      %dma_wait3A_173 = arith.constant 0 : i32
      %dma_wait3A_174 = arith.constant 0 : i32
      %dma_wait3A_175 = tpu.memref_slice %arg2[%dma_wait3A_173, %dma_wait3A_174] : memref<10000x128xbf16, #tpu.memory_space<hbm>> -> memref<10000x128xbf16, #tpu.memory_space<hbm>>
      tpu.wait_indirect_dma semaphore(%arg13 : memref<!tpu.dma_semaphore, #tpu.memory_space<semaphore_mem>>) src(%dma_wait3A_175 : memref<10000x128xbf16, #tpu.memory_space<hbm>>) dst(%dma_wait3A_169 : memref<80x128xbf16, #tpu.memory_space<vmem>>)
      %run_scoped3A_176 = arith.constant 3 : i32
      "tpu.region"() ({
        %run_scoped3A_207 = tpu.sem_alloc : memref<!tpu.dma_semaphore, #tpu.memory_space<semaphore_mem>>
        %dma_start3A_208 = arith.constant 0 : i32
        %dma_start3A_209 = arith.constant 0 : i32
        %dma_start3A_210 = tpu.memref_slice %arg7[%run_scoped3A_176, %dma_start3A_208, %dma_start3A_209] : memref<5x80x128xbf16, #tpu.memory_space<vmem>> -> memref<1x80x128xbf16, #tpu.memory_space<vmem>>
        %dma_start3A_211 = tpu.memref_squeeze %dma_start3A_210 : memref<1x80x128xbf16, #tpu.memory_space<vmem>> -> memref<80x128xbf16, #tpu.memory_space<vmem>>
        %dma_start3A_212 = arith.constant 0 : i32
        %dma_start3A_213 = tpu.memref_slice %arg6[%add3A_164, %dma_start3A_212] : memref<125x80xi32, #tpu.memory_space<vmem>> -> memref<1x80xi32, #tpu.memory_space<vmem>>
        %dma_start3A_214 = tpu.memref_squeeze %dma_start3A_213 : memref<1x80xi32, #tpu.memory_space<vmem>> -> memref<80xi32, #tpu.memory_space<vmem>>
        %dma_start3A_215 = arith.constant 0 : i32
        %dma_start3A_216 = arith.constant 0 : i32
        %dma_start3A_217 = tpu.memref_slice %arg9[%dma_start3A_215, %dma_start3A_216] : memref<10000x128xbf16, #tpu.memory_space<vmem_shared>> -> memref<10000x128xbf16, #tpu.memory_space<vmem_shared>>
        tpu.enqueue_indirect_dma source(%dma_start3A_211 : memref<80x128xbf16, #tpu.memory_space<vmem>>) target(%dma_start3A_217 : memref<10000x128xbf16, #tpu.memory_space<vmem_shared>>) offsets(%dma_start3A_214 : memref<80xi32, #tpu.memory_space<vmem>>) semaphore(%run_scoped3A_207 : memref<!tpu.dma_semaphore, #tpu.memory_space<semaphore_mem>>) {add = true}
        %dma_wait3A_218 = arith.constant 0 : i32
        %dma_wait3A_219 = arith.constant 0 : i32
        %dma_wait3A_220 = tpu.memref_slice %arg7[%run_scoped3A_176, %dma_wait3A_218, %dma_wait3A_219] : memref<5x80x128xbf16, #tpu.memory_space<vmem>> -> memref<1x80x128xbf16, #tpu.memory_space<vmem>>
        %dma_wait3A_221 = tpu.memref_squeeze %dma_wait3A_220 : memref<1x80x128xbf16, #tpu.memory_space<vmem>> -> memref<80x128xbf16, #tpu.memory_space<vmem>>
        %dma_wait3A_222 = arith.constant 0 : i32
        %dma_wait3A_223 = tpu.memref_slice %arg6[%add3A_164, %dma_wait3A_222] : memref<125x80xi32, #tpu.memory_space<vmem>> -> memref<1x80xi32, #tpu.memory_space<vmem>>
        %dma_wait3A_224 = tpu.memref_squeeze %dma_wait3A_223 : memref<1x80xi32, #tpu.memory_space<vmem>> -> memref<80xi32, #tpu.memory_space<vmem>>
        %dma_wait3A_225 = arith.constant 0 : i32
        %dma_wait3A_226 = arith.constant 0 : i32
        %dma_wait3A_227 = tpu.memref_slice %arg9[%dma_wait3A_225, %dma_wait3A_226] : memref<10000x128xbf16, #tpu.memory_space<vmem_shared>> -> memref<10000x128xbf16, #tpu.memory_space<vmem_shared>>
        tpu.wait_indirect_dma semaphore(%run_scoped3A_207 : memref<!tpu.dma_semaphore, #tpu.memory_space<semaphore_mem>>) src(%dma_wait3A_221 : memref<80x128xbf16, #tpu.memory_space<vmem>>) dst(%dma_wait3A_227 : memref<10000x128xbf16, #tpu.memory_space<vmem_shared>>)
        tpu.yield
      }) : () -> ()
      %add3A_177 = arith.constant 5 : i32
      %add3A_178 = arith.addi %add3A_164, %add3A_177 : i32
      %lt3A_179 = arith.constant 125 : i32
      %lt3A_180 = arith.cmpi slt, %add3A_178, %lt3A_179 : i32
      %convert_element_type3A_181 = arith.extui %lt3A_180 : i1 to i32
      %cond3A_182 = arith.constant 0 : i32
      %cond3A_183 = arith.cmpi ne, %convert_element_type3A_181, %cond3A_182 : i32
      scf.if %cond3A_183 {
        %dma_start3A_207 = arith.constant 3 : i32
        %dma_start3A_208 = arith.constant 0 : i32
        %dma_start3A_209 = arith.constant 0 : i32
        %dma_start3A_210 = tpu.memref_slice %arg7[%dma_start3A_207, %dma_start3A_208, %dma_start3A_209] : memref<5x80x128xbf16, #tpu.memory_space<vmem>> -> memref<1x80x128xbf16, #tpu.memory_space<vmem>>
        %dma_start3A_211 = tpu.memref_squeeze %dma_start3A_210 : memref<1x80x128xbf16, #tpu.memory_space<vmem>> -> memref<80x128xbf16, #tpu.memory_space<vmem>>
        %dma_start3A_212 = arith.constant 0 : i32
        %dma_start3A_213 = tpu.memref_slice %arg5[%add3A_178, %dma_start3A_212] : memref<125x80xi32, #tpu.memory_space<vmem>> -> memref<1x80xi32, #tpu.memory_space<vmem>>
        %dma_start3A_214 = tpu.memref_squeeze %dma_start3A_213 : memref<1x80xi32, #tpu.memory_space<vmem>> -> memref<80xi32, #tpu.memory_space<vmem>>
        %dma_start3A_215 = arith.constant 0 : i32
        %dma_start3A_216 = arith.constant 0 : i32
        %dma_start3A_217 = tpu.memref_slice %arg2[%dma_start3A_215, %dma_start3A_216] : memref<10000x128xbf16, #tpu.memory_space<hbm>> -> memref<10000x128xbf16, #tpu.memory_space<hbm>>
        tpu.enqueue_indirect_dma source(%dma_start3A_217 : memref<10000x128xbf16, #tpu.memory_space<hbm>>) target(%dma_start3A_211 : memref<80x128xbf16, #tpu.memory_space<vmem>>) offsets(%dma_start3A_214 : memref<80xi32, #tpu.memory_space<vmem>>) semaphore(%arg13 : memref<!tpu.dma_semaphore, #tpu.memory_space<semaphore_mem>>)
      } else {
      }
      %mul3A_184 = arith.constant 5 : i32
      %mul3A_185 = arith.muli %scan3A_95, %mul3A_184 : i32
      %add3A_186 = arith.constant 4 : i32
      %add3A_187 = arith.addi %mul3A_185, %add3A_186 : i32
      %dma_wait3A_188 = arith.constant 4 : i32
      %dma_wait3A_189 = arith.constant 0 : i32
      %dma_wait3A_190 = arith.constant 0 : i32
      %dma_wait3A_191 = tpu.memref_slice %arg7[%dma_wait3A_188, %dma_wait3A_189, %dma_wait3A_190] : memref<5x80x128xbf16, #tpu.memory_space<vmem>> -> memref<1x80x128xbf16, #tpu.memory_space<vmem>>
      %dma_wait3A_192 = tpu.memref_squeeze %dma_wait3A_191 : memref<1x80x128xbf16, #tpu.memory_space<vmem>> -> memref<80x128xbf16, #tpu.memory_space<vmem>>
      %dma_wait3A_193 = arith.constant 0 : i32
      %dma_wait3A_194 = tpu.memref_slice %arg5[%add3A_187, %dma_wait3A_193] : memref<125x80xi32, #tpu.memory_space<vmem>> -> memref<1x80xi32, #tpu.memory_space<vmem>>
      %dma_wait3A_195 = tpu.memref_squeeze %dma_wait3A_194 : memref<1x80xi32, #tpu.memory_space<vmem>> -> memref<80xi32, #tpu.memory_space<vmem>>
      %dma_wait3A_196 = arith.constant 0 : i32
      %dma_wait3A_197 = arith.constant 0 : i32
      %dma_wait3A_198 = tpu.memref_slice %arg2[%dma_wait3A_196, %dma_wait3A_197] : memref<10000x128xbf16, #tpu.memory_space<hbm>> -> memref<10000x128xbf16, #tpu.memory_space<hbm>>
      tpu.wait_indirect_dma semaphore(%arg14 : memref<!tpu.dma_semaphore, #tpu.memory_space<semaphore_mem>>) src(%dma_wait3A_198 : memref<10000x128xbf16, #tpu.memory_space<hbm>>) dst(%dma_wait3A_192 : memref<80x128xbf16, #tpu.memory_space<vmem>>)
      %run_scoped3A_199 = arith.constant 4 : i32
      "tpu.region"() ({
        %run_scoped3A_207 = tpu.sem_alloc : memref<!tpu.dma_semaphore, #tpu.memory_space<semaphore_mem>>
        %dma_start3A_208 = arith.constant 0 : i32
        %dma_start3A_209 = arith.constant 0 : i32
        %dma_start3A_210 = tpu.memref_slice %arg7[%run_scoped3A_199, %dma_start3A_208, %dma_start3A_209] : memref<5x80x128xbf16, #tpu.memory_space<vmem>> -> memref<1x80x128xbf16, #tpu.memory_space<vmem>>
        %dma_start3A_211 = tpu.memref_squeeze %dma_start3A_210 : memref<1x80x128xbf16, #tpu.memory_space<vmem>> -> memref<80x128xbf16, #tpu.memory_space<vmem>>
        %dma_start3A_212 = arith.constant 0 : i32
        %dma_start3A_213 = tpu.memref_slice %arg6[%add3A_187, %dma_start3A_212] : memref<125x80xi32, #tpu.memory_space<vmem>> -> memref<1x80xi32, #tpu.memory_space<vmem>>
        %dma_start3A_214 = tpu.memref_squeeze %dma_start3A_213 : memref<1x80xi32, #tpu.memory_space<vmem>> -> memref<80xi32, #tpu.memory_space<vmem>>
        %dma_start3A_215 = arith.constant 0 : i32
        %dma_start3A_216 = arith.constant 0 : i32
        %dma_start3A_217 = tpu.memref_slice %arg9[%dma_start3A_215, %dma_start3A_216] : memref<10000x128xbf16, #tpu.memory_space<vmem_shared>> -> memref<10000x128xbf16, #tpu.memory_space<vmem_shared>>
        tpu.enqueue_indirect_dma source(%dma_start3A_211 : memref<80x128xbf16, #tpu.memory_space<vmem>>) target(%dma_start3A_217 : memref<10000x128xbf16, #tpu.memory_space<vmem_shared>>) offsets(%dma_start3A_214 : memref<80xi32, #tpu.memory_space<vmem>>) semaphore(%run_scoped3A_207 : memref<!tpu.dma_semaphore, #tpu.memory_space<semaphore_mem>>) {add = true}
        %dma_wait3A_218 = arith.constant 0 : i32
        %dma_wait3A_219 = arith.constant 0 : i32
        %dma_wait3A_220 = tpu.memref_slice %arg7[%run_scoped3A_199, %dma_wait3A_218, %dma_wait3A_219] : memref<5x80x128xbf16, #tpu.memory_space<vmem>> -> memref<1x80x128xbf16, #tpu.memory_space<vmem>>
        %dma_wait3A_221 = tpu.memref_squeeze %dma_wait3A_220 : memref<1x80x128xbf16, #tpu.memory_space<vmem>> -> memref<80x128xbf16, #tpu.memory_space<vmem>>
        %dma_wait3A_222 = arith.constant 0 : i32
        %dma_wait3A_223 = tpu.memref_slice %arg6[%add3A_187, %dma_wait3A_222] : memref<125x80xi32, #tpu.memory_space<vmem>> -> memref<1x80xi32, #tpu.memory_space<vmem>>
        %dma_wait3A_224 = tpu.memref_squeeze %dma_wait3A_223 : memref<1x80xi32, #tpu.memory_space<vmem>> -> memref<80xi32, #tpu.memory_space<vmem>>
        %dma_wait3A_225 = arith.constant 0 : i32
        %dma_wait3A_226 = arith.constant 0 : i32
        %dma_wait3A_227 = tpu.memref_slice %arg9[%dma_wait3A_225, %dma_wait3A_226] : memref<10000x128xbf16, #tpu.memory_space<vmem_shared>> -> memref<10000x128xbf16, #tpu.memory_space<vmem_shared>>
        tpu.wait_indirect_dma semaphore(%run_scoped3A_207 : memref<!tpu.dma_semaphore, #tpu.memory_space<semaphore_mem>>) src(%dma_wait3A_221 : memref<80x128xbf16, #tpu.memory_space<vmem>>) dst(%dma_wait3A_227 : memref<10000x128xbf16, #tpu.memory_space<vmem_shared>>)
        tpu.yield
      }) : () -> ()
      %add3A_200 = arith.constant 5 : i32
      %add3A_201 = arith.addi %add3A_187, %add3A_200 : i32
      %lt3A_202 = arith.constant 125 : i32
      %lt3A_203 = arith.cmpi slt, %add3A_201, %lt3A_202 : i32
      %convert_element_type3A_204 = arith.extui %lt3A_203 : i1 to i32
      %cond3A_205 = arith.constant 0 : i32
      %cond3A_206 = arith.cmpi ne, %convert_element_type3A_204, %cond3A_205 : i32
      scf.if %cond3A_206 {
        %dma_start3A_207 = arith.constant 4 : i32
        %dma_start3A_208 = arith.constant 0 : i32
        %dma_start3A_209 = arith.constant 0 : i32
        %dma_start3A_210 = tpu.memref_slice %arg7[%dma_start3A_207, %dma_start3A_208, %dma_start3A_209] : memref<5x80x128xbf16, #tpu.memory_space<vmem>> -> memref<1x80x128xbf16, #tpu.memory_space<vmem>>
        %dma_start3A_211 = tpu.memref_squeeze %dma_start3A_210 : memref<1x80x128xbf16, #tpu.memory_space<vmem>> -> memref<80x128xbf16, #tpu.memory_space<vmem>>
        %dma_start3A_212 = arith.constant 0 : i32
        %dma_start3A_213 = tpu.memref_slice %arg5[%add3A_201, %dma_start3A_212] : memref<125x80xi32, #tpu.memory_space<vmem>> -> memref<1x80xi32, #tpu.memory_space<vmem>>
        %dma_start3A_214 = tpu.memref_squeeze %dma_start3A_213 : memref<1x80xi32, #tpu.memory_space<vmem>> -> memref<80xi32, #tpu.memory_space<vmem>>
        %dma_start3A_215 = arith.constant 0 : i32
        %dma_start3A_216 = arith.constant 0 : i32
        %dma_start3A_217 = tpu.memref_slice %arg2[%dma_start3A_215, %dma_start3A_216] : memref<10000x128xbf16, #tpu.memory_space<hbm>> -> memref<10000x128xbf16, #tpu.memory_space<hbm>>
        tpu.enqueue_indirect_dma source(%dma_start3A_217 : memref<10000x128xbf16, #tpu.memory_space<hbm>>) target(%dma_start3A_211 : memref<80x128xbf16, #tpu.memory_space<vmem>>) offsets(%dma_start3A_214 : memref<80xi32, #tpu.memory_space<vmem>>) semaphore(%arg14 : memref<!tpu.dma_semaphore, #tpu.memory_space<semaphore_mem>>)
      } else {
      }
    }
    %scan3A_89 = arith.constant 25 : i32
    %barrier3A_90 = arith.constant 0 : index
    tpu.barrier barrier_id(%barrier3A_90)
    %mul3A_91 = arith.constant 625 : i32
    %mul3A_92 = arith.muli %arg1, %mul3A_91 : i32
    %mul3A_93 = arith.constant 625 : i32
    %mul3A_94 = arith.muli %arg1, %mul3A_93 : i32
    "tpu.region"() ({
      %run_scoped3A_95 = tpu.sem_alloc : memref<!tpu.dma_semaphore, #tpu.memory_space<semaphore_mem>>
      %dma_start3A_96 = arith.constant 0 : i32
      %dma_start3A_97 = tpu.memref_slice %arg4[%arg0, %mul3A_94, %dma_start3A_96] : memref<2x10000x128xbf16, #tpu.memory_space<hbm>> -> memref<1x625x128xbf16, #tpu.memory_space<hbm>>
      %dma_start3A_98 = tpu.memref_squeeze %dma_start3A_97 : memref<1x625x128xbf16, #tpu.memory_space<hbm>> -> memref<625x128xbf16, #tpu.memory_space<hbm>>
      %dma_start3A_99 = arith.constant 0 : i32
      %dma_start3A_100 = tpu.memref_slice %arg9[%mul3A_92, %dma_start3A_99] : memref<10000x128xbf16, #tpu.memory_space<vmem_shared>> -> memref<625x128xbf16, #tpu.memory_space<vmem_shared>>
      tpu.enqueue_dma source(%dma_start3A_100 : memref<625x128xbf16, #tpu.memory_space<vmem_shared>>) target(%dma_start3A_98 : memref<625x128xbf16, #tpu.memory_space<hbm>>) target_semaphore(%run_scoped3A_95 : memref<!tpu.dma_semaphore, #tpu.memory_space<semaphore_mem>>)
      %dma_wait3A = arith.constant 0 : i32
      %dma_wait3A_101 = tpu.memref_slice %arg4[%arg0, %mul3A_94, %dma_wait3A] : memref<2x10000x128xbf16, #tpu.memory_space<hbm>> -> memref<1x625x128xbf16, #tpu.memory_space<hbm>>
      %dma_wait3A_102 = tpu.memref_squeeze %dma_wait3A_101 : memref<1x625x128xbf16, #tpu.memory_space<hbm>> -> memref<625x128xbf16, #tpu.memory_space<hbm>>
      %dma_wait3A_103 = arith.constant 0 : i32
      %dma_wait3A_104 = tpu.memref_slice %arg9[%mul3A_92, %dma_wait3A_103] : memref<10000x128xbf16, #tpu.memory_space<vmem_shared>> -> memref<625x128xbf16, #tpu.memory_space<vmem_shared>>
      tpu.wait_dma2 semaphore(%run_scoped3A_95 : memref<!tpu.dma_semaphore, #tpu.memory_space<semaphore_mem>>) src(%dma_wait3A_104 : memref<625x128xbf16, #tpu.memory_space<vmem_shared>>) dst(%dma_wait3A_102 : memref<625x128xbf16, #tpu.memory_space<hbm>>)
      tpu.yield
    }) : () -> ()
    return
  }
}

#map = affine_map<(d0, d1) -> (0, 0, 0, 0)>
#map1 = affine_map<(d0, d1) -> (0, 0, 0)>
module attributes {stable_mosaic.version = 14 : i64} {
  func.func @_sc_deg(%arg0: i32, %arg1: i32, %arg2: memref<2x32x125x80xi32, #tpu.memory_space<hbm>>, %arg3: memref<2x10000x16xf32, #tpu.memory_space<hbm>>, %arg4: memref<125x80xi32, #tpu.memory_space<vmem>>, %arg5: memref<80x16xf32, #tpu.memory_space<vmem>>, %arg6: memref<625x16xf32, #tpu.memory_space<vmem>>, %arg7: memref<10000x16xf32, #tpu.memory_space<vmem_shared>>) attributes {dimension_semantics = [#tpu.dimension_semantics<core_parallel>, #tpu.dimension_semantics<subcore_parallel>], iteration_bounds = array<i64: 2, 16>, scalar_prefetch = 0 : i64, scratch_operands = 4 : i64, tpu.core_type = #tpu.core_type<sc_vector_subcore>, window_params = [{transform_indices = #map}, {transform_indices = #map1}]} {
    %mul3A = arith.constant 2 : i32
    %mul3A_0 = arith.muli %arg1, %mul3A : i32
    %add3A = arith.addi %mul3A_0, %arg0 : i32
    %scan3A = arith.constant 0 : i32
    %scan3A_1 = arith.constant 80 : i32
    %scan3A_2 = arith.addi %scan3A, %scan3A_1 : i32
    %scan3A_3 = arith.constant 1 : i32
    scf.for %scan3A_22 = %scan3A to %scan3A_2 step %scan3A_3  : i32 {
      %broadcast_in_dim3A = arith.constant 1.000000e+00 : f32
      %broadcast_in_dim3A_23 = vector.broadcast %broadcast_in_dim3A : f32 to vector<16xf32>
      %swap3A = arith.index_cast %scan3A_22 : i32 to index
      %swap3A_24 = arith.constant 0 : index
      %swap3A_25 = tpu.vector_load %arg5[%swap3A, %swap3A_24] {strides = array<i32>} : memref<80x16xf32, #tpu.memory_space<vmem>>, vector<1x16xf32>,
      %swap3A_26 = vector.shape_cast %swap3A_25 : vector<1x16xf32> to vector<16xf32>
      %swap3A_27 = vector.shape_cast %broadcast_in_dim3A_23 : vector<16xf32> to vector<1x16xf32>
      tpu.vector_store %arg5[%swap3A, %swap3A_24], %swap3A_27 {strides = array<i32>} : memref<80x16xf32, #tpu.memory_space<vmem>>, vector<1x16xf32>,
    }
    %scan3A_4 = arith.constant 80 : i32
    %scan3A_5 = arith.constant 0 : i32
    %scan3A_6 = arith.constant 625 : i32
    %scan3A_7 = arith.addi %scan3A_5, %scan3A_6 : i32
    %scan3A_8 = arith.constant 1 : i32
    scf.for %scan3A_22 = %scan3A_5 to %scan3A_7 step %scan3A_8  : i32 {
      %broadcast_in_dim3A = arith.constant 0.000000e+00 : f32
      %broadcast_in_dim3A_23 = vector.broadcast %broadcast_in_dim3A : f32 to vector<16xf32>
      %swap3A = arith.index_cast %scan3A_22 : i32 to index
      %swap3A_24 = arith.constant 0 : index
      %swap3A_25 = tpu.vector_load %arg6[%swap3A, %swap3A_24] {strides = array<i32>} : memref<625x16xf32, #tpu.memory_space<vmem>>, vector<1x16xf32>,
      %swap3A_26 = vector.shape_cast %swap3A_25 : vector<1x16xf32> to vector<16xf32>
      %swap3A_27 = vector.shape_cast %broadcast_in_dim3A_23 : vector<16xf32> to vector<1x16xf32>
      tpu.vector_store %arg6[%swap3A, %swap3A_24], %swap3A_27 {strides = array<i32>} : memref<625x16xf32, #tpu.memory_space<vmem>>, vector<1x16xf32>,
    }
    %scan3A_9 = arith.constant 625 : i32
    %mul3A_10 = arith.constant 625 : i32
    %mul3A_11 = arith.muli %arg1, %mul3A_10 : i32
    "tpu.region"() ({
      %run_scoped3A_22 = tpu.sem_alloc : memref<!tpu.dma_semaphore, #tpu.memory_space<semaphore_mem>>
      %dma_start3A = arith.constant 0 : i32
      %dma_start3A_23 = tpu.memref_slice %arg7[%mul3A_11, %dma_start3A] : memref<10000x16xf32, #tpu.memory_space<vmem_shared>> -> memref<625x16xf32, #tpu.memory_space<vmem_shared>>
      %dma_start3A_24 = arith.constant 0 : i32
      %dma_start3A_25 = tpu.memref_slice %arg7[%mul3A_11, %dma_start3A_24] : memref<10000x16xf32, #tpu.memory_space<vmem_shared>> -> memref<625x16xf32, #tpu.memory_space<vmem_shared>>
      tpu.enqueue_dma source(%arg6 : memref<625x16xf32, #tpu.memory_space<vmem>>) target(%dma_start3A_25 : memref<625x16xf32, #tpu.memory_space<vmem_shared>>) target_semaphore(%run_scoped3A_22 : memref<!tpu.dma_semaphore, #tpu.memory_space<semaphore_mem>>)
      %dma_wait3A = arith.constant 0 : i32
      %dma_wait3A_26 = tpu.memref_slice %arg7[%mul3A_11, %dma_wait3A] : memref<10000x16xf32, #tpu.memory_space<vmem_shared>> -> memref<625x16xf32, #tpu.memory_space<vmem_shared>>
      %dma_wait3A_27 = arith.constant 0 : i32
      %dma_wait3A_28 = tpu.memref_slice %arg7[%mul3A_11, %dma_wait3A_27] : memref<10000x16xf32, #tpu.memory_space<vmem_shared>> -> memref<625x16xf32, #tpu.memory_space<vmem_shared>>
      tpu.wait_dma2 semaphore(%run_scoped3A_22 : memref<!tpu.dma_semaphore, #tpu.memory_space<semaphore_mem>>) src(%arg6 : memref<625x16xf32, #tpu.memory_space<vmem>>) dst(%dma_wait3A_28 : memref<625x16xf32, #tpu.memory_space<vmem_shared>>)
      tpu.yield
    }) : () -> ()
    %run_scoped3A = arith.constant 1 : i32
    "tpu.region"() ({
      %run_scoped3A_22 = tpu.sem_alloc : memref<!tpu.dma_semaphore, #tpu.memory_space<semaphore_mem>>
      %dma_start3A = arith.constant 0 : i32
      %dma_start3A_23 = arith.constant 0 : i32
      %dma_start3A_24 = tpu.memref_slice %arg2[%run_scoped3A, %add3A, %dma_start3A, %dma_start3A_23] : memref<2x32x125x80xi32, #tpu.memory_space<hbm>> -> memref<1x1x125x80xi32, #tpu.memory_space<hbm>>
      %dma_start3A_25 = tpu.memref_squeeze %dma_start3A_24 : memref<1x1x125x80xi32, #tpu.memory_space<hbm>> -> memref<125x80xi32, #tpu.memory_space<hbm>>
      %dma_start3A_26 = arith.constant 0 : i32
      %dma_start3A_27 = arith.constant 0 : i32
      %dma_start3A_28 = tpu.memref_slice %arg2[%run_scoped3A, %add3A, %dma_start3A_26, %dma_start3A_27] : memref<2x32x125x80xi32, #tpu.memory_space<hbm>> -> memref<1x1x125x80xi32, #tpu.memory_space<hbm>>
      %dma_start3A_29 = tpu.memref_squeeze %dma_start3A_28 : memref<1x1x125x80xi32, #tpu.memory_space<hbm>> -> memref<125x80xi32, #tpu.memory_space<hbm>>
      tpu.enqueue_dma source(%dma_start3A_29 : memref<125x80xi32, #tpu.memory_space<hbm>>) target(%arg4 : memref<125x80xi32, #tpu.memory_space<vmem>>) target_semaphore(%run_scoped3A_22 : memref<!tpu.dma_semaphore, #tpu.memory_space<semaphore_mem>>)
      %dma_wait3A = arith.constant 0 : i32
      %dma_wait3A_30 = arith.constant 0 : i32
      %dma_wait3A_31 = tpu.memref_slice %arg2[%run_scoped3A, %add3A, %dma_wait3A, %dma_wait3A_30] : memref<2x32x125x80xi32, #tpu.memory_space<hbm>> -> memref<1x1x125x80xi32, #tpu.memory_space<hbm>>
      %dma_wait3A_32 = tpu.memref_squeeze %dma_wait3A_31 : memref<1x1x125x80xi32, #tpu.memory_space<hbm>> -> memref<125x80xi32, #tpu.memory_space<hbm>>
      %dma_wait3A_33 = arith.constant 0 : i32
      %dma_wait3A_34 = arith.constant 0 : i32
      %dma_wait3A_35 = tpu.memref_slice %arg2[%run_scoped3A, %add3A, %dma_wait3A_33, %dma_wait3A_34] : memref<2x32x125x80xi32, #tpu.memory_space<hbm>> -> memref<1x1x125x80xi32, #tpu.memory_space<hbm>>
      %dma_wait3A_36 = tpu.memref_squeeze %dma_wait3A_35 : memref<1x1x125x80xi32, #tpu.memory_space<hbm>> -> memref<125x80xi32, #tpu.memory_space<hbm>>
      tpu.wait_dma2 semaphore(%run_scoped3A_22 : memref<!tpu.dma_semaphore, #tpu.memory_space<semaphore_mem>>) src(%dma_wait3A_36 : memref<125x80xi32, #tpu.memory_space<hbm>>) dst(%arg4 : memref<125x80xi32, #tpu.memory_space<vmem>>)
      tpu.yield
    }) : () -> ()
    %barrier3A = arith.constant 0 : index
    tpu.barrier barrier_id(%barrier3A)
    %scan3A_12 = arith.constant 0 : i32
    %scan3A_13 = arith.constant 125 : i32
    %scan3A_14 = arith.addi %scan3A_12, %scan3A_13 : i32
    %scan3A_15 = arith.constant 1 : i32
    scf.for %scan3A_22 = %scan3A_12 to %scan3A_14 step %scan3A_15  : i32 {
      "tpu.region"() ({
        %run_scoped3A_23 = tpu.sem_alloc : memref<!tpu.dma_semaphore, #tpu.memory_space<semaphore_mem>>
        %dma_start3A = arith.constant 0 : i32
        %dma_start3A_24 = tpu.memref_slice %arg4[%scan3A_22, %dma_start3A] : memref<125x80xi32, #tpu.memory_space<vmem>> -> memref<1x80xi32, #tpu.memory_space<vmem>>
        %dma_start3A_25 = tpu.memref_squeeze %dma_start3A_24 : memref<1x80xi32, #tpu.memory_space<vmem>> -> memref<80xi32, #tpu.memory_space<vmem>>
        %dma_start3A_26 = arith.constant 0 : i32
        %dma_start3A_27 = arith.constant 0 : i32
        %dma_start3A_28 = tpu.memref_slice %arg7[%dma_start3A_26, %dma_start3A_27] : memref<10000x16xf32, #tpu.memory_space<vmem_shared>> -> memref<10000x16xf32, #tpu.memory_space<vmem_shared>>
        tpu.enqueue_indirect_dma source(%arg5 : memref<80x16xf32, #tpu.memory_space<vmem>>) target(%dma_start3A_28 : memref<10000x16xf32, #tpu.memory_space<vmem_shared>>) offsets(%dma_start3A_25 : memref<80xi32, #tpu.memory_space<vmem>>) semaphore(%run_scoped3A_23 : memref<!tpu.dma_semaphore, #tpu.memory_space<semaphore_mem>>) {add = true}
        %dma_wait3A = arith.constant 0 : i32
        %dma_wait3A_29 = tpu.memref_slice %arg4[%scan3A_22, %dma_wait3A] : memref<125x80xi32, #tpu.memory_space<vmem>> -> memref<1x80xi32, #tpu.memory_space<vmem>>
        %dma_wait3A_30 = tpu.memref_squeeze %dma_wait3A_29 : memref<1x80xi32, #tpu.memory_space<vmem>> -> memref<80xi32, #tpu.memory_space<vmem>>
        %dma_wait3A_31 = arith.constant 0 : i32
        %dma_wait3A_32 = arith.constant 0 : i32
        %dma_wait3A_33 = tpu.memref_slice %arg7[%dma_wait3A_31, %dma_wait3A_32] : memref<10000x16xf32, #tpu.memory_space<vmem_shared>> -> memref<10000x16xf32, #tpu.memory_space<vmem_shared>>
        tpu.wait_indirect_dma semaphore(%run_scoped3A_23 : memref<!tpu.dma_semaphore, #tpu.memory_space<semaphore_mem>>) src(%arg5 : memref<80x16xf32, #tpu.memory_space<vmem>>) dst(%dma_wait3A_33 : memref<10000x16xf32, #tpu.memory_space<vmem_shared>>)
        tpu.yield
      }) : () -> ()
    }
    %scan3A_16 = arith.constant 125 : i32
    %barrier3A_17 = arith.constant 0 : index
    tpu.barrier barrier_id(%barrier3A_17)
    %mul3A_18 = arith.constant 625 : i32
    %mul3A_19 = arith.muli %arg1, %mul3A_18 : i32
    %mul3A_20 = arith.constant 625 : i32
    %mul3A_21 = arith.muli %arg1, %mul3A_20 : i32
    "tpu.region"() ({
      %run_scoped3A_22 = tpu.sem_alloc : memref<!tpu.dma_semaphore, #tpu.memory_space<semaphore_mem>>
      %dma_start3A = arith.constant 0 : i32
      %dma_start3A_23 = tpu.memref_slice %arg3[%arg0, %mul3A_21, %dma_start3A] : memref<2x10000x16xf32, #tpu.memory_space<hbm>> -> memref<1x625x16xf32, #tpu.memory_space<hbm>>
      %dma_start3A_24 = tpu.memref_squeeze %dma_start3A_23 : memref<1x625x16xf32, #tpu.memory_space<hbm>> -> memref<625x16xf32, #tpu.memory_space<hbm>>
      %dma_start3A_25 = arith.constant 0 : i32
      %dma_start3A_26 = tpu.memref_slice %arg7[%mul3A_19, %dma_start3A_25] : memref<10000x16xf32, #tpu.memory_space<vmem_shared>> -> memref<625x16xf32, #tpu.memory_space<vmem_shared>>
      tpu.enqueue_dma source(%dma_start3A_26 : memref<625x16xf32, #tpu.memory_space<vmem_shared>>) target(%dma_start3A_24 : memref<625x16xf32, #tpu.memory_space<hbm>>) target_semaphore(%run_scoped3A_22 : memref<!tpu.dma_semaphore, #tpu.memory_space<semaphore_mem>>)
      %dma_wait3A = arith.constant 0 : i32
      %dma_wait3A_27 = tpu.memref_slice %arg3[%arg0, %mul3A_21, %dma_wait3A] : memref<2x10000x16xf32, #tpu.memory_space<hbm>> -> memref<1x625x16xf32, #tpu.memory_space<hbm>>
      %dma_wait3A_28 = tpu.memref_squeeze %dma_wait3A_27 : memref<1x625x16xf32, #tpu.memory_space<hbm>> -> memref<625x16xf32, #tpu.memory_space<hbm>>
      %dma_wait3A_29 = arith.constant 0 : i32
      %dma_wait3A_30 = tpu.memref_slice %arg7[%mul3A_19, %dma_wait3A_29] : memref<10000x16xf32, #tpu.memory_space<vmem_shared>> -> memref<625x16xf32, #tpu.memory_space<vmem_shared>>
      tpu.wait_dma2 semaphore(%run_scoped3A_22 : memref<!tpu.dma_semaphore, #tpu.memory_space<semaphore_mem>>) src(%dma_wait3A_30 : memref<625x16xf32, #tpu.memory_space<vmem_shared>>) dst(%dma_wait3A_28 : memref<625x16xf32, #tpu.memory_space<hbm>>)
      tpu.yield
    }) : () -> ()
    return
  }
}

module attributes {stable_mosaic.version = 14 : i64} {
  func.func @_prep_body(%arg0: i32, %arg1: memref<2000x128xf32, #tpu.memory_space<vmem>>, %arg2: memref<2x2000x16xf32, #tpu.memory_space<vmem>>, %arg3: memref<2000x128xf32, #tpu.memory_space<vmem>>, %arg4: memref<2000x16xf32, #tpu.memory_space<vmem>>) attributes {dimension_semantics = [#tpu.dimension_semantics<arbitrary>], iteration_bounds = array<i64: 5>, scalar_prefetch = 0 : i64, scratch_operands = 0 : i64, tpu.core_type = #tpu.core_type<tc>, window_params = [{transform_indices = @transform_0, window_bounds = array<i64: 2000, 128>}, {transform_indices = @transform_1, window_bounds = array<i64: 2, 2000, 16>}, {transform_indices = @transform_2, window_bounds = array<i64: 2000, 128>}, {transform_indices = @transform_3, window_bounds = array<i64: 2000, 16>}]} {
    %get3A = arith.constant 0 : index
    %get3A_0 = arith.constant 0 : index
    %get3A_1 = arith.constant 0 : index
    %get3A_2 = vector.load %arg2[%get3A, %get3A_0, %get3A_1] : memref<2x2000x16xf32, #tpu.memory_space<vmem>>, vector<1x2000x16xf32>
    %get3A_3 = vector.shape_cast %get3A_2 : vector<1x2000x16xf32> to vector<2000x16xf32>
    %get3A_4 = arith.constant 1 : index
    %get3A_5 = arith.constant 0 : index
    %get3A_6 = arith.constant 0 : index
    %get3A_7 = vector.load %arg2[%get3A_4, %get3A_5, %get3A_6] : memref<2x2000x16xf32, #tpu.memory_space<vmem>>, vector<1x2000x16xf32>
    %get3A_8 = vector.shape_cast %get3A_7 : vector<1x2000x16xf32> to vector<2000x16xf32>
    %add3A = arith.addf %get3A_3, %get3A_8 : vector<2000x16xf32>
    %add3A_9 = arith.constant 1.000000e+00 : f32
    %add3A_10 = vector.broadcast %add3A_9 : f32 to vector<2000x16xf32>
    %add3A_11 = arith.addf %add3A, %add3A_10 : vector<2000x16xf32>
    %rsqrt3A = math.rsqrt %add3A_11 : vector<2000x16xf32>
    %swap3A = arith.constant 0 : index
    %swap3A_12 = arith.constant 0 : index
    %swap3A_13 = vector.load %arg4[%swap3A, %swap3A_12] : memref<2000x16xf32, #tpu.memory_space<vmem>>, vector<2000x16xf32>
    tpu.vector_store %arg4[%swap3A, %swap3A_12], %rsqrt3A {strides = array<i32>} : memref<2000x16xf32, #tpu.memory_space<vmem>>, vector<2000x16xf32>,
    %get3A_14 = arith.constant 0 : index
    %get3A_15 = arith.constant 0 : index
    %get3A_16 = vector.load %arg1[%get3A_14, %get3A_15] : memref<2000x128xf32, #tpu.memory_space<vmem>>, vector<2000x128xf32>
    %slice3A = vector.extract_strided_slice %rsqrt3A {offsets = [0, 0], sizes = [2000, 1], strides = [1, 1]} : vector<2000x16xf32> to vector<2000x1xf32>
    %mul3A = vector.broadcast %slice3A : vector<2000x1xf32> to vector<2000x128xf32>
    %mul3A_17 = arith.mulf %get3A_16, %mul3A : vector<2000x128xf32>
    %swap3A_18 = arith.constant 0 : index
    %swap3A_19 = arith.constant 0 : index
    %swap3A_20 = vector.load %arg3[%swap3A_18, %swap3A_19] : memref<2000x128xf32, #tpu.memory_space<vmem>>, vector<2000x128xf32>
    tpu.vector_store %arg3[%swap3A_18, %swap3A_19], %mul3A_17 {strides = array<i32>} : memref<2000x128xf32, #tpu.memory_space<vmem>>, vector<2000x128xf32>,
    return
  }
  func.func @transform_0(%arg0: i32) -> (i32, i32) {
    %c0_i32 = arith.constant 0 : i32
    %c0_i32_0 = arith.constant 0 : i32
    return %arg0, %c0_i32 : i32, i32
  }
  func.func @transform_1(%arg0: i32) -> (i32, i32, i32) {
    %c0_i32 = arith.constant 0 : i32
    %c0_i32_0 = arith.constant 0 : i32
    %c0_i32_1 = arith.constant 0 : i32
    return %c0_i32, %arg0, %c0_i32_0 : i32, i32, i32
  }
  func.func @transform_2(%arg0: i32) -> (i32, i32) {
    %c0_i32 = arith.constant 0 : i32
    %c0_i32_0 = arith.constant 0 : i32
    return %arg0, %c0_i32 : i32, i32
  }
  func.func @transform_3(%arg0: i32) -> (i32, i32) {
    %c0_i32 = arith.constant 0 : i32
    %c0_i32_0 = arith.constant 0 : i32
    return %arg0, %c0_i32 : i32, i32
  }
}

module attributes {stable_mosaic.version = 14 : i64} {
  func.func @_mm_body(%arg0: i32, %arg1: memref<2000x128xf32, #tpu.memory_space<vmem>>, %arg2: memref<128x128xf32, #tpu.memory_space<vmem>>, %arg3: memref<2000x128xf32, #tpu.memory_space<vmem>>) attributes {dimension_semantics = [#tpu.dimension_semantics<arbitrary>], iteration_bounds = array<i64: 5>, scalar_prefetch = 0 : i64, scratch_operands = 0 : i64, tpu.core_type = #tpu.core_type<tc>, window_params = [{transform_indices = @transform_0, window_bounds = array<i64: 2000, 128>}, {pipeline_mode = #tpu.pipeline_mode<synchronous>, transform_indices = @transform_1, window_bounds = array<i64: 128, 128>}, {transform_indices = @transform_2, window_bounds = array<i64: 2000, 128>}]} {
    %get3A = arith.constant 0 : index
    %get3A_0 = arith.constant 0 : index
    %get3A_1 = vector.load %arg1[%get3A, %get3A_0] : memref<2000x128xf32, #tpu.memory_space<vmem>>, vector<2000x128xf32>
    %get3A_2 = arith.constant 0 : index
    %get3A_3 = arith.constant 0 : index
    %get3A_4 = vector.load %arg2[%get3A_2, %get3A_3] : memref<128x128xf32, #tpu.memory_space<vmem>>, vector<128x128xf32>
    %dot_general3A = arith.constant dense<0.000000e+00> : vector<2000x128xf32>
    %dot_general3A_5 = tpu.matmul %get3A_1, %get3A_4, %dot_general3A {dimension_numbers = #tpu.dot_dimension_numbers<[1], [0], [0], [1], [0, 0, 1, 1], [], []>, transpose_lhs_hint = false} : vector<2000x128xf32>, vector<128x128xf32>, vector<2000x128xf32> -> vector<2000x128xf32>
    %swap3A = arith.constant 0 : index
    %swap3A_6 = arith.constant 0 : index
    %swap3A_7 = vector.load %arg3[%swap3A, %swap3A_6] : memref<2000x128xf32, #tpu.memory_space<vmem>>, vector<2000x128xf32>
    tpu.vector_store %arg3[%swap3A, %swap3A_6], %dot_general3A_5 {strides = array<i32>} : memref<2000x128xf32, #tpu.memory_space<vmem>>, vector<2000x128xf32>,
    return
  }
  func.func @transform_0(%arg0: i32) -> (i32, i32) {
    %c0_i32 = arith.constant 0 : i32
    %c0_i32_0 = arith.constant 0 : i32
    return %arg0, %c0_i32 : i32, i32
  }
  func.func @transform_1(%arg0: i32) -> (i32, i32) {
    %c0_i32 = arith.constant 0 : i32
    %c0_i32_0 = arith.constant 0 : i32
    %c0_i32_1 = arith.constant 0 : i32
    return %c0_i32, %c0_i32_0 : i32, i32
  }
  func.func @transform_2(%arg0: i32) -> (i32, i32) {
    %c0_i32 = arith.constant 0 : i32
    %c0_i32_0 = arith.constant 0 : i32
    return %arg0, %c0_i32 : i32, i32
  }
}

module attributes {stable_mosaic.version = 14 : i64} {
  func.func @_mid_body(%arg0: i32, %arg1: memref<2x2000x128xbf16, #tpu.memory_space<vmem>>, %arg2: memref<2000x128xf32, #tpu.memory_space<vmem>>, %arg3: memref<2000x16xf32, #tpu.memory_space<vmem>>, %arg4: memref<1x128xf32, #tpu.memory_space<vmem>>, %arg5: memref<128x128xf32, #tpu.memory_space<vmem>>, %arg6: memref<2000x128xf32, #tpu.memory_space<vmem>>) attributes {dimension_semantics = [#tpu.dimension_semantics<arbitrary>], iteration_bounds = array<i64: 5>, scalar_prefetch = 0 : i64, scratch_operands = 0 : i64, tpu.core_type = #tpu.core_type<tc>, window_params = [{transform_indices = @transform_0, window_bounds = array<i64: 2, 2000, 128>}, {transform_indices = @transform_1, window_bounds = array<i64: 2000, 128>}, {transform_indices = @transform_2, window_bounds = array<i64: 2000, 16>}, {pipeline_mode = #tpu.pipeline_mode<synchronous>, transform_indices = @transform_3, window_bounds = array<i64: 1, 128>}, {pipeline_mode = #tpu.pipeline_mode<synchronous>, transform_indices = @transform_4, window_bounds = array<i64: 128, 128>}, {transform_indices = @transform_5, window_bounds = array<i64: 2000, 128>}]} {
    %get3A = arith.constant 0 : index
    %get3A_0 = arith.constant 0 : index
    %get3A_1 = vector.load %arg3[%get3A, %get3A_0] : memref<2000x16xf32, #tpu.memory_space<vmem>>, vector<2000x16xf32>
    %slice3A = vector.extract_strided_slice %get3A_1 {offsets = [0, 0], sizes = [2000, 1], strides = [1, 1]} : vector<2000x16xf32> to vector<2000x1xf32>
    %get3A_2 = arith.constant 0 : index
    %get3A_3 = arith.constant 0 : index
    %get3A_4 = arith.constant 0 : index
    %get3A_5 = vector.load %arg1[%get3A_2, %get3A_3, %get3A_4] : memref<2x2000x128xbf16, #tpu.memory_space<vmem>>, vector<1x2000x128xbf16>
    %get3A_6 = vector.shape_cast %get3A_5 : vector<1x2000x128xbf16> to vector<2000x128xbf16>
    %get3A_7 = arith.constant 1 : index
    %get3A_8 = arith.constant 0 : index
    %get3A_9 = arith.constant 0 : index
    %get3A_10 = vector.load %arg1[%get3A_7, %get3A_8, %get3A_9] : memref<2x2000x128xbf16, #tpu.memory_space<vmem>>, vector<1x2000x128xbf16>
    %get3A_11 = vector.shape_cast %get3A_10 : vector<1x2000x128xbf16> to vector<2000x128xbf16>
    %add3A = arith.addf %get3A_6, %get3A_11 : vector<2000x128xbf16>
    %convert_element_type3A = arith.extf %add3A : vector<2000x128xbf16> to vector<2000x128xf32>
    %get3A_12 = arith.constant 0 : index
    %get3A_13 = arith.constant 0 : index
    %get3A_14 = vector.load %arg2[%get3A_12, %get3A_13] : memref<2000x128xf32, #tpu.memory_space<vmem>>, vector<2000x128xf32>
    %add3A_15 = arith.addf %convert_element_type3A, %get3A_14 : vector<2000x128xf32>
    %mul3A = vector.broadcast %slice3A : vector<2000x1xf32> to vector<2000x128xf32>
    %mul3A_16 = arith.mulf %mul3A, %add3A_15 : vector<2000x128xf32>
    %get3A_17 = arith.constant 0 : index
    %get3A_18 = arith.constant 0 : index
    %get3A_19 = vector.load %arg4[%get3A_17, %get3A_18] : memref<1x128xf32, #tpu.memory_space<vmem>>, vector<1x128xf32>
    %add3A_20 = vector.broadcast %get3A_19 : vector<1x128xf32> to vector<2000x128xf32>
    %add3A_21 = arith.addf %mul3A_16, %add3A_20 : vector<2000x128xf32>
    %max3A = arith.constant 0.000000e+00 : f32
    %max3A_22 = vector.broadcast %max3A : f32 to vector<2000x128xf32>
    %max3A_23 = arith.maximumf %add3A_21, %max3A_22 : vector<2000x128xf32>
    %get3A_24 = arith.constant 0 : index
    %get3A_25 = arith.constant 0 : index
    %get3A_26 = vector.load %arg5[%get3A_24, %get3A_25] : memref<128x128xf32, #tpu.memory_space<vmem>>, vector<128x128xf32>
    %dot_general3A = arith.constant dense<0.000000e+00> : vector<2000x128xf32>
    %dot_general3A_27 = tpu.matmul %max3A_23, %get3A_26, %dot_general3A {dimension_numbers = #tpu.dot_dimension_numbers<[1], [0], [0], [1], [0, 0, 1, 1], [], []>, transpose_lhs_hint = false} : vector<2000x128xf32>, vector<128x128xf32>, vector<2000x128xf32> -> vector<2000x128xf32>
    %mul3A_28 = vector.broadcast %slice3A : vector<2000x1xf32> to vector<2000x128xf32>
    %mul3A_29 = arith.mulf %dot_general3A_27, %mul3A_28 : vector<2000x128xf32>
    %swap3A = arith.constant 0 : index
    %swap3A_30 = arith.constant 0 : index
    %swap3A_31 = vector.load %arg6[%swap3A, %swap3A_30] : memref<2000x128xf32, #tpu.memory_space<vmem>>, vector<2000x128xf32>
    tpu.vector_store %arg6[%swap3A, %swap3A_30], %mul3A_29 {strides = array<i32>} : memref<2000x128xf32, #tpu.memory_space<vmem>>, vector<2000x128xf32>,
    return
  }
  func.func @transform_0(%arg0: i32) -> (i32, i32, i32) {
    %c0_i32 = arith.constant 0 : i32
    %c0_i32_0 = arith.constant 0 : i32
    %c0_i32_1 = arith.constant 0 : i32
    return %c0_i32, %arg0, %c0_i32_0 : i32, i32, i32
  }
  func.func @transform_1(%arg0: i32) -> (i32, i32) {
    %c0_i32 = arith.constant 0 : i32
    %c0_i32_0 = arith.constant 0 : i32
    return %arg0, %c0_i32 : i32, i32
  }
  func.func @transform_2(%arg0: i32) -> (i32, i32) {
    %c0_i32 = arith.constant 0 : i32
    %c0_i32_0 = arith.constant 0 : i32
    return %arg0, %c0_i32 : i32, i32
  }
  func.func @transform_3(%arg0: i32) -> (i32, i32) {
    %c0_i32 = arith.constant 0 : i32
    %c0_i32_0 = arith.constant 0 : i32
    %c0_i32_1 = arith.constant 0 : i32
    return %c0_i32, %c0_i32_0 : i32, i32
  }
  func.func @transform_4(%arg0: i32) -> (i32, i32) {
    %c0_i32 = arith.constant 0 : i32
    %c0_i32_0 = arith.constant 0 : i32
    %c0_i32_1 = arith.constant 0 : i32
    return %c0_i32, %c0_i32_0 : i32, i32
  }
  func.func @transform_5(%arg0: i32) -> (i32, i32) {
    %c0_i32 = arith.constant 0 : i32
    %c0_i32_0 = arith.constant 0 : i32
    return %arg0, %c0_i32 : i32, i32
  }
}

module attributes {stable_mosaic.version = 14 : i64} {
  func.func @_out_body(%arg0: i32, %arg1: memref<2x2000x128xbf16, #tpu.memory_space<vmem>>, %arg2: memref<2000x128xf32, #tpu.memory_space<vmem>>, %arg3: memref<2000x16xf32, #tpu.memory_space<vmem>>, %arg4: memref<1x128xf32, #tpu.memory_space<vmem>>, %arg5: memref<2000x128xf32, #tpu.memory_space<vmem>>) attributes {dimension_semantics = [#tpu.dimension_semantics<arbitrary>], iteration_bounds = array<i64: 5>, scalar_prefetch = 0 : i64, scratch_operands = 0 : i64, tpu.core_type = #tpu.core_type<tc>, window_params = [{transform_indices = @transform_0, window_bounds = array<i64: 2, 2000, 128>}, {transform_indices = @transform_1, window_bounds = array<i64: 2000, 128>}, {transform_indices = @transform_2, window_bounds = array<i64: 2000, 16>}, {pipeline_mode = #tpu.pipeline_mode<synchronous>, transform_indices = @transform_3, window_bounds = array<i64: 1, 128>}, {transform_indices = @transform_4, window_bounds = array<i64: 2000, 128>}]} {
    %get3A = arith.constant 0 : index
    %get3A_0 = arith.constant 0 : index
    %get3A_1 = vector.load %arg3[%get3A, %get3A_0] : memref<2000x16xf32, #tpu.memory_space<vmem>>, vector<2000x16xf32>
    %slice3A = vector.extract_strided_slice %get3A_1 {offsets = [0, 0], sizes = [2000, 1], strides = [1, 1]} : vector<2000x16xf32> to vector<2000x1xf32>
    %get3A_2 = arith.constant 0 : index
    %get3A_3 = arith.constant 0 : index
    %get3A_4 = arith.constant 0 : index
    %get3A_5 = vector.load %arg1[%get3A_2, %get3A_3, %get3A_4] : memref<2x2000x128xbf16, #tpu.memory_space<vmem>>, vector<1x2000x128xbf16>
    %get3A_6 = vector.shape_cast %get3A_5 : vector<1x2000x128xbf16> to vector<2000x128xbf16>
    %get3A_7 = arith.constant 1 : index
    %get3A_8 = arith.constant 0 : index
    %get3A_9 = arith.constant 0 : index
    %get3A_10 = vector.load %arg1[%get3A_7, %get3A_8, %get3A_9] : memref<2x2000x128xbf16, #tpu.memory_space<vmem>>, vector<1x2000x128xbf16>
    %get3A_11 = vector.shape_cast %get3A_10 : vector<1x2000x128xbf16> to vector<2000x128xbf16>
    %add3A = arith.addf %get3A_6, %get3A_11 : vector<2000x128xbf16>
    %convert_element_type3A = arith.extf %add3A : vector<2000x128xbf16> to vector<2000x128xf32>
    %get3A_12 = arith.constant 0 : index
    %get3A_13 = arith.constant 0 : index
    %get3A_14 = vector.load %arg2[%get3A_12, %get3A_13] : memref<2000x128xf32, #tpu.memory_space<vmem>>, vector<2000x128xf32>
    %add3A_15 = arith.addf %convert_element_type3A, %get3A_14 : vector<2000x128xf32>
    %mul3A = vector.broadcast %slice3A : vector<2000x1xf32> to vector<2000x128xf32>
    %mul3A_16 = arith.mulf %mul3A, %add3A_15 : vector<2000x128xf32>
    %get3A_17 = arith.constant 0 : index
    %get3A_18 = arith.constant 0 : index
    %get3A_19 = vector.load %arg4[%get3A_17, %get3A_18] : memref<1x128xf32, #tpu.memory_space<vmem>>, vector<1x128xf32>
    %add3A_20 = vector.broadcast %get3A_19 : vector<1x128xf32> to vector<2000x128xf32>
    %add3A_21 = arith.addf %mul3A_16, %add3A_20 : vector<2000x128xf32>
    %swap3A = arith.constant 0 : index
    %swap3A_22 = arith.constant 0 : index
    %swap3A_23 = vector.load %arg5[%swap3A, %swap3A_22] : memref<2000x128xf32, #tpu.memory_space<vmem>>, vector<2000x128xf32>
    tpu.vector_store %arg5[%swap3A, %swap3A_22], %add3A_21 {strides = array<i32>} : memref<2000x128xf32, #tpu.memory_space<vmem>>, vector<2000x128xf32>,
    return
  }
  func.func @transform_0(%arg0: i32) -> (i32, i32, i32) {
    %c0_i32 = arith.constant 0 : i32
    %c0_i32_0 = arith.constant 0 : i32
    %c0_i32_1 = arith.constant 0 : i32
    return %c0_i32, %arg0, %c0_i32_0 : i32, i32, i32
  }
  func.func @transform_1(%arg0: i32) -> (i32, i32) {
    %c0_i32 = arith.constant 0 : i32
    %c0_i32_0 = arith.constant 0 : i32
    return %arg0, %c0_i32 : i32, i32
  }
  func.func @transform_2(%arg0: i32) -> (i32, i32) {
    %c0_i32 = arith.constant 0 : i32
    %c0_i32_0 = arith.constant 0 : i32
    return %arg0, %c0_i32 : i32, i32
  }
  func.func @transform_3(%arg0: i32) -> (i32, i32) {
    %c0_i32 = arith.constant 0 : i32
    %c0_i32_0 = arith.constant 0 : i32
    %c0_i32_1 = arith.constant 0 : i32
    return %c0_i32, %c0_i32_0 : i32, i32
  }
  func.func @transform_4(%arg0: i32) -> (i32, i32) {
    %c0_i32 = arith.constant 0 : i32
    %c0_i32_0 = arith.constant 0 : i32
    return %arg0, %c0_i32 : i32, i32
  }
}

</mosaic_0001>

<sc_bundles>
// kernel: kernel.12.cloned.1.call-start
scs
__scs_entry_jumppad:
0x0: {  	(pc) =	sbr.rel $0x88, $3  }
0x1: {  	(tag) =	ssettag $0x0;
	lr =	simm.s32 $0x1  }
0x2: {  	[smem:$0x3F9B] =	sst lr;
	_ =	strace $0xD0000000  }
0x3: {  	_ = 	snop  }
0x4: {  	_ = 	snop  }
0x5: {  	_ = 	snop  }
0x6: {  	_ = 	snop  }
0x7: {  	_ = 	snop  }
__scs_overlays_trampoline_lowered:
0x8: {  	[smem:$0x3FAA] =	sst s0  }
0x9: {  	[smem:$0x3FAB] =	sst s1  }
0xa: {  	[smem:$0x3FAC] =	sst s2  }
0xb: {  	[smem:$0x3FAD] =	sst s3  }
0xc: {  	[smem:$0x3FAE] =	sst s4  }
0xd: {  	[smem:$0x3FAF] =	sst s5  }
0xe: {  	[smem:$0x3FB0] =	sst s6  }
0xf: {  	[smem:$0x3FB1] =	sst s7  }
0x10: {  	[smem:$0x3FB2] =	sst s8  }
0x11: {  	[smem:$0x3FB3] =	sst s9;
	s0 =	simm.s32 @!p0 $0x0  }
0x12: {  	s1 =	sld [smem:$0x3F99];
	s0 =	simm.s32 @p0 $0x1  }
0x13: {  	[smem:$0x3FB4] =	sst s0;
	s0 =	simm.s32 @!p1 $0x0  }
0x14: {  	s2 =	sld [smem:$0x3F98];
	s0 =	simm.s32 @p1 $0x1  }
0x15: {  	[smem:$0x3FB5] =	sst s0;
	s0 =	simm.s32 @!p2 $0x0  }
0x16: {  	s3 =	sld [smem:$0x3FDB];
	s0 =	simm.s32 @p2 $0x1  }
0x17: {  	s4 =	simm.s32 $0x1BF5;
	[smem:$0x3FB7] =	sst s0  }
0x18: {  	s0 =	sld [smem:$0x3F9A];
	_ =	swait.ge [sflag:s4], $0x0  }
0x19: {  	s7 =	sld [smem:$0x3F9B]  }
0x1a: {  	s8 =	sadd.s32 $0xFFFFE003, lr  }
0x1b: {  	s9 =	sadd.s32 $0xFFFFFEF7, lr;
	s5 =	simm.s32 $0xFFFFFFFF;
	p2 =	slt.u32 s8, $0xFFFFF086  }
0x1c: {  	p1 =	slt.u32 s9, $0xF7A;
	s5 =	simm.s32 @!p2 $0x0  }
0x1d: {  	s5 =	simm.s32 @p1 $0x1;
	p0 =	seq.s32 s7, s2  }
0x1e: {  	s7 =	smul.u32 @!p0 $0xF7A, s2;
	p2 =	seq.s32 @!p0 s5, $0x0  }
0x1f: {  	s9 =	smul.u32 $0xF7A, s1;
	s8 =	simm.s32 @!p0 $0x1BF5;
	p2 =	por !p2, p0  }
0x20: {  	[sflag:s8] =	ssyncset.s32 @!p0 $0xFFFFF086;
	s6 =	sadd.s32 @!p0 s3, s7;
	s7 =	simm.s32 @!p0 $0x108  }
0x21: {  	s3 =	sadd.s32 s3, s9;
	s6 =	sadd.s32 @!p0 $0x88, s6;
	s7 =	simm.s32 @p2 $0x1082  }
0x22: {  	[simem:s7], [sflag:s8] =	dma.local @!p0 [hbm:s6], $0xF7A  }
0x23: {  	s9 =	sor.u32 $0xD0000000, s2;
	s6 =	simm.s32 $0x108;
	_ =	swait.ge @!p0 [sflag:s8], $0x0  }
0x24: {  	s3 =	sadd.s32 $0x88, s3;
	s6 =	simm.s32 @!p1 $0x1082;
	[sflag:s4] =	ssyncset.s32 $0xFFFFF086  }
0x25: {  	[simem:s6], [sflag:s4] =	dma.local [hbm:s3], $0xF7A  }
0x26: {  	[smem:$0x3F9B] =	sst s1;
	(tag) =	ssettag s2;
	_ =	strace s9  }
0x27: {  	s1 =	sld [smem:$0x3FAB]  }
0x28: {  	s2 =	sld [smem:$0x3FAC]  }
0x29: {  	s4 =	sld [smem:$0x3FAE]  }
0x2a: {  	p0 =	seq.s32 s5, $0x0;
	s5 =	sld [smem:$0x3FAF]  }
0x2b: {  	s6 =	sld [smem:$0x3FB0]  }
0x2c: {  	s7 =	sld [smem:$0x3FB1]  }
0x2d: {  	s3 =	simm.s32 $0x108;
	s8 =	sld [smem:$0x3FB2]  }
0x2e: {  	s3 =	simm.s32 @!p0 $0x1082;
	s9 =	sld [smem:$0x3FB3]  }
0x2f: {  	lr =	sadd.s32 s0, s3;
	s0 =	sld [smem:$0x3FAA]  }
0x30: {  	s3 =	sld [smem:$0x3FAD]  }
0x31: {  	[smem:$0x3FB6] =	sst s10  }
0x32: {  	s10 =	sld [smem:$0x3FB4];
	_ =	sdelay $0x3  }
0x33: {  	p0 =	seq.s32 s10, $0x1;
	s10 =	sld [smem:$0x3FB6];
	_ =	sdelay $0x3  }
0x34: {  	[smem:$0x3FB6] =	sst s10  }
0x35: {  	s10 =	sld [smem:$0x3FB5];
	_ =	sdelay $0x3  }
0x36: {  	p1 =	seq.s32 s10, $0x1;
	s10 =	sld [smem:$0x3FB6];
	_ =	sdelay $0x3  }
0x37: {  	[smem:$0x3FB6] =	sst s10  }
0x38: {  	s10 =	sld [smem:$0x3FB7]  }
0x39: {  	_ = 	snop;
	(pc) =	sbr.ind lr, $3  }
0x3a: {  	_ = 	snop  }
0x3b: {  	_ = 	snop  }
0x3c: {  	p2 =	seq.s32 s10, $0x1;
	s10 =	sld [smem:$0x3FB6]  }
0x3d: {  	_ =	shalt  }
0x3e: {  	_ =	shalt  }
0x3f: {  	_ =	shalt  }
0x40: {  	_ =	shalt  }
0x41: {  	_ =	shalt  }
0x42: {  	_ =	shalt  }
0x43: {  	_ =	shalt  }
0x44: {  	_ =	shalt  }
0x45: {  	_ =	shalt  }
0x46: {  	_ =	shalt  }
0x47: {  	_ =	shalt  }
0x48: {  	_ =	shalt  }
0x49: {  	_ =	shalt  }
0x4a: {  	_ =	shalt  }
0x4b: {  	_ =	shalt  }
0x4c: {  	_ =	shalt  }
0x4d: {  	_ =	shalt  }
0x4e: {  	_ =	shalt  }
0x4f: {  	_ =	shalt  }
0x50: {  	_ =	shalt  }
0x51: {  	_ =	shalt  }
0x52: {  	_ =	shalt  }
0x53: {  	_ =	shalt  }
0x54: {  	_ =	shalt  }
0x55: {  	_ =	shalt  }
0x56: {  	_ =	shalt  }
0x57: {  	_ =	shalt  }
0x58: {  	_ =	shalt  }
0x59: {  	_ =	shalt  }
0x5a: {  	_ =	shalt  }
0x5b: {  	_ =	shalt  }
0x5c: {  	_ =	shalt  }
0x5d: {  	_ =	shalt  }
0x5e: {  	_ =	shalt  }
0x5f: {  	_ =	shalt  }
0x60: {  	_ =	shalt  }
0x61: {  	_ =	shalt  }
0x62: {  	_ =	shalt  }
0x63: {  	_ =	shalt  }
0x64: {  	_ =	shalt  }
0x65: {  	_ =	shalt  }
0x66: {  	_ =	shalt  }
0x67: {  	_ =	shalt  }
0x68: {  	_ =	shalt  }
0x69: {  	_ =	shalt  }
0x6a: {  	_ =	shalt  }
0x6b: {  	_ =	shalt  }
0x6c: {  	_ =	shalt  }
0x6d: {  	_ =	shalt  }
0x6e: {  	_ =	shalt  }
0x6f: {  	_ =	shalt  }
0x70: {  	_ =	shalt  }
0x71: {  	_ =	shalt  }
0x72: {  	_ =	shalt  }
0x73: {  	_ =	shalt  }
0x74: {  	_ =	shalt  }
0x75: {  	_ =	shalt  }
0x76: {  	_ =	shalt  }
0x77: {  	_ =	shalt  }
0x78: {  	_ =	shalt  }
0x79: {  	_ =	shalt  }
0x7a: {  	_ =	shalt  }
0x7b: {  	_ =	shalt  }
0x7c: {  	_ =	shalt  }
0x7d: {  	_ =	shalt  }
0x7e: {  	_ =	shalt  }
0x7f: {  	_ =	shalt  }
0x80: {  	_ =	shalt  }
0x81: {  	_ =	shalt  }
0x82: {  	_ =	shalt  }
0x83: {  	_ =	shalt  }
0x84: {  	_ =	shalt  }
0x85: {  	_ =	shalt  }
0x86: {  	_ =	shalt  }
0x87: {  	_ =	shalt  }
.Lfunc_end0:
.L_simem_size_0:
called_computation.1_lowered:
.L_overlay_start_0:
0x88: {  	s2 =	sld [smem:$0x3FD9]  }
0x89: {  	s3 =	sld [smem:$0x3FFE];
	_ =	sdelay $0x1  }
0x8a: {  	s1 =	srdreg.scid  }
0x8b: {  	s0 =	sand.u32 $0x1, s1  }
0x8c: {  	s17 =	sshll.u32 s0, $0xA;
	s2 =	sadd.s32 s3, s2  }
0x8d: {  	s2 =	sadd.s32 s2, s17  }
0x8e: {  	[smem:$0x3FC2] =	sst s2  }
0x8f: {  	_ = 	snop  }
0x90: {  	s2 =	sld [smem:$0x3FD0];
	(tm) =	ssettm $0x1  }
0x91: {  	s18 =	sld [smem:$0x3FFB];
	_ =	sdelay $0x3  }
0x92: {  	_ =	strace s18  }
0x93: {  	s3 =	sld [smem:$0x3FFC];
	_ =	sdelay $0x3  }
0x94: {  	_ =	strace s3  }
0x95: {  	s3 =	sld [smem:$0x3FFD];
	_ =	sdelay $0x3  }
0x96: {  	_ =	strace s3  }
0x97: {  	_ =	strace $0x8FFFFFFF  }
0x98: {  	s19 =	sld [smem:$0x3FDB];
	_ =	sdelay $0x1  }
0x99: {  	s4 =	simm.s32 $_scs_section_size  }
0x9a: {  	s5 =	simm.s32 $_size__tile_overlayer_lowered;
	s6 =	simm.s32 $_tile_overlayer_lowered  }
0x9b: {  	s22 =	simm.s32 $0x1BFF;
	s21 =	sshll.u32 s6, $0x1;
	s3 =	sadd.s32 s4, s19  }
0x9c: {  	s7 =	simm.s32 $0x0;
	s20 =	sshll.u32 s5, $0x1;
	s5 =	sadd.s32 s21, s3  }
0x9d: {  	[timem:s7], [sflag:s22] =	dma.local [hbm:s5], s20  }
0x9e: {  	_ =	swait.ge [sflag:s22], s20  }
0x9f: {  	s4 =	ssub.s32 $0x0, s20;
	[sflag:s22] =	ssyncset.done $0x0  }
0xa0: {  	[sflag:s22] =	ssyncadd.s32 s4;
	_ =	sdelay $0x1  }
0xa1: {  	s23 =	simm.s32 $0x1B8B  }
0xa2: {  	_ =	swait.ge [sflag:s23], $0x1  }
0xa3: {  	[sflag:s23] =	ssyncset.done $0x0  }
0xa4: {  	s25 =	simm.s32 $0x1B8E;
	s24 =	sld [smem:$0x3FFE];
	[sflag:s23] =	ssyncadd.s32 $0xFFFFFFFF  }
0xa5: {  	s26 =	simm.s32 $execute0_lowered;
	[smem:$0x3FD2] =	sst s25  }
0xa6: {  	s5 =	sshll.u32 s26, $0x1;
	_ =	strace $0x80000049;
	[dreg:$0x1] =	wrdreg $0xFFFFFFFF  }
0xa7: {  	s28 =	simm.s32 $_size_execute0_lowered;
	s3 =	sadd.s32 s3, s5;
	[dreg:$0x0] =	wrdreg $0x0  }
0xa8: {  	s5 =	sshll.u32 s28, $0x1;
	[dreg:$0x2] =	wrdreg s3  }
0xa9: {  	[dreg:$0x3] =	wrdreg s5  }
0xaa: {  	[dreg:$0x4] =	wrdreg $0xC0  }
0xab: {  	_ =	task [dreg:s7], $0x5FFFF  }
0xac: {  	[dreg:$0x1] =	wrdreg $0xFFFFFFFF  }
0xad: {  	[dreg:$0x0] =	wrdreg $0x60  }
0xae: {  	[dreg:$0x2] =	wrdreg s24  }
0xaf: {  	[dreg:$0x3] =	wrdreg s2  }
0xb0: {  	[dreg:$0x4] =	wrdreg $0xD1600  }
0xb1: {  	[dreg:$0x5] =	wrdreg $0x9  }
0xb2: {  	_ =	task.clear_ibuf [dreg:s7], $0x6FFFF;
	_ =	strace $0x90000049  }
0xb3: {  	s29 =	simm.s32 $0x9;
	_ =	strace $0x8000004B  }
0xb4: {  	_ =	swait.ge [sflag:s29], $0x1  }
0xb5: {  	[sflag:s29] =	ssyncadd.s32 $0xFFFFFFFF  }
0xb6: {  	_ =	strace $0x9000004B  }
0xb7: {  	_ =	sfence  }
0xb8: {  	s30 =	sld [smem:$0x0];
	_ =	sdelay $0x2  }
0xb9: {  	s31 =	sshll.u32 s1, $0xD;
	s1 =	sshrl.u32 s1, $0x2  }
0xba: {  	s3 =	sand.u32 $0x4000, s31;
	s1 =	sadd.s32 s1, s30  }
0xbb: {  	s0 =	sor.u32 s3, s0;
	s1 =	sshll.u32 s1, $0x11  }
0xbc: {  	s0 =	sor.u32 s1, s0  }
0xbd: {  	s0 =	sadd.s32 $0x8F2B, s0  }
0xbe: {  	[sflag:s0] =	ssyncadd.remote.s32 $0x1  }
0xbf: {  	_ =	sfence.sel $0xFFFF  }
0xc0: {  	[dreg:$0x0] =	wrdreg $0xFFFFFFFF;
	(pc) =	sbr.abs _section_cstart, $3  }
0xc1: {  	[dreg:$0x1] =	wrdreg $0xFFFFFFFF  }
0xc2: {  	_ =	task.clear_ibuf [dreg:s7], $0x2FFFF;
	_ =	strace $0x9FFFFFFF  }
0xc3: {  	(tm) =	ssettm $0x7FFFFFFF  }
tec
execute0_lowered:
.L_overlay_start_1:
0x0: {  	(tag) =	ssettag $0x1  }
0x1: {  	s0 =	rddreg [dreg:$0x0]  }
0x2: {  	s1 =	rddreg [dreg:$0x1]  }
0x3: {  	s2 =	rddreg [dreg:$0x2]  }
0x4: {  	s4 =	srdreg.scid;
	s10 =	stileid.u32;
	s3 =	simm.s32 $0x0  }
0x5: {  	s14 =	simm.s32 $0xB220;
	s15 =	simm.s32 $0x6;
	s17 =	simm.s32 $0x50  }
0x6: {  	s18 =	simm.s32 $0x4E20;
	s19 =	simm.s32 $0x6220;
	s21 =	simm.s32 $0x7620  }
0x7: {  	s28 =	simm.s32 $0x2;
	s29 =	simm.s32 $0x3;
	s30 =	simm.s32 $0x4  }
0x8: {  	s31 =	simm.s32 $0x5;
	s16 =	simm.s32 $0x4D30;
	s20 =	simm.s32 $0x4D80  }
0x9: {  	s5 =	sand.u32 $0x1, s4;
	s22 =	sshll.u32 s10, $0x1;
	s8 =	smul.u32 $0x27100, s10  }
0xa: {  	[smem:$0x7FF] =	sst s3;
	s10 =	smul.u32 $0x13880, s10;
	s4 =	sor.u32 s5, s22  }
0xb: {  	_ =	strace $0x8000004A;
	s7 =	ssub.s32 $0x2, s5;
	s11 =	smul.u32 $0x138800, s5  }
0xc: {  	s22 =	simm.s32 $0x4DD0;
	s6 =	smul.u32 $0x2710, s4;
	s4 =	sadd.s32 $0x15800, s0  }
0xd: {  	s9 =	sshrl.u32 s7, $0x1;
	s23 =	sshrl.u32 s8, $0x2;
	s24 =	sshrl.u32 s10, $0x1  }
0xe: {  	s13 =	ssub.s32 s7, s9;
	s25 =	sadd.s32 s23, s2;
	s5 =	sadd.s32 s24, s2  }
0xf: {  	s12 =	sadd.s32 s10, s11;
	s23 =	simm.s32 $0x8A20;
	s6 =	sshrl.u32 s6, $0x3  }
0x10: {  	s7 =	sadd.s32 $0x3E80, s25;
	s8 =	sadd.s32 $0x5DC0, s25;
	s9 =	sadd.s32 $0x7D00, s25  }
0x11: {  	s26 =	sshrl.u32 s12, $0x4;
	s13 =	smax.u32 s13, $0x1;
	s0 =	sadd.s32 s6, s0  }
0x12: {  	s6 =	sadd.s32 $0x1F40, s25;
	s12 =	sadd.s32 s1, s26;
	s25 =	simm.s32 $0x9E20  }
0x13: {  	v0 =	vimm.bf16 $0.0e+00;
	s26 =	simm.s32 $0x1;
	s10 =	sadd.s32 $0x1E00, s0;
	s11 =	sadd.s32 $0xBA40, s0  }
.LBB2_1:
0x14: {  	s24 =	simm.s32 $0x100;
	s0 =	simm.s32 $0x0  }
.LBB2_2:
0x15: {  	p0 =	sne.s32 s24, $0x7C00;
	[tilespmem:s0+$0xB250] =	vst v0;
	s1 =	smov.u32 s24;
	s24 =	sadd.s32 $0x100, s24  }
.Ltmp0:
0x16: {  	[tilespmem:s0+$0xB240] =	vst v0;
	(pc) =	sbr.rel @p0 .LBB2_2-.Ltmp0, $3  }
0x17: {  	[tilespmem:s0+$0xB220] =	vst v0  }
0x18: {  	[tilespmem:s0+$0xB230] =	vst v0;
	_ =	sdelay $0x1  }
0x19: {  	s0 =	sshra.s32 s1, $0x2  }
0x1a: {  	[tilespmem:s0+$0xB250] =	vst v0  }
0x1b: {  	[tilespmem:s0+$0xB240] =	vst v0  }
0x1c: {  	[tilespmem:s0+$0xB220] =	vst v0  }
0x1d: {  	[tilespmem:s0+$0xB230] =	vst v0  }
0x1e: {  	[spmem:s5] =	stream.linear.scatter [tilespmem:s14], [sflag:$0x6], $0x1F40, $0x38;
	[tilespmem:$0x16DA0] =	vst v63  }
0x1f: {  	_ =	swait.ge [sflag:s15], $0x1F40  }
0x20: {  	[sflag:s15] =	ssyncset.done $0x0  }
0x21: {  	[sflag:s15] =	ssyncadd.s32 $0xFFFFE0C0  }
0x22: {  	[spmem:s6] =	stream.linear.scatter [tilespmem:s14], [sflag:$0x6], $0x1F40, $0x38;
	[tilespmem:$0x16DA0] =	vst v63  }
0x23: {  	_ =	swait.ge [sflag:s15], $0x1F40  }
0x24: {  	[sflag:s15] =	ssyncset.done $0x0  }
0x25: {  	[sflag:s15] =	ssyncadd.s32 $0xFFFFE0C0  }
0x26: {  	[spmem:s7] =	stream.linear.scatter [tilespmem:s14], [sflag:$0x6], $0x1F40, $0x38;
	[tilespmem:$0x16DA0] =	vst v63  }
0x27: {  	_ =	swait.ge [sflag:s15], $0x1F40  }
0x28: {  	[sflag:s15] =	ssyncset.done $0x0  }
0x29: {  	[sflag:s15] =	ssyncadd.s32 $0xFFFFE0C0  }
0x2a: {  	[spmem:s8] =	stream.linear.scatter [tilespmem:s14], [sflag:$0x6], $0x1F40, $0x38;
	[tilespmem:$0x16DA0] =	vst v63  }
0x2b: {  	_ =	swait.ge [sflag:s15], $0x1F40  }
0x2c: {  	[sflag:s15] =	ssyncset.done $0x0  }
0x2d: {  	[sflag:s15] =	ssyncadd.s32 $0xFFFFE0C0  }
0x2e: {  	[spmem:s9] =	stream.linear.scatter [tilespmem:s14], [sflag:$0x6], $0x1F40, $0x38;
	[tilespmem:$0x16DA0] =	vst v63  }
0x2f: {  	_ =	swait.ge [sflag:s15], $0x1F40  }
0x30: {  	[sflag:s15] =	ssyncset.done $0x0  }
0x31: {  	s24 =	simm.s32 $0x0;
	[sflag:s15] =	ssyncadd.s32 $0xFFFFE0C0  }
0x32: {  	[tilespmem:s24], [sflag:$0x6] =	stream.linear.gather [hbm4b:s10+s24], $0x2710, $0x38;
	[tilespmem:$0x16DA0] =	vst v63  }
0x33: {  	_ =	swait.ge [sflag:s15], $0x2710  }
0x34: {  	[sflag:s15] =	ssyncset.done $0x0  }
0x35: {  	s1 =	simm.s32 $0x2710;
	[sflag:s15] =	ssyncadd.s32 $0xFFFFD8F0  }
0x36: {  	[tilespmem:s1], [sflag:$0x6] =	stream.linear.gather [hbm4b:s11+s24], $0x2710, $0x38;
	[tilespmem:$0x16DA0] =	vst v63  }
0x37: {  	_ =	swait.ge [sflag:s15], $0x2710  }
0x38: {  	[sflag:s15] =	ssyncset.done $0x0  }
0x39: {  	[sflag:s15] =	ssyncadd.s32 $0xFFFFD8F0  }
0x3a: {  	[bflag:$0x0] =	sbarrier.arrive $0xFFFF  }
0x3b: {  	[tilespmem:s18], [sflag:$0x1] =	stream.indirect.gather [hbm4b:s4+s17], $0x40, s24, s17, $0xb8;
	[tilespmem:$0x16DA0] =	vst v63  }
0x3c: {  	_ = 	snop  }
0x3d: {  	[tilespmem:s19], [sflag:$0x2] =	stream.indirect.gather [hbm4b:s4+s17], $0x40, s17, s17, $0xb8;
	[tilespmem:$0x16DA0] =	vst v63  }
0x3e: {  	s1 =	simm.s32 $0xA0  }
0x3f: {  	[tilespmem:s21], [sflag:$0x3] =	stream.indirect.gather [hbm4b:s4+s17], $0x40, s1, s17, $0xb8;
	[tilespmem:$0x16DA0] =	vst v63  }
0x40: {  	s24 =	simm.s32 $0xF0  }
0x41: {  	[tilespmem:s23], [sflag:$0x4] =	stream.indirect.gather [hbm4b:s4+s17], $0x40, s24, s17, $0xb8;
	[tilespmem:$0x16DA0] =	vst v63  }
0x42: {  	s1 =	simm.s32 $0x140  }
0x43: {  	[tilespmem:s25], [sflag:$0x5] =	stream.indirect.gather [hbm4b:s4+s17], $0x40, s1, s17, $0xb8;
	[tilespmem:$0x16DA0] =	vst v63  }
0x44: {  	_ =	swait.ge [sflag:s26], $0x1400  }
0x45: {  	[sflag:s26] =	ssyncset.done $0x0  }
0x46: {  	s24 =	simm.s32 $0x2710;
	[sflag:s26] =	ssyncadd.s32 $0xFFFFEC00  }
0x47: {  	[spmem:s2] =	stream.indirect.scatter.add.bf16 [tilespmem:s18], [sflag:$0x6], $0x40, s24, s17, $0xb8;
	[tilespmem:$0x16DA0] =	vst v63  }
0x48: {  	_ =	swait.ge [sflag:s15], $0x1400  }
0x49: {  	[sflag:s15] =	ssyncset.done $0x0  }
0x4a: {  	s1 =	simm.s32 $0x190;
	[sflag:s15] =	ssyncadd.s32 $0xFFFFEC00  }
0x4b: {  	[tilespmem:s18], [sflag:$0x1] =	stream.indirect.gather [hbm4b:s4+s17], $0x40, s1, s17, $0xb8;
	[tilespmem:$0x16DA0] =	vst v63  }
0x4c: {  	_ =	swait.ge [sflag:s28], $0x1400  }
0x4d: {  	[sflag:s28] =	ssyncset.done $0x0  }
0x4e: {  	s24 =	simm.s32 $0x2760;
	[sflag:s28] =	ssyncadd.s32 $0xFFFFEC00  }
0x4f: {  	[spmem:s2] =	stream.indirect.scatter.add.bf16 [tilespmem:s19], [sflag:$0x6], $0x40, s24, s17, $0xb8;
	[tilespmem:$0x16DA0] =	vst v63  }
0x50: {  	_ =	swait.ge [sflag:s15], $0x1400  }
0x51: {  	[sflag:s15] =	ssyncset.done $0x0  }
0x52: {  	s1 =	simm.s32 $0x1E0;
	[sflag:s15] =	ssyncadd.s32 $0xFFFFEC00  }
0x53: {  	[tilespmem:s19], [sflag:$0x2] =	stream.indirect.gather [hbm4b:s4+s17], $0x40, s1, s17, $0xb8;
	[tilespmem:$0x16DA0] =	vst v63  }
0x54: {  	_ =	swait.ge [sflag:s29], $0x1400  }
0x55: {  	[sflag:s29] =	ssyncset.done $0x0  }
0x56: {  	s24 =	simm.s32 $0x27B0;
	[sflag:s29] =	ssyncadd.s32 $0xFFFFEC00  }
0x57: {  	[spmem:s2] =	stream.indirect.scatter.add.bf16 [tilespmem:s21], [sflag:$0x6], $0x40, s24, s17, $0xb8;
	[tilespmem:$0x16DA0] =	vst v63  }
0x58: {  	_ =	swait.ge [sflag:s15], $0x1400  }
0x59: {  	[sflag:s15] =	ssyncset.done $0x0  }
0x5a: {  	s1 =	simm.s32 $0x230;
	[sflag:s15] =	ssyncadd.s32 $0xFFFFEC00  }
0x5b: {  	[tilespmem:s21], [sflag:$0x3] =	stream.indirect.gather [hbm4b:s4+s17], $0x40, s1, s17, $0xb8;
	[tilespmem:$0x16DA0] =	vst v63  }
0x5c: {  	_ =	swait.ge [sflag:s30], $0x1400  }
0x5d: {  	[sflag:s30] =	ssyncset.done $0x0  }
0x5e: {  	s24 =	simm.s32 $0x2800;
	[sflag:s30] =	ssyncadd.s32 $0xFFFFEC00  }
0x5f: {  	[spmem:s2] =	stream.indirect.scatter.add.bf16 [tilespmem:s23], [sflag:$0x6], $0x40, s24, s17, $0xb8;
	[tilespmem:$0x16DA0] =	vst v63  }
0x60: {  	_ =	swait.ge [sflag:s15], $0x1400  }
0x61: {  	[sflag:s15] =	ssyncset.done $0x0  }
0x62: {  	s1 =	simm.s32 $0x280;
	[sflag:s15] =	ssyncadd.s32 $0xFFFFEC00  }
0x63: {  	[tilespmem:s23], [sflag:$0x4] =	stream.indirect.gather [hbm4b:s4+s17], $0x40, s1, s17, $0xb8;
	[tilespmem:$0x16DA0] =	vst v63  }
0x64: {  	_ =	swait.ge [sflag:s31], $0x1400  }
0x65: {  	[sflag:s31] =	ssyncset.done $0x0  }
0x66: {  	s24 =	simm.s32 $0x2850;
	[sflag:s31] =	ssyncadd.s32 $0xFFFFEC00  }
0x67: {  	[spmem:s2] =	stream.indirect.scatter.add.bf16 [tilespmem:s25], [sflag:$0x6], $0x40, s24, s17, $0xb8;
	[tilespmem:$0x16DA0] =	vst v63  }
0x68: {  	_ =	swait.ge [sflag:s15], $0x1400  }
0x69: {  	[sflag:s15] =	ssyncset.done $0x0  }
0x6a: {  	s0 =	simm.s32 $0x2D0;
	s24 =	simm.s32 $0x640;
	[sflag:s15] =	ssyncadd.s32 $0xFFFFEC00  }
.LBB2_4:
0x6b: {  	[tilespmem:s25], [sflag:$0x5] =	stream.indirect.gather [hbm4b:s4+s17], $0x40, s0, s17, $0xb8;
	[tilespmem:$0x16DA0] =	vst v63  }
0x6c: {  	s0 =	smov.u32 s24  }
0x6d: {  	p0 =	sne.s32 s24, $0x8FC0;
	s24 =	sadd.s32 $0x640, s24;
	_ =	swait.ge [sflag:s26], $0x1400  }
0x6e: {  	s0 =	sshra.s32 s0, $0x2;
	[sflag:s26] =	ssyncset.done $0x0  }
0x6f: {  	s1 =	sadd.s32 $0x2710, s0;
	[sflag:s26] =	ssyncadd.s32 $0xFFFFEC00  }
0x70: {  	[spmem:s2] =	stream.indirect.scatter.add.bf16 [tilespmem:s18], [sflag:$0x6], $0x40, s1, s17, $0xb8;
	[tilespmem:$0x16DA0] =	vst v63  }
0x71: {  	_ =	swait.ge [sflag:s15], $0x1400  }
0x72: {  	[sflag:s15] =	ssyncset.done $0x0  }
0x73: {  	s1 =	sadd.s32 $0x190, s0;
	[sflag:s15] =	ssyncadd.s32 $0xFFFFEC00  }
0x74: {  	[tilespmem:s18], [sflag:$0x1] =	stream.indirect.gather [hbm4b:s4+s17], $0x40, s1, s17, $0xb8;
	[tilespmem:$0x16DA0] =	vst v63  }
0x75: {  	_ =	swait.ge [sflag:s28], $0x1400  }
0x76: {  	[sflag:s28] =	ssyncset.done $0x0  }
0x77: {  	s1 =	sadd.s32 $0x2760, s0;
	[sflag:s28] =	ssyncadd.s32 $0xFFFFEC00  }
0x78: {  	[spmem:s2] =	stream.indirect.scatter.add.bf16 [tilespmem:s19], [sflag:$0x6], $0x40, s1, s17, $0xb8;
	[tilespmem:$0x16DA0] =	vst v63  }
0x79: {  	_ =	swait.ge [sflag:s15], $0x1400  }
0x7a: {  	[sflag:s15] =	ssyncset.done $0x0  }
0x7b: {  	s1 =	sadd.s32 $0x1E0, s0;
	[sflag:s15] =	ssyncadd.s32 $0xFFFFEC00  }
0x7c: {  	[tilespmem:s19], [sflag:$0x2] =	stream.indirect.gather [hbm4b:s4+s17], $0x40, s1, s17, $0xb8;
	[tilespmem:$0x16DA0] =	vst v63  }
0x7d: {  	_ =	swait.ge [sflag:s29], $0x1400  }
0x7e: {  	[sflag:s29] =	ssyncset.done $0x0  }
0x7f: {  	s1 =	sadd.s32 $0x27B0, s0;
	[sflag:s29] =	ssyncadd.s32 $0xFFFFEC00  }
0x80: {  	[spmem:s2] =	stream.indirect.scatter.add.bf16 [tilespmem:s21], [sflag:$0x6], $0x40, s1, s17, $0xb8;
	[tilespmem:$0x16DA0] =	vst v63  }
0x81: {  	_ =	swait.ge [sflag:s15], $0x1400  }
0x82: {  	[sflag:s15] =	ssyncset.done $0x0  }
0x83: {  	s1 =	sadd.s32 $0x230, s0;
	[sflag:s15] =	ssyncadd.s32 $0xFFFFEC00  }
0x84: {  	[tilespmem:s21], [sflag:$0x3] =	stream.indirect.gather [hbm4b:s4+s17], $0x40, s1, s17, $0xb8;
	[tilespmem:$0x16DA0] =	vst v63  }
0x85: {  	_ =	swait.ge [sflag:s30], $0x1400  }
0x86: {  	[sflag:s30] =	ssyncset.done $0x0  }
0x87: {  	s1 =	sadd.s32 $0x2800, s0;
	[sflag:s30] =	ssyncadd.s32 $0xFFFFEC00  }
0x88: {  	[spmem:s2] =	stream.indirect.scatter.add.bf16 [tilespmem:s23], [sflag:$0x6], $0x40, s1, s17, $0xb8;
	[tilespmem:$0x16DA0] =	vst v63  }
0x89: {  	_ =	swait.ge [sflag:s15], $0x1400  }
0x8a: {  	[sflag:s15] =	ssyncset.done $0x0  }
0x8b: {  	s1 =	sadd.s32 $0x280, s0;
	[sflag:s15] =	ssyncadd.s32 $0xFFFFEC00  }
0x8c: {  	[tilespmem:s23], [sflag:$0x4] =	stream.indirect.gather [hbm4b:s4+s17], $0x40, s1, s17, $0xb8;
	[tilespmem:$0x16DA0] =	vst v63  }
0x8d: {  	_ =	swait.ge [sflag:s31], $0x1400  }
0x8e: {  	[sflag:s31] =	ssyncset.done $0x0  }
.Ltmp1:
0x8f: {  	s1 =	sadd.s32 $0x2850, s0;
	[sflag:s31] =	ssyncadd.s32 $0xFFFFEC00;
	(pc) =	sbr.rel @p0 .LBB2_4-.Ltmp1, $4  }
0x90: {  	[spmem:s2] =	stream.indirect.scatter.add.bf16 [tilespmem:s25], [sflag:$0x6], $0x40, s1, s17, $0xb8;
	[tilespmem:$0x16DA0] =	vst v63  }
0x91: {  	_ =	swait.ge [sflag:s15], $0x1400  }
0x92: {  	[sflag:s15] =	ssyncset.done $0x0  }
0x93: {  	s0 =	sadd.s32 $0x2D0, s0;
	[sflag:s15] =	ssyncadd.s32 $0xFFFFEC00  }
0x94: {  	[tilespmem:s25], [sflag:$0x5] =	stream.indirect.gather [hbm4b:s4+s17], $0x40, s0, s17, $0xb8;
	[tilespmem:$0x16DA0] =	vst v63  }
0x95: {  	_ =	swait.ge [sflag:s26], $0x1400  }
0x96: {  	[sflag:s26] =	ssyncset.done $0x0  }
0x97: {  	s24 =	simm.s32 $0x4C90;
	[sflag:s26] =	ssyncadd.s32 $0xFFFFEC00  }
0x98: {  	[spmem:s2] =	stream.indirect.scatter.add.bf16 [tilespmem:s18], [sflag:$0x6], $0x40, s24, s17, $0xb8;
	[tilespmem:$0x16DA0] =	vst v63  }
0x99: {  	_ =	swait.ge [sflag:s15], $0x1400  }
0x9a: {  	[sflag:s15] =	ssyncset.done $0x0  }
0x9b: {  	[sflag:s15] =	ssyncadd.s32 $0xFFFFEC00  }
0x9c: {  	_ =	swait.ge [sflag:s28], $0x1400  }
0x9d: {  	[sflag:s28] =	ssyncset.done $0x0  }
0x9e: {  	s1 =	simm.s32 $0x4CE0;
	[sflag:s28] =	ssyncadd.s32 $0xFFFFEC00  }
0x9f: {  	[spmem:s2] =	stream.indirect.scatter.add.bf16 [tilespmem:s19], [sflag:$0x6], $0x40, s1, s17, $0xb8;
	[tilespmem:$0x16DA0] =	vst v63  }
0xa0: {  	_ =	swait.ge [sflag:s15], $0x1400  }
0xa1: {  	[sflag:s15] =	ssyncset.done $0x0  }
0xa2: {  	[sflag:s15] =	ssyncadd.s32 $0xFFFFEC00  }
0xa3: {  	_ =	swait.ge [sflag:s29], $0x1400  }
0xa4: {  	[sflag:s29] =	ssyncset.done $0x0  }
0xa5: {  	[sflag:s29] =	ssyncadd.s32 $0xFFFFEC00  }
0xa6: {  	[spmem:s2] =	stream.indirect.scatter.add.bf16 [tilespmem:s21], [sflag:$0x6], $0x40, s16, s17, $0xb8;
	[tilespmem:$0x16DA0] =	vst v63  }
0xa7: {  	_ =	swait.ge [sflag:s15], $0x1400  }
0xa8: {  	[sflag:s15] =	ssyncset.done $0x0  }
0xa9: {  	[sflag:s15] =	ssyncadd.s32 $0xFFFFEC00  }
0xaa: {  	_ =	swait.ge [sflag:s30], $0x1400  }
0xab: {  	[sflag:s30] =	ssyncset.done $0x0  }
0xac: {  	[sflag:s30] =	ssyncadd.s32 $0xFFFFEC00  }
0xad: {  	[spmem:s2] =	stream.indirect.scatter.add.bf16 [tilespmem:s23], [sflag:$0x6], $0x40, s20, s17, $0xb8;
	[tilespmem:$0x16DA0] =	vst v63  }
0xae: {  	_ =	swait.ge [sflag:s15], $0x1400  }
0xaf: {  	[sflag:s15] =	ssyncset.done $0x0  }
0xb0: {  	[sflag:s15] =	ssyncadd.s32 $0xFFFFEC00  }
0xb1: {  	_ =	swait.ge [sflag:s31], $0x1400  }
0xb2: {  	[sflag:s31] =	ssyncset.done $0x0  }
0xb3: {  	[sflag:s31] =	ssyncadd.s32 $0xFFFFEC00  }
0xb4: {  	[spmem:s2] =	stream.indirect.scatter.add.bf16 [tilespmem:s25], [sflag:$0x6], $0x40, s22, s17, $0xb8;
	[tilespmem:$0x16DA0] =	vst v63  }
0xb5: {  	s24 =	stileid.u32;
	_ =	swait.ge [sflag:s15], $0x1400  }
0xb6: {  	s3 =	sadd.s32 $0x1, s3;
	s0 =	sshll.u32 s24, $0x6;
	[sflag:s15] =	ssyncset.done $0x0  }
0xb7: {  	p0 =	sne.s32 s3, s13;
	s0 =	sor.u32 $0x1C06, s0;
	[sflag:s15] =	ssyncadd.s32 $0xFFFFEC00  }
.Ltmp2:
0xb8: {  	s1 =	sshrl.u32 s5, $0x3;
	[bflag:$0x0] =	sbarrier.arrive $0xFFFF;
	(pc) =	sbr.rel @p0 .LBB2_1-.Ltmp2, $4  }
0xb9: {  	[hbm:s12], [sflag:s0] =	dma.local [spmem:s1], $0x1388  }
0xba: {  	_ =	swait.ge [sflag:s15], $0x1388  }
0xbb: {  	[sflag:s15] =	ssyncset.done $0x0  }
0xbc: {  	[sflag:s15] =	ssyncadd.s32 $0xFFFFEC78  }
0xbd: {  	_ =	sfence.sel $0x180000  }
0xbe: {  	[bflag:$0x0] =	sbarrier.arrive $0xFFFF  }
0xbf: {  	_ =	strace $0x9000004A  }
0xc0: {  	s0 =	stileid.u32;
	[bflag:$0x2] =	sbarrier.arrive $0xFFFF  }
0xc1: {  	p0 =	sne.s32 s0, $0x0;
	s0 =	rddreg [dreg:$0x3]  }
0xc2: {  	s0 =	sadd.s32 @!p0 $0x100000, s0  }
0xc3: {  	[sflag:s0] =	ssyncadd.tile.s32 @!p0 $0x1;
	_ =	shalt  }
.Lfunc_end2:
_tile_overlayer_lowered:
.L_overlay_start_2:
0xc4: {  	(tag) =	ssettag $0x2  }
0xc5: {  	s0 =	rddreg [dreg:$0x0];
	s2 =	stileid.u32  }
0xc6: {  	s1 =	rddreg [dreg:$0x1];
	p0 =	sne.s32 s2, $0x0  }
0xc7: {  	s3 =	rddreg [dreg:$0x2];
	[bflag:$0x3] =	sbarrier.arrive $0xFFFF;
	s2 =	simm.s32 @!p0 $0x1C06  }
0xc8: {  	[timem:s3], [sflag:s2] =	dma.local @!p0 [hbm:s0], s1  }
0xc9: {  	s0 =	simm.s32 @!p0 $0x6  }
0xca: {  	_ =	swait.ge @!p0 [sflag:s0], s1  }
0xcb: {  	s1 =	ssub.s32 @!p0 $0x0, s1;
	[sflag:s0] =	ssyncset.done @!p0 $0x0  }
0xcc: {  	[sflag:s0] =	ssyncadd.s32 @!p0 s1  }
0xcd: {  	[bflag:$0x3] =	sbarrier.arrive $0xFFFF  }
0xce: {  	_ =	shalt  }

// kernel: kernel.15.cloned.1.call-start
scs
__scs_entry_jumppad:
0x0: {  	(pc) =	sbr.rel $0x88, $3  }
0x1: {  	(tag) =	ssettag $0x0;
	lr =	simm.s32 $0x1  }
0x2: {  	[smem:$0x3F9B] =	sst lr;
	_ =	strace $0xD0000000  }
0x3: {  	_ = 	snop  }
0x4: {  	_ = 	snop  }
0x5: {  	_ = 	snop  }
0x6: {  	_ = 	snop  }
0x7: {  	_ = 	snop  }
__scs_overlays_trampoline_lowered:
0x8: {  	[smem:$0x3FAA] =	sst s0  }
0x9: {  	[smem:$0x3FAB] =	sst s1  }
0xa: {  	[smem:$0x3FAC] =	sst s2  }
0xb: {  	[smem:$0x3FAD] =	sst s3  }
0xc: {  	[smem:$0x3FAE] =	sst s4  }
0xd: {  	[smem:$0x3FAF] =	sst s5  }
0xe: {  	[smem:$0x3FB0] =	sst s6  }
0xf: {  	[smem:$0x3FB1] =	sst s7  }
0x10: {  	[smem:$0x3FB2] =	sst s8  }
0x11: {  	[smem:$0x3FB3] =	sst s9;
	s0 =	simm.s32 @!p0 $0x0  }
0x12: {  	s1 =	sld [smem:$0x3F99];
	s0 =	simm.s32 @p0 $0x1  }
0x13: {  	[smem:$0x3FB4] =	sst s0;
	s0 =	simm.s32 @!p1 $0x0  }
0x14: {  	s2 =	sld [smem:$0x3F98];
	s0 =	simm.s32 @p1 $0x1  }
0x15: {  	[smem:$0x3FB5] =	sst s0;
	s0 =	simm.s32 @!p2 $0x0  }
0x16: {  	s3 =	sld [smem:$0x3FDB];
	s0 =	simm.s32 @p2 $0x1  }
0x17: {  	s4 =	simm.s32 $0x1BF5;
	[smem:$0x3FB7] =	sst s0  }
0x18: {  	s0 =	sld [smem:$0x3F9A];
	_ =	swait.ge [sflag:s4], $0x0  }
0x19: {  	s7 =	sld [smem:$0x3F9B]  }
0x1a: {  	s8 =	sadd.s32 $0xFFFFE003, lr  }
0x1b: {  	s9 =	sadd.s32 $0xFFFFFEF7, lr;
	s5 =	simm.s32 $0xFFFFFFFF;
	p2 =	slt.u32 s8, $0xFFFFF086  }
0x1c: {  	p1 =	slt.u32 s9, $0xF7A;
	s5 =	simm.s32 @!p2 $0x0  }
0x1d: {  	s5 =	simm.s32 @p1 $0x1;
	p0 =	seq.s32 s7, s2  }
0x1e: {  	s7 =	smul.u32 @!p0 $0xF7A, s2;
	p2 =	seq.s32 @!p0 s5, $0x0  }
0x1f: {  	s9 =	smul.u32 $0xF7A, s1;
	s8 =	simm.s32 @!p0 $0x1BF5;
	p2 =	por !p2, p0  }
0x20: {  	[sflag:s8] =	ssyncset.s32 @!p0 $0xFFFFF086;
	s6 =	sadd.s32 @!p0 s3, s7;
	s7 =	simm.s32 @!p0 $0x108  }
0x21: {  	s3 =	sadd.s32 s3, s9;
	s6 =	sadd.s32 @!p0 $0x88, s6;
	s7 =	simm.s32 @p2 $0x1082  }
0x22: {  	[simem:s7], [sflag:s8] =	dma.local @!p0 [hbm:s6], $0xF7A  }
0x23: {  	s9 =	sor.u32 $0xD0000000, s2;
	s6 =	simm.s32 $0x108;
	_ =	swait.ge @!p0 [sflag:s8], $0x0  }
0x24: {  	s3 =	sadd.s32 $0x88, s3;
	s6 =	simm.s32 @!p1 $0x1082;
	[sflag:s4] =	ssyncset.s32 $0xFFFFF086  }
0x25: {  	[simem:s6], [sflag:s4] =	dma.local [hbm:s3], $0xF7A  }
0x26: {  	[smem:$0x3F9B] =	sst s1;
	(tag) =	ssettag s2;
	_ =	strace s9  }
0x27: {  	s1 =	sld [smem:$0x3FAB]  }
0x28: {  	s2 =	sld [smem:$0x3FAC]  }
0x29: {  	s4 =	sld [smem:$0x3FAE]  }
0x2a: {  	p0 =	seq.s32 s5, $0x0;
	s5 =	sld [smem:$0x3FAF]  }
0x2b: {  	s6 =	sld [smem:$0x3FB0]  }
0x2c: {  	s7 =	sld [smem:$0x3FB1]  }
0x2d: {  	s3 =	simm.s32 $0x108;
	s8 =	sld [smem:$0x3FB2]  }
0x2e: {  	s3 =	simm.s32 @!p0 $0x1082;
	s9 =	sld [smem:$0x3FB3]  }
0x2f: {  	lr =	sadd.s32 s0, s3;
	s0 =	sld [smem:$0x3FAA]  }
0x30: {  	s3 =	sld [smem:$0x3FAD]  }
0x31: {  	[smem:$0x3FB6] =	sst s10  }
0x32: {  	s10 =	sld [smem:$0x3FB4];
	_ =	sdelay $0x3  }
0x33: {  	p0 =	seq.s32 s10, $0x1;
	s10 =	sld [smem:$0x3FB6];
	_ =	sdelay $0x3  }
0x34: {  	[smem:$0x3FB6] =	sst s10  }
0x35: {  	s10 =	sld [smem:$0x3FB5];
	_ =	sdelay $0x3  }
0x36: {  	p1 =	seq.s32 s10, $0x1;
	s10 =	sld [smem:$0x3FB6];
	_ =	sdelay $0x3  }
0x37: {  	[smem:$0x3FB6] =	sst s10  }
0x38: {  	s10 =	sld [smem:$0x3FB7]  }
0x39: {  	_ = 	snop;
	(pc) =	sbr.ind lr, $3  }
0x3a: {  	_ = 	snop  }
0x3b: {  	_ = 	snop  }
0x3c: {  	p2 =	seq.s32 s10, $0x1;
	s10 =	sld [smem:$0x3FB6]  }
0x3d: {  	_ =	shalt  }
0x3e: {  	_ =	shalt  }
0x3f: {  	_ =	shalt  }
0x40: {  	_ =	shalt  }
0x41: {  	_ =	shalt  }
0x42: {  	_ =	shalt  }
0x43: {  	_ =	shalt  }
0x44: {  	_ =	shalt  }
0x45: {  	_ =	shalt  }
0x46: {  	_ =	shalt  }
0x47: {  	_ =	shalt  }
0x48: {  	_ =	shalt  }
0x49: {  	_ =	shalt  }
0x4a: {  	_ =	shalt  }
0x4b: {  	_ =	shalt  }
0x4c: {  	_ =	shalt  }
0x4d: {  	_ =	shalt  }
0x4e: {  	_ =	shalt  }
0x4f: {  	_ =	shalt  }
0x50: {  	_ =	shalt  }
0x51: {  	_ =	shalt  }
0x52: {  	_ =	shalt  }
0x53: {  	_ =	shalt  }
0x54: {  	_ =	shalt  }
0x55: {  	_ =	shalt  }
0x56: {  	_ =	shalt  }
0x57: {  	_ =	shalt  }
0x58: {  	_ =	shalt  }
0x59: {  	_ =	shalt  }
0x5a: {  	_ =	shalt  }
0x5b: {  	_ =	shalt  }
0x5c: {  	_ =	shalt  }
0x5d: {  	_ =	shalt  }
0x5e: {  	_ =	shalt  }
0x5f: {  	_ =	shalt  }
0x60: {  	_ =	shalt  }
0x61: {  	_ =	shalt  }
0x62: {  	_ =	shalt  }
0x63: {  	_ =	shalt  }
0x64: {  	_ =	shalt  }
0x65: {  	_ =	shalt  }
0x66: {  	_ =	shalt  }
0x67: {  	_ =	shalt  }
0x68: {  	_ =	shalt  }
0x69: {  	_ =	shalt  }
0x6a: {  	_ =	shalt  }
0x6b: {  	_ =	shalt  }
0x6c: {  	_ =	shalt  }
0x6d: {  	_ =	shalt  }
0x6e: {  	_ =	shalt  }
0x6f: {  	_ =	shalt  }
0x70: {  	_ =	shalt  }
0x71: {  	_ =	shalt  }
0x72: {  	_ =	shalt  }
0x73: {  	_ =	shalt  }
0x74: {  	_ =	shalt  }
0x75: {  	_ =	shalt  }
0x76: {  	_ =	shalt  }
0x77: {  	_ =	shalt  }
0x78: {  	_ =	shalt  }
0x79: {  	_ =	shalt  }
0x7a: {  	_ =	shalt  }
0x7b: {  	_ =	shalt  }
0x7c: {  	_ =	shalt  }
0x7d: {  	_ =	shalt  }
0x7e: {  	_ =	shalt  }
0x7f: {  	_ =	shalt  }
0x80: {  	_ =	shalt  }
0x81: {  	_ =	shalt  }
0x82: {  	_ =	shalt  }
0x83: {  	_ =	shalt  }
0x84: {  	_ =	shalt  }
0x85: {  	_ =	shalt  }
0x86: {  	_ =	shalt  }
0x87: {  	_ =	shalt  }
.Lfunc_end0:
.L_simem_size_0:
called_computation.2_lowered:
.L_overlay_start_0:
0x88: {  	s2 =	sld [smem:$0x3FD9]  }
0x89: {  	s3 =	sld [smem:$0x3FFE];
	_ =	sdelay $0x1  }
0x8a: {  	s1 =	srdreg.scid  }
0x8b: {  	s0 =	sand.u32 $0x1, s1  }
0x8c: {  	s17 =	sshll.u32 s0, $0xA;
	s2 =	sadd.s32 s3, s2  }
0x8d: {  	s2 =	sadd.s32 s2, s17  }
0x8e: {  	[smem:$0x3FC2] =	sst s2  }
0x8f: {  	_ = 	snop  }
0x90: {  	s2 =	sld [smem:$0x3FD0];
	(tm) =	ssettm $0x1  }
0x91: {  	s18 =	sld [smem:$0x3FFB];
	_ =	sdelay $0x3  }
0x92: {  	_ =	strace s18  }
0x93: {  	s3 =	sld [smem:$0x3FFC];
	_ =	sdelay $0x3  }
0x94: {  	_ =	strace s3  }
0x95: {  	s3 =	sld [smem:$0x3FFD];
	_ =	sdelay $0x3  }
0x96: {  	_ =	strace s3  }
0x97: {  	_ =	strace $0x8FFFFFFF  }
0x98: {  	s19 =	sld [smem:$0x3FDB];
	_ =	sdelay $0x1  }
0x99: {  	s4 =	simm.s32 $_scs_section_size  }
0x9a: {  	s5 =	simm.s32 $_size__tile_overlayer_lowered;
	s6 =	simm.s32 $_tile_overlayer_lowered  }
0x9b: {  	s22 =	simm.s32 $0x1BFF;
	s21 =	sshll.u32 s6, $0x1;
	s3 =	sadd.s32 s4, s19  }
0x9c: {  	s7 =	simm.s32 $0x0;
	s20 =	sshll.u32 s5, $0x1;
	s5 =	sadd.s32 s21, s3  }
0x9d: {  	[timem:s7], [sflag:s22] =	dma.local [hbm:s5], s20  }
0x9e: {  	_ =	swait.ge [sflag:s22], s20  }
0x9f: {  	s4 =	ssub.s32 $0x0, s20;
	[sflag:s22] =	ssyncset.done $0x0  }
0xa0: {  	[sflag:s22] =	ssyncadd.s32 s4;
	_ =	sdelay $0x1  }
0xa1: {  	s23 =	simm.s32 $0x1B8B  }
0xa2: {  	_ =	swait.ge [sflag:s23], $0x1  }
0xa3: {  	[sflag:s23] =	ssyncset.done $0x0  }
0xa4: {  	s25 =	simm.s32 $0x1B8E;
	s24 =	sld [smem:$0x3FFE];
	[sflag:s23] =	ssyncadd.s32 $0xFFFFFFFF  }
0xa5: {  	s26 =	simm.s32 $execute0_lowered;
	[smem:$0x3FD2] =	sst s25  }
0xa6: {  	s5 =	sshll.u32 s26, $0x1;
	_ =	strace $0x8000004C;
	[dreg:$0x1] =	wrdreg $0xFFFFFFFF  }
0xa7: {  	s28 =	simm.s32 $_size_execute0_lowered;
	s3 =	sadd.s32 s3, s5;
	[dreg:$0x0] =	wrdreg $0x0  }
0xa8: {  	s5 =	sshll.u32 s28, $0x1;
	[dreg:$0x2] =	wrdreg s3  }
0xa9: {  	[dreg:$0x3] =	wrdreg s5  }
0xaa: {  	[dreg:$0x4] =	wrdreg $0xC0  }
0xab: {  	_ =	task [dreg:s7], $0x5FFFF  }
0xac: {  	[dreg:$0x1] =	wrdreg $0xFFFFFFFF  }
0xad: {  	[dreg:$0x0] =	wrdreg $0x60  }
0xae: {  	[dreg:$0x2] =	wrdreg s24  }
0xaf: {  	[dreg:$0x3] =	wrdreg s2  }
0xb0: {  	[dreg:$0x4] =	wrdreg $0xD1600  }
0xb1: {  	[dreg:$0x5] =	wrdreg $0x9  }
0xb2: {  	_ =	task.clear_ibuf [dreg:s7], $0x6FFFF;
	_ =	strace $0x9000004C  }
0xb3: {  	s29 =	simm.s32 $0x9;
	_ =	strace $0x8000004E  }
0xb4: {  	_ =	swait.ge [sflag:s29], $0x1  }
0xb5: {  	[sflag:s29] =	ssyncadd.s32 $0xFFFFFFFF  }
0xb6: {  	_ =	strace $0x9000004E  }
0xb7: {  	_ =	sfence  }
0xb8: {  	s30 =	sld [smem:$0x0];
	_ =	sdelay $0x2  }
0xb9: {  	s31 =	sshll.u32 s1, $0xD;
	s1 =	sshrl.u32 s1, $0x2  }
0xba: {  	s3 =	sand.u32 $0x4000, s31;
	s1 =	sadd.s32 s1, s30  }
0xbb: {  	s0 =	sor.u32 s3, s0;
	s1 =	sshll.u32 s1, $0x11  }
0xbc: {  	s0 =	sor.u32 s1, s0  }
0xbd: {  	s0 =	sadd.s32 $0x8F2B, s0  }
0xbe: {  	[sflag:s0] =	ssyncadd.remote.s32 $0x1  }
0xbf: {  	_ =	sfence.sel $0xFFFF  }
0xc0: {  	[dreg:$0x0] =	wrdreg $0xFFFFFFFF;
	(pc) =	sbr.abs _section_cstart, $3  }
0xc1: {  	[dreg:$0x1] =	wrdreg $0xFFFFFFFF  }
0xc2: {  	_ =	task.clear_ibuf [dreg:s7], $0x2FFFF;
	_ =	strace $0x9FFFFFFF  }
0xc3: {  	(tm) =	ssettm $0x7FFFFFFF  }
tec
execute0_lowered:
.L_overlay_start_1:
0x0: {  	(tag) =	ssettag $0x1  }
0x1: {  	s0 =	rddreg [dreg:$0x0]  }
0x2: {  	s1 =	rddreg [dreg:$0x1]  }
0x3: {  	s2 =	rddreg [dreg:$0x2]  }
0x4: {  	s4 =	srdreg.scid;
	s10 =	stileid.u32;
	s3 =	simm.s32 $0x0  }
0x5: {  	s14 =	simm.s32 $0xB220;
	s15 =	simm.s32 $0x6;
	s17 =	simm.s32 $0x50  }
0x6: {  	s18 =	simm.s32 $0x4E20;
	s19 =	simm.s32 $0x6220;
	s21 =	simm.s32 $0x7620  }
0x7: {  	s28 =	simm.s32 $0x2;
	s29 =	simm.s32 $0x3;
	s30 =	simm.s32 $0x4  }
0x8: {  	s31 =	simm.s32 $0x5;
	s16 =	simm.s32 $0x4D30;
	s20 =	simm.s32 $0x4D80  }
0x9: {  	s5 =	sand.u32 $0x1, s4;
	s22 =	sshll.u32 s10, $0x1;
	s8 =	smul.u32 $0x27100, s10  }
0xa: {  	[smem:$0x7FF] =	sst s3;
	s10 =	smul.u32 $0x13880, s10;
	s4 =	sor.u32 s5, s22  }
0xb: {  	_ =	strace $0x8000004D;
	s7 =	ssub.s32 $0x2, s5;
	s11 =	smul.u32 $0x138800, s5  }
0xc: {  	s22 =	simm.s32 $0x4DD0;
	s6 =	smul.u32 $0x2710, s4;
	s4 =	sadd.s32 $0x15800, s0  }
0xd: {  	s9 =	sshrl.u32 s7, $0x1;
	s23 =	sshrl.u32 s8, $0x2;
	s24 =	sshrl.u32 s10, $0x1  }
0xe: {  	s13 =	ssub.s32 s7, s9;
	s25 =	sadd.s32 s23, s2;
	s5 =	sadd.s32 s24, s2  }
0xf: {  	s12 =	sadd.s32 s10, s11;
	s23 =	simm.s32 $0x8A20;
	s6 =	sshrl.u32 s6, $0x3  }
0x10: {  	s7 =	sadd.s32 $0x3E80, s25;
	s8 =	sadd.s32 $0x5DC0, s25;
	s9 =	sadd.s32 $0x7D00, s25  }
0x11: {  	s26 =	sshrl.u32 s12, $0x4;
	s13 =	smax.u32 s13, $0x1;
	s0 =	sadd.s32 s6, s0  }
0x12: {  	s6 =	sadd.s32 $0x1F40, s25;
	s12 =	sadd.s32 s1, s26;
	s25 =	simm.s32 $0x9E20  }
0x13: {  	v0 =	vimm.bf16 $0.0e+00;
	s26 =	simm.s32 $0x1;
	s10 =	sadd.s32 $0x1E00, s0;
	s11 =	sadd.s32 $0xBA40, s0  }
.LBB2_1:
0x14: {  	s24 =	simm.s32 $0x100;
	s0 =	simm.s32 $0x0  }
.LBB2_2:
0x15: {  	p0 =	sne.s32 s24, $0x7C00;
	[tilespmem:s0+$0xB250] =	vst v0;
	s1 =	smov.u32 s24;
	s24 =	sadd.s32 $0x100, s24  }
.Ltmp0:
0x16: {  	[tilespmem:s0+$0xB240] =	vst v0;
	(pc) =	sbr.rel @p0 .LBB2_2-.Ltmp0, $3  }
0x17: {  	[tilespmem:s0+$0xB220] =	vst v0  }
0x18: {  	[tilespmem:s0+$0xB230] =	vst v0;
	_ =	sdelay $0x1  }
0x19: {  	s0 =	sshra.s32 s1, $0x2  }
0x1a: {  	[tilespmem:s0+$0xB250] =	vst v0  }
0x1b: {  	[tilespmem:s0+$0xB240] =	vst v0  }
0x1c: {  	[tilespmem:s0+$0xB220] =	vst v0  }
0x1d: {  	[tilespmem:s0+$0xB230] =	vst v0  }
0x1e: {  	[spmem:s5] =	stream.linear.scatter [tilespmem:s14], [sflag:$0x6], $0x1F40, $0x38;
	[tilespmem:$0x16DA0] =	vst v63  }
0x1f: {  	_ =	swait.ge [sflag:s15], $0x1F40  }
0x20: {  	[sflag:s15] =	ssyncset.done $0x0  }
0x21: {  	[sflag:s15] =	ssyncadd.s32 $0xFFFFE0C0  }
0x22: {  	[spmem:s6] =	stream.linear.scatter [tilespmem:s14], [sflag:$0x6], $0x1F40, $0x38;
	[tilespmem:$0x16DA0] =	vst v63  }
0x23: {  	_ =	swait.ge [sflag:s15], $0x1F40  }
0x24: {  	[sflag:s15] =	ssyncset.done $0x0  }
0x25: {  	[sflag:s15] =	ssyncadd.s32 $0xFFFFE0C0  }
0x26: {  	[spmem:s7] =	stream.linear.scatter [tilespmem:s14], [sflag:$0x6], $0x1F40, $0x38;
	[tilespmem:$0x16DA0] =	vst v63  }
0x27: {  	_ =	swait.ge [sflag:s15], $0x1F40  }
0x28: {  	[sflag:s15] =	ssyncset.done $0x0  }
0x29: {  	[sflag:s15] =	ssyncadd.s32 $0xFFFFE0C0  }
0x2a: {  	[spmem:s8] =	stream.linear.scatter [tilespmem:s14], [sflag:$0x6], $0x1F40, $0x38;
	[tilespmem:$0x16DA0] =	vst v63  }
0x2b: {  	_ =	swait.ge [sflag:s15], $0x1F40  }
0x2c: {  	[sflag:s15] =	ssyncset.done $0x0  }
0x2d: {  	[sflag:s15] =	ssyncadd.s32 $0xFFFFE0C0  }
0x2e: {  	[spmem:s9] =	stream.linear.scatter [tilespmem:s14], [sflag:$0x6], $0x1F40, $0x38;
	[tilespmem:$0x16DA0] =	vst v63  }
0x2f: {  	_ =	swait.ge [sflag:s15], $0x1F40  }
0x30: {  	[sflag:s15] =	ssyncset.done $0x0  }
0x31: {  	s24 =	simm.s32 $0x0;
	[sflag:s15] =	ssyncadd.s32 $0xFFFFE0C0  }
0x32: {  	[tilespmem:s24], [sflag:$0x6] =	stream.linear.gather [hbm4b:s10+s24], $0x2710, $0x38;
	[tilespmem:$0x16DA0] =	vst v63  }
0x33: {  	_ =	swait.ge [sflag:s15], $0x2710  }
0x34: {  	[sflag:s15] =	ssyncset.done $0x0  }
0x35: {  	s1 =	simm.s32 $0x2710;
	[sflag:s15] =	ssyncadd.s32 $0xFFFFD8F0  }
0x36: {  	[tilespmem:s1], [sflag:$0x6] =	stream.linear.gather [hbm4b:s11+s24], $0x2710, $0x38;
	[tilespmem:$0x16DA0] =	vst v63  }
0x37: {  	_ =	swait.ge [sflag:s15], $0x2710  }
0x38: {  	[sflag:s15] =	ssyncset.done $0x0  }
0x39: {  	[sflag:s15] =	ssyncadd.s32 $0xFFFFD8F0  }
0x3a: {  	[bflag:$0x0] =	sbarrier.arrive $0xFFFF  }
0x3b: {  	[tilespmem:s18], [sflag:$0x1] =	stream.indirect.gather [hbm4b:s4+s17], $0x40, s24, s17, $0xb8;
	[tilespmem:$0x16DA0] =	vst v63  }
0x3c: {  	_ = 	snop  }
0x3d: {  	[tilespmem:s19], [sflag:$0x2] =	stream.indirect.gather [hbm4b:s4+s17], $0x40, s17, s17, $0xb8;
	[tilespmem:$0x16DA0] =	vst v63  }
0x3e: {  	s1 =	simm.s32 $0xA0  }
0x3f: {  	[tilespmem:s21], [sflag:$0x3] =	stream.indirect.gather [hbm4b:s4+s17], $0x40, s1, s17, $0xb8;
	[tilespmem:$0x16DA0] =	vst v63  }
0x40: {  	s24 =	simm.s32 $0xF0  }
0x41: {  	[tilespmem:s23], [sflag:$0x4] =	stream.indirect.gather [hbm4b:s4+s17], $0x40, s24, s17, $0xb8;
	[tilespmem:$0x16DA0] =	vst v63  }
0x42: {  	s1 =	simm.s32 $0x140  }
0x43: {  	[tilespmem:s25], [sflag:$0x5] =	stream.indirect.gather [hbm4b:s4+s17], $0x40, s1, s17, $0xb8;
	[tilespmem:$0x16DA0] =	vst v63  }
0x44: {  	_ =	swait.ge [sflag:s26], $0x1400  }
0x45: {  	[sflag:s26] =	ssyncset.done $0x0  }
0x46: {  	s24 =	simm.s32 $0x2710;
	[sflag:s26] =	ssyncadd.s32 $0xFFFFEC00  }
0x47: {  	[spmem:s2] =	stream.indirect.scatter.add.bf16 [tilespmem:s18], [sflag:$0x6], $0x40, s24, s17, $0xb8;
	[tilespmem:$0x16DA0] =	vst v63  }
0x48: {  	_ =	swait.ge [sflag:s15], $0x1400  }
0x49: {  	[sflag:s15] =	ssyncset.done $0x0  }
0x4a: {  	s1 =	simm.s32 $0x190;
	[sflag:s15] =	ssyncadd.s32 $0xFFFFEC00  }
0x4b: {  	[tilespmem:s18], [sflag:$0x1] =	stream.indirect.gather [hbm4b:s4+s17], $0x40, s1, s17, $0xb8;
	[tilespmem:$0x16DA0] =	vst v63  }
0x4c: {  	_ =	swait.ge [sflag:s28], $0x1400  }
0x4d: {  	[sflag:s28] =	ssyncset.done $0x0  }
0x4e: {  	s24 =	simm.s32 $0x2760;
	[sflag:s28] =	ssyncadd.s32 $0xFFFFEC00  }
0x4f: {  	[spmem:s2] =	stream.indirect.scatter.add.bf16 [tilespmem:s19], [sflag:$0x6], $0x40, s24, s17, $0xb8;
	[tilespmem:$0x16DA0] =	vst v63  }
0x50: {  	_ =	swait.ge [sflag:s15], $0x1400  }
0x51: {  	[sflag:s15] =	ssyncset.done $0x0  }
0x52: {  	s1 =	simm.s32 $0x1E0;
	[sflag:s15] =	ssyncadd.s32 $0xFFFFEC00  }
0x53: {  	[tilespmem:s19], [sflag:$0x2] =	stream.indirect.gather [hbm4b:s4+s17], $0x40, s1, s17, $0xb8;
	[tilespmem:$0x16DA0] =	vst v63  }
0x54: {  	_ =	swait.ge [sflag:s29], $0x1400  }
0x55: {  	[sflag:s29] =	ssyncset.done $0x0  }
0x56: {  	s24 =	simm.s32 $0x27B0;
	[sflag:s29] =	ssyncadd.s32 $0xFFFFEC00  }
0x57: {  	[spmem:s2] =	stream.indirect.scatter.add.bf16 [tilespmem:s21], [sflag:$0x6], $0x40, s24, s17, $0xb8;
	[tilespmem:$0x16DA0] =	vst v63  }
0x58: {  	_ =	swait.ge [sflag:s15], $0x1400  }
0x59: {  	[sflag:s15] =	ssyncset.done $0x0  }
0x5a: {  	s1 =	simm.s32 $0x230;
	[sflag:s15] =	ssyncadd.s32 $0xFFFFEC00  }
0x5b: {  	[tilespmem:s21], [sflag:$0x3] =	stream.indirect.gather [hbm4b:s4+s17], $0x40, s1, s17, $0xb8;
	[tilespmem:$0x16DA0] =	vst v63  }
0x5c: {  	_ =	swait.ge [sflag:s30], $0x1400  }
0x5d: {  	[sflag:s30] =	ssyncset.done $0x0  }
0x5e: {  	s24 =	simm.s32 $0x2800;
	[sflag:s30] =	ssyncadd.s32 $0xFFFFEC00  }
0x5f: {  	[spmem:s2] =	stream.indirect.scatter.add.bf16 [tilespmem:s23], [sflag:$0x6], $0x40, s24, s17, $0xb8;
	[tilespmem:$0x16DA0] =	vst v63  }
0x60: {  	_ =	swait.ge [sflag:s15], $0x1400  }
0x61: {  	[sflag:s15] =	ssyncset.done $0x0  }
0x62: {  	s1 =	simm.s32 $0x280;
	[sflag:s15] =	ssyncadd.s32 $0xFFFFEC00  }
0x63: {  	[tilespmem:s23], [sflag:$0x4] =	stream.indirect.gather [hbm4b:s4+s17], $0x40, s1, s17, $0xb8;
	[tilespmem:$0x16DA0] =	vst v63  }
0x64: {  	_ =	swait.ge [sflag:s31], $0x1400  }
0x65: {  	[sflag:s31] =	ssyncset.done $0x0  }
0x66: {  	s24 =	simm.s32 $0x2850;
	[sflag:s31] =	ssyncadd.s32 $0xFFFFEC00  }
0x67: {  	[spmem:s2] =	stream.indirect.scatter.add.bf16 [tilespmem:s25], [sflag:$0x6], $0x40, s24, s17, $0xb8;
	[tilespmem:$0x16DA0] =	vst v63  }
0x68: {  	_ =	swait.ge [sflag:s15], $0x1400  }
0x69: {  	[sflag:s15] =	ssyncset.done $0x0  }
0x6a: {  	s0 =	simm.s32 $0x2D0;
	s24 =	simm.s32 $0x640;
	[sflag:s15] =	ssyncadd.s32 $0xFFFFEC00  }
.LBB2_4:
0x6b: {  	[tilespmem:s25], [sflag:$0x5] =	stream.indirect.gather [hbm4b:s4+s17], $0x40, s0, s17, $0xb8;
	[tilespmem:$0x16DA0] =	vst v63  }
0x6c: {  	s0 =	smov.u32 s24  }
0x6d: {  	p0 =	sne.s32 s24, $0x8FC0;
	s24 =	sadd.s32 $0x640, s24;
	_ =	swait.ge [sflag:s26], $0x1400  }
0x6e: {  	s0 =	sshra.s32 s0, $0x2;
	[sflag:s26] =	ssyncset.done $0x0  }
0x6f: {  	s1 =	sadd.s32 $0x2710, s0;
	[sflag:s26] =	ssyncadd.s32 $0xFFFFEC00  }
0x70: {  	[spmem:s2] =	stream.indirect.scatter.add.bf16 [tilespmem:s18], [sflag:$0x6], $0x40, s1, s17, $0xb8;
	[tilespmem:$0x16DA0] =	vst v63  }
0x71: {  	_ =	swait.ge [sflag:s15], $0x1400  }
0x72: {  	[sflag:s15] =	ssyncset.done $0x0  }
0x73: {  	s1 =	sadd.s32 $0x190, s0;
	[sflag:s15] =	ssyncadd.s32 $0xFFFFEC00  }
0x74: {  	[tilespmem:s18], [sflag:$0x1] =	stream.indirect.gather [hbm4b:s4+s17], $0x40, s1, s17, $0xb8;
	[tilespmem:$0x16DA0] =	vst v63  }
0x75: {  	_ =	swait.ge [sflag:s28], $0x1400  }
0x76: {  	[sflag:s28] =	ssyncset.done $0x0  }
0x77: {  	s1 =	sadd.s32 $0x2760, s0;
	[sflag:s28] =	ssyncadd.s32 $0xFFFFEC00  }
0x78: {  	[spmem:s2] =	stream.indirect.scatter.add.bf16 [tilespmem:s19], [sflag:$0x6], $0x40, s1, s17, $0xb8;
	[tilespmem:$0x16DA0] =	vst v63  }
0x79: {  	_ =	swait.ge [sflag:s15], $0x1400  }
0x7a: {  	[sflag:s15] =	ssyncset.done $0x0  }
0x7b: {  	s1 =	sadd.s32 $0x1E0, s0;
	[sflag:s15] =	ssyncadd.s32 $0xFFFFEC00  }
0x7c: {  	[tilespmem:s19], [sflag:$0x2] =	stream.indirect.gather [hbm4b:s4+s17], $0x40, s1, s17, $0xb8;
	[tilespmem:$0x16DA0] =	vst v63  }
0x7d: {  	_ =	swait.ge [sflag:s29], $0x1400  }
0x7e: {  	[sflag:s29] =	ssyncset.done $0x0  }
0x7f: {  	s1 =	sadd.s32 $0x27B0, s0;
	[sflag:s29] =	ssyncadd.s32 $0xFFFFEC00  }
0x80: {  	[spmem:s2] =	stream.indirect.scatter.add.bf16 [tilespmem:s21], [sflag:$0x6], $0x40, s1, s17, $0xb8;
	[tilespmem:$0x16DA0] =	vst v63  }
0x81: {  	_ =	swait.ge [sflag:s15], $0x1400  }
0x82: {  	[sflag:s15] =	ssyncset.done $0x0  }
0x83: {  	s1 =	sadd.s32 $0x230, s0;
	[sflag:s15] =	ssyncadd.s32 $0xFFFFEC00  }
0x84: {  	[tilespmem:s21], [sflag:$0x3] =	stream.indirect.gather [hbm4b:s4+s17], $0x40, s1, s17, $0xb8;
	[tilespmem:$0x16DA0] =	vst v63  }
0x85: {  	_ =	swait.ge [sflag:s30], $0x1400  }
0x86: {  	[sflag:s30] =	ssyncset.done $0x0  }
0x87: {  	s1 =	sadd.s32 $0x2800, s0;
	[sflag:s30] =	ssyncadd.s32 $0xFFFFEC00  }
0x88: {  	[spmem:s2] =	stream.indirect.scatter.add.bf16 [tilespmem:s23], [sflag:$0x6], $0x40, s1, s17, $0xb8;
	[tilespmem:$0x16DA0] =	vst v63  }
0x89: {  	_ =	swait.ge [sflag:s15], $0x1400  }
0x8a: {  	[sflag:s15] =	ssyncset.done $0x0  }
0x8b: {  	s1 =	sadd.s32 $0x280, s0;
	[sflag:s15] =	ssyncadd.s32 $0xFFFFEC00  }
0x8c: {  	[tilespmem:s23], [sflag:$0x4] =	stream.indirect.gather [hbm4b:s4+s17], $0x40, s1, s17, $0xb8;
	[tilespmem:$0x16DA0] =	vst v63  }
0x8d: {  	_ =	swait.ge [sflag:s31], $0x1400  }
0x8e: {  	[sflag:s31] =	ssyncset.done $0x0  }
.Ltmp1:
0x8f: {  	s1 =	sadd.s32 $0x2850, s0;
	[sflag:s31] =	ssyncadd.s32 $0xFFFFEC00;
	(pc) =	sbr.rel @p0 .LBB2_4-.Ltmp1, $4  }
0x90: {  	[spmem:s2] =	stream.indirect.scatter.add.bf16 [tilespmem:s25], [sflag:$0x6], $0x40, s1, s17, $0xb8;
	[tilespmem:$0x16DA0] =	vst v63  }
0x91: {  	_ =	swait.ge [sflag:s15], $0x1400  }
0x92: {  	[sflag:s15] =	ssyncset.done $0x0  }
0x93: {  	s0 =	sadd.s32 $0x2D0, s0;
	[sflag:s15] =	ssyncadd.s32 $0xFFFFEC00  }
0x94: {  	[tilespmem:s25], [sflag:$0x5] =	stream.indirect.gather [hbm4b:s4+s17], $0x40, s0, s17, $0xb8;
	[tilespmem:$0x16DA0] =	vst v63  }
0x95: {  	_ =	swait.ge [sflag:s26], $0x1400  }
0x96: {  	[sflag:s26] =	ssyncset.done $0x0  }
0x97: {  	s24 =	simm.s32 $0x4C90;
	[sflag:s26] =	ssyncadd.s32 $0xFFFFEC00  }
0x98: {  	[spmem:s2] =	stream.indirect.scatter.add.bf16 [tilespmem:s18], [sflag:$0x6], $0x40, s24, s17, $0xb8;
	[tilespmem:$0x16DA0] =	vst v63  }
0x99: {  	_ =	swait.ge [sflag:s15], $0x1400  }
0x9a: {  	[sflag:s15] =	ssyncset.done $0x0  }
0x9b: {  	[sflag:s15] =	ssyncadd.s32 $0xFFFFEC00  }
0x9c: {  	_ =	swait.ge [sflag:s28], $0x1400  }
0x9d: {  	[sflag:s28] =	ssyncset.done $0x0  }
0x9e: {  	s1 =	simm.s32 $0x4CE0;
	[sflag:s28] =	ssyncadd.s32 $0xFFFFEC00  }
0x9f: {  	[spmem:s2] =	stream.indirect.scatter.add.bf16 [tilespmem:s19], [sflag:$0x6], $0x40, s1, s17, $0xb8;
	[tilespmem:$0x16DA0] =	vst v63  }
0xa0: {  	_ =	swait.ge [sflag:s15], $0x1400  }
0xa1: {  	[sflag:s15] =	ssyncset.done $0x0  }
0xa2: {  	[sflag:s15] =	ssyncadd.s32 $0xFFFFEC00  }
0xa3: {  	_ =	swait.ge [sflag:s29], $0x1400  }
0xa4: {  	[sflag:s29] =	ssyncset.done $0x0  }
0xa5: {  	[sflag:s29] =	ssyncadd.s32 $0xFFFFEC00  }
0xa6: {  	[spmem:s2] =	stream.indirect.scatter.add.bf16 [tilespmem:s21], [sflag:$0x6], $0x40, s16, s17, $0xb8;
	[tilespmem:$0x16DA0] =	vst v63  }
0xa7: {  	_ =	swait.ge [sflag:s15], $0x1400  }
0xa8: {  	[sflag:s15] =	ssyncset.done $0x0  }
0xa9: {  	[sflag:s15] =	ssyncadd.s32 $0xFFFFEC00  }
0xaa: {  	_ =	swait.ge [sflag:s30], $0x1400  }
0xab: {  	[sflag:s30] =	ssyncset.done $0x0  }
0xac: {  	[sflag:s30] =	ssyncadd.s32 $0xFFFFEC00  }
0xad: {  	[spmem:s2] =	stream.indirect.scatter.add.bf16 [tilespmem:s23], [sflag:$0x6], $0x40, s20, s17, $0xb8;
	[tilespmem:$0x16DA0] =	vst v63  }
0xae: {  	_ =	swait.ge [sflag:s15], $0x1400  }
0xaf: {  	[sflag:s15] =	ssyncset.done $0x0  }
0xb0: {  	[sflag:s15] =	ssyncadd.s32 $0xFFFFEC00  }
0xb1: {  	_ =	swait.ge [sflag:s31], $0x1400  }
0xb2: {  	[sflag:s31] =	ssyncset.done $0x0  }
0xb3: {  	[sflag:s31] =	ssyncadd.s32 $0xFFFFEC00  }
0xb4: {  	[spmem:s2] =	stream.indirect.scatter.add.bf16 [tilespmem:s25], [sflag:$0x6], $0x40, s22, s17, $0xb8;
	[tilespmem:$0x16DA0] =	vst v63  }
0xb5: {  	s24 =	stileid.u32;
	_ =	swait.ge [sflag:s15], $0x1400  }
0xb6: {  	s3 =	sadd.s32 $0x1, s3;
	s0 =	sshll.u32 s24, $0x6;
	[sflag:s15] =	ssyncset.done $0x0  }
0xb7: {  	p0 =	sne.s32 s3, s13;
	s0 =	sor.u32 $0x1C06, s0;
	[sflag:s15] =	ssyncadd.s32 $0xFFFFEC00  }
.Ltmp2:
0xb8: {  	s1 =	sshrl.u32 s5, $0x3;
	[bflag:$0x0] =	sbarrier.arrive $0xFFFF;
	(pc) =	sbr.rel @p0 .LBB2_1-.Ltmp2, $4  }
0xb9: {  	[hbm:s12], [sflag:s0] =	dma.local [spmem:s1], $0x1388  }
0xba: {  	_ =	swait.ge [sflag:s15], $0x1388  }
0xbb: {  	[sflag:s15] =	ssyncset.done $0x0  }
0xbc: {  	[sflag:s15] =	ssyncadd.s32 $0xFFFFEC78  }
0xbd: {  	_ =	sfence.sel $0x180000  }
0xbe: {  	[bflag:$0x0] =	sbarrier.arrive $0xFFFF  }
0xbf: {  	_ =	strace $0x9000004D  }
0xc0: {  	s0 =	stileid.u32;
	[bflag:$0x2] =	sbarrier.arrive $0xFFFF  }
0xc1: {  	p0 =	sne.s32 s0, $0x0;
	s0 =	rddreg [dreg:$0x3]  }
0xc2: {  	s0 =	sadd.s32 @!p0 $0x100000, s0  }
0xc3: {  	[sflag:s0] =	ssyncadd.tile.s32 @!p0 $0x1;
	_ =	shalt  }
.Lfunc_end2:
_tile_overlayer_lowered:
.L_overlay_start_2:
0xc4: {  	(tag) =	ssettag $0x2  }
0xc5: {  	s0 =	rddreg [dreg:$0x0];
	s2 =	stileid.u32  }
0xc6: {  	s1 =	rddreg [dreg:$0x1];
	p0 =	sne.s32 s2, $0x0  }
0xc7: {  	s3 =	rddreg [dreg:$0x2];
	[bflag:$0x3] =	sbarrier.arrive $0xFFFF;
	s2 =	simm.s32 @!p0 $0x1C06  }
0xc8: {  	[timem:s3], [sflag:s2] =	dma.local @!p0 [hbm:s0], s1  }
0xc9: {  	s0 =	simm.s32 @!p0 $0x6  }
0xca: {  	_ =	swait.ge @!p0 [sflag:s0], s1  }
0xcb: {  	s1 =	ssub.s32 @!p0 $0x0, s1;
	[sflag:s0] =	ssyncset.done @!p0 $0x0  }
0xcc: {  	[sflag:s0] =	ssyncadd.s32 @!p0 s1  }
0xcd: {  	[bflag:$0x3] =	sbarrier.arrive $0xFFFF  }
0xce: {  	_ =	shalt  }

// kernel: kernel.9.cloned.1.call-start
scs
__scs_entry_jumppad:
0x0: {  	(pc) =	sbr.rel $0x88, $3  }
0x1: {  	(tag) =	ssettag $0x0;
	lr =	simm.s32 $0x1  }
0x2: {  	[smem:$0x3F9B] =	sst lr;
	_ =	strace $0xD0000000  }
0x3: {  	_ = 	snop  }
0x4: {  	_ = 	snop  }
0x5: {  	_ = 	snop  }
0x6: {  	_ = 	snop  }
0x7: {  	_ = 	snop  }
__scs_overlays_trampoline_lowered:
0x8: {  	[smem:$0x3FAA] =	sst s0  }
0x9: {  	[smem:$0x3FAB] =	sst s1  }
0xa: {  	[smem:$0x3FAC] =	sst s2  }
0xb: {  	[smem:$0x3FAD] =	sst s3  }
0xc: {  	[smem:$0x3FAE] =	sst s4  }
0xd: {  	[smem:$0x3FAF] =	sst s5  }
0xe: {  	[smem:$0x3FB0] =	sst s6  }
0xf: {  	[smem:$0x3FB1] =	sst s7  }
0x10: {  	[smem:$0x3FB2] =	sst s8  }
0x11: {  	[smem:$0x3FB3] =	sst s9;
	s0 =	simm.s32 @!p0 $0x0  }
0x12: {  	s1 =	sld [smem:$0x3F99];
	s0 =	simm.s32 @p0 $0x1  }
0x13: {  	[smem:$0x3FB4] =	sst s0;
	s0 =	simm.s32 @!p1 $0x0  }
0x14: {  	s2 =	sld [smem:$0x3F98];
	s0 =	simm.s32 @p1 $0x1  }
0x15: {  	[smem:$0x3FB5] =	sst s0;
	s0 =	simm.s32 @!p2 $0x0  }
0x16: {  	s3 =	sld [smem:$0x3FDB];
	s0 =	simm.s32 @p2 $0x1  }
0x17: {  	s4 =	simm.s32 $0x1BF5;
	[smem:$0x3FB7] =	sst s0  }
0x18: {  	s0 =	sld [smem:$0x3F9A];
	_ =	swait.ge [sflag:s4], $0x0  }
0x19: {  	s7 =	sld [smem:$0x3F9B]  }
0x1a: {  	s8 =	sadd.s32 $0xFFFFE003, lr  }
0x1b: {  	s9 =	sadd.s32 $0xFFFFFEF7, lr;
	s5 =	simm.s32 $0xFFFFFFFF;
	p2 =	slt.u32 s8, $0xFFFFF086  }
0x1c: {  	p1 =	slt.u32 s9, $0xF7A;
	s5 =	simm.s32 @!p2 $0x0  }
0x1d: {  	s5 =	simm.s32 @p1 $0x1;
	p0 =	seq.s32 s7, s2  }
0x1e: {  	s7 =	smul.u32 @!p0 $0xF7A, s2;
	p2 =	seq.s32 @!p0 s5, $0x0  }
0x1f: {  	s9 =	smul.u32 $0xF7A, s1;
	s8 =	simm.s32 @!p0 $0x1BF5;
	p2 =	por !p2, p0  }
0x20: {  	[sflag:s8] =	ssyncset.s32 @!p0 $0xFFFFF086;
	s6 =	sadd.s32 @!p0 s3, s7;
	s7 =	simm.s32 @!p0 $0x108  }
0x21: {  	s3 =	sadd.s32 s3, s9;
	s6 =	sadd.s32 @!p0 $0x88, s6;
	s7 =	simm.s32 @p2 $0x1082  }
0x22: {  	[simem:s7], [sflag:s8] =	dma.local @!p0 [hbm:s6], $0xF7A  }
0x23: {  	s9 =	sor.u32 $0xD0000000, s2;
	s6 =	simm.s32 $0x108;
	_ =	swait.ge @!p0 [sflag:s8], $0x0  }
0x24: {  	s3 =	sadd.s32 $0x88, s3;
	s6 =	simm.s32 @!p1 $0x1082;
	[sflag:s4] =	ssyncset.s32 $0xFFFFF086  }
0x25: {  	[simem:s6], [sflag:s4] =	dma.local [hbm:s3], $0xF7A  }
0x26: {  	[smem:$0x3F9B] =	sst s1;
	(tag) =	ssettag s2;
	_ =	strace s9  }
0x27: {  	s1 =	sld [smem:$0x3FAB]  }
0x28: {  	s2 =	sld [smem:$0x3FAC]  }
0x29: {  	s4 =	sld [smem:$0x3FAE]  }
0x2a: {  	p0 =	seq.s32 s5, $0x0;
	s5 =	sld [smem:$0x3FAF]  }
0x2b: {  	s6 =	sld [smem:$0x3FB0]  }
0x2c: {  	s7 =	sld [smem:$0x3FB1]  }
0x2d: {  	s3 =	simm.s32 $0x108;
	s8 =	sld [smem:$0x3FB2]  }
0x2e: {  	s3 =	simm.s32 @!p0 $0x1082;
	s9 =	sld [smem:$0x3FB3]  }
0x2f: {  	lr =	sadd.s32 s0, s3;
	s0 =	sld [smem:$0x3FAA]  }
0x30: {  	s3 =	sld [smem:$0x3FAD]  }
0x31: {  	[smem:$0x3FB6] =	sst s10  }
0x32: {  	s10 =	sld [smem:$0x3FB4];
	_ =	sdelay $0x3  }
0x33: {  	p0 =	seq.s32 s10, $0x1;
	s10 =	sld [smem:$0x3FB6];
	_ =	sdelay $0x3  }
0x34: {  	[smem:$0x3FB6] =	sst s10  }
0x35: {  	s10 =	sld [smem:$0x3FB5];
	_ =	sdelay $0x3  }
0x36: {  	p1 =	seq.s32 s10, $0x1;
	s10 =	sld [smem:$0x3FB6];
	_ =	sdelay $0x3  }
0x37: {  	[smem:$0x3FB6] =	sst s10  }
0x38: {  	s10 =	sld [smem:$0x3FB7]  }
0x39: {  	_ = 	snop;
	(pc) =	sbr.ind lr, $3  }
0x3a: {  	_ = 	snop  }
0x3b: {  	_ = 	snop  }
0x3c: {  	p2 =	seq.s32 s10, $0x1;
	s10 =	sld [smem:$0x3FB6]  }
0x3d: {  	_ =	shalt  }
0x3e: {  	_ =	shalt  }
0x3f: {  	_ =	shalt  }
0x40: {  	_ =	shalt  }
0x41: {  	_ =	shalt  }
0x42: {  	_ =	shalt  }
0x43: {  	_ =	shalt  }
0x44: {  	_ =	shalt  }
0x45: {  	_ =	shalt  }
0x46: {  	_ =	shalt  }
0x47: {  	_ =	shalt  }
0x48: {  	_ =	shalt  }
0x49: {  	_ =	shalt  }
0x4a: {  	_ =	shalt  }
0x4b: {  	_ =	shalt  }
0x4c: {  	_ =	shalt  }
0x4d: {  	_ =	shalt  }
0x4e: {  	_ =	shalt  }
0x4f: {  	_ =	shalt  }
0x50: {  	_ =	shalt  }
0x51: {  	_ =	shalt  }
0x52: {  	_ =	shalt  }
0x53: {  	_ =	shalt  }
0x54: {  	_ =	shalt  }
0x55: {  	_ =	shalt  }
0x56: {  	_ =	shalt  }
0x57: {  	_ =	shalt  }
0x58: {  	_ =	shalt  }
0x59: {  	_ =	shalt  }
0x5a: {  	_ =	shalt  }
0x5b: {  	_ =	shalt  }
0x5c: {  	_ =	shalt  }
0x5d: {  	_ =	shalt  }
0x5e: {  	_ =	shalt  }
0x5f: {  	_ =	shalt  }
0x60: {  	_ =	shalt  }
0x61: {  	_ =	shalt  }
0x62: {  	_ =	shalt  }
0x63: {  	_ =	shalt  }
0x64: {  	_ =	shalt  }
0x65: {  	_ =	shalt  }
0x66: {  	_ =	shalt  }
0x67: {  	_ =	shalt  }
0x68: {  	_ =	shalt  }
0x69: {  	_ =	shalt  }
0x6a: {  	_ =	shalt  }
0x6b: {  	_ =	shalt  }
0x6c: {  	_ =	shalt  }
0x6d: {  	_ =	shalt  }
0x6e: {  	_ =	shalt  }
0x6f: {  	_ =	shalt  }
0x70: {  	_ =	shalt  }
0x71: {  	_ =	shalt  }
0x72: {  	_ =	shalt  }
0x73: {  	_ =	shalt  }
0x74: {  	_ =	shalt  }
0x75: {  	_ =	shalt  }
0x76: {  	_ =	shalt  }
0x77: {  	_ =	shalt  }
0x78: {  	_ =	shalt  }
0x79: {  	_ =	shalt  }
0x7a: {  	_ =	shalt  }
0x7b: {  	_ =	shalt  }
0x7c: {  	_ =	shalt  }
0x7d: {  	_ =	shalt  }
0x7e: {  	_ =	shalt  }
0x7f: {  	_ =	shalt  }
0x80: {  	_ =	shalt  }
0x81: {  	_ =	shalt  }
0x82: {  	_ =	shalt  }
0x83: {  	_ =	shalt  }
0x84: {  	_ =	shalt  }
0x85: {  	_ =	shalt  }
0x86: {  	_ =	shalt  }
0x87: {  	_ =	shalt  }
.Lfunc_end0:
.L_simem_size_0:
called_computation_lowered:
.L_overlay_start_0:
0x88: {  	s2 =	sld [smem:$0x3FD9]  }
0x89: {  	s3 =	sld [smem:$0x3FFE];
	_ =	sdelay $0x1  }
0x8a: {  	s1 =	srdreg.scid  }
0x8b: {  	s0 =	sand.u32 $0x1, s1  }
0x8c: {  	s17 =	sshll.u32 s0, $0xA;
	s2 =	sadd.s32 s3, s2  }
0x8d: {  	s2 =	sadd.s32 s2, s17  }
0x8e: {  	[smem:$0x3FC2] =	sst s2  }
0x8f: {  	_ = 	snop  }
0x90: {  	s2 =	sld [smem:$0x3FD0];
	(tm) =	ssettm $0x1  }
0x91: {  	s18 =	sld [smem:$0x3FFB];
	_ =	sdelay $0x3  }
0x92: {  	_ =	strace s18  }
0x93: {  	s3 =	sld [smem:$0x3FFC];
	_ =	sdelay $0x3  }
0x94: {  	_ =	strace s3  }
0x95: {  	s3 =	sld [smem:$0x3FFD];
	_ =	sdelay $0x3  }
0x96: {  	_ =	strace s3  }
0x97: {  	_ =	strace $0x8FFFFFFF  }
0x98: {  	s19 =	sld [smem:$0x3FDB];
	_ =	sdelay $0x1  }
0x99: {  	s4 =	simm.s32 $_scs_section_size  }
0x9a: {  	s5 =	simm.s32 $_size__tile_overlayer_lowered;
	s6 =	simm.s32 $_tile_overlayer_lowered  }
0x9b: {  	s22 =	simm.s32 $0x1BFF;
	s21 =	sshll.u32 s6, $0x1;
	s3 =	sadd.s32 s4, s19  }
0x9c: {  	s7 =	simm.s32 $0x0;
	s20 =	sshll.u32 s5, $0x1;
	s5 =	sadd.s32 s21, s3  }
0x9d: {  	[timem:s7], [sflag:s22] =	dma.local [hbm:s5], s20  }
0x9e: {  	_ =	swait.ge [sflag:s22], s20  }
0x9f: {  	s4 =	ssub.s32 $0x0, s20;
	[sflag:s22] =	ssyncset.done $0x0  }
0xa0: {  	[sflag:s22] =	ssyncadd.s32 s4;
	_ =	sdelay $0x1  }
0xa1: {  	s23 =	simm.s32 $0x1B8B  }
0xa2: {  	_ =	swait.ge [sflag:s23], $0x1  }
0xa3: {  	[sflag:s23] =	ssyncset.done $0x0  }
0xa4: {  	s25 =	simm.s32 $0x1B8E;
	s24 =	sld [smem:$0x3FFE];
	[sflag:s23] =	ssyncadd.s32 $0xFFFFFFFF  }
0xa5: {  	s26 =	simm.s32 $execute0_lowered;
	[smem:$0x3FD2] =	sst s25  }
0xa6: {  	s5 =	sshll.u32 s26, $0x1;
	_ =	strace $0x80000046;
	[dreg:$0x1] =	wrdreg $0xFFFFFFFF  }
0xa7: {  	s28 =	simm.s32 $_size_execute0_lowered;
	s3 =	sadd.s32 s3, s5;
	[dreg:$0x0] =	wrdreg $0x0  }
0xa8: {  	s5 =	sshll.u32 s28, $0x1;
	[dreg:$0x2] =	wrdreg s3  }
0xa9: {  	[dreg:$0x3] =	wrdreg s5  }
0xaa: {  	[dreg:$0x4] =	wrdreg $0xC0  }
0xab: {  	_ =	task [dreg:s7], $0x5FFFF  }
0xac: {  	[dreg:$0x1] =	wrdreg $0xFFFFFFFF  }
0xad: {  	[dreg:$0x0] =	wrdreg $0x60  }
0xae: {  	[dreg:$0x2] =	wrdreg s24  }
0xaf: {  	[dreg:$0x3] =	wrdreg s2  }
0xb0: {  	[dreg:$0x4] =	wrdreg $0x53200  }
0xb1: {  	[dreg:$0x5] =	wrdreg $0x9  }
0xb2: {  	_ =	task.clear_ibuf [dreg:s7], $0x6FFFF;
	_ =	strace $0x90000046  }
0xb3: {  	s29 =	simm.s32 $0x9;
	_ =	strace $0x80000048  }
0xb4: {  	_ =	swait.ge [sflag:s29], $0x1  }
0xb5: {  	[sflag:s29] =	ssyncadd.s32 $0xFFFFFFFF  }
0xb6: {  	_ =	strace $0x90000048  }
0xb7: {  	_ =	sfence  }
0xb8: {  	s30 =	sld [smem:$0x0];
	_ =	sdelay $0x2  }
0xb9: {  	s31 =	sshll.u32 s1, $0xD;
	s1 =	sshrl.u32 s1, $0x2  }
0xba: {  	s3 =	sand.u32 $0x4000, s31;
	s1 =	sadd.s32 s1, s30  }
0xbb: {  	s0 =	sor.u32 s3, s0;
	s1 =	sshll.u32 s1, $0x11  }
0xbc: {  	s0 =	sor.u32 s1, s0  }
0xbd: {  	s0 =	sadd.s32 $0x8F2B, s0  }
0xbe: {  	[sflag:s0] =	ssyncadd.remote.s32 $0x1  }
0xbf: {  	_ =	sfence.sel $0xFFFF  }
0xc0: {  	[dreg:$0x0] =	wrdreg $0xFFFFFFFF;
	(pc) =	sbr.abs _section_cstart, $3  }
0xc1: {  	[dreg:$0x1] =	wrdreg $0xFFFFFFFF  }
0xc2: {  	_ =	task.clear_ibuf [dreg:s7], $0x2FFFF;
	_ =	strace $0x9FFFFFFF  }
0xc3: {  	(tm) =	ssettm $0x7FFFFFFF  }
tec
execute0_lowered:
.L_overlay_start_1:
0x0: {  	(tag) =	ssettag $0x1  }
0x1: {  	s4 =	rddreg [dreg:$0x0]  }
0x2: {  	s1 =	srdreg.scid;
	s6 =	rddreg [dreg:$0x1]  }
0x3: {  	s0 =	stileid.u32;
	s2 =	rddreg [dreg:$0x2];
	s3 =	simm.s32 $0x0  }
0x4: {  	s11 =	simm.s32 $0x2710;
	s5 =	sand.u32 $0x1, s1;
	s1 =	rddreg [dreg:$0x3]  }
0x5: {  	s29 =	sshll.u32 s0, $0x1;
	s8 =	smul.u32 $0x2710, s0;
	[smem:$0x7FF] =	sst s3  }
0x6: {  	s7 =	sor.u32 s5, s29;
	s9 =	ssub.s32 $0x2, s5;
	s5 =	smul.u32 $0x27100, s5  }
0x7: {  	s12 =	sshll.u32 s0, $0x6;
	s7 =	smul.u32 $0x2710, s7;
	s10 =	sshrl.u32 s9, $0x1  }
0x8: {  	_ =	strace $0x80000047;
	s12 =	sor.u32 $0x1C01, s12;
	s9 =	ssub.s32 s9, s10  }
0x9: {  	s30 =	sadd.s32 s8, s5;
	s10 =	simm.s32 $0x50;
	s7 =	sshrl.u32 s7, $0x3  }
0xa: {  	s31 =	sshrl.u32 s30, $0x3;
	s7 =	sadd.s32 s4, s7;
	s4 =	sadd.s32 s8, s2  }
0xb: {  	s6 =	sadd.s32 s6, s31;
	s8 =	simm.s32 $0x2C10;
	s5 =	sadd.s32 $0xBA40, s7  }
0xc: {  	v0 =	vimm.f32 $1.000000000e+00;
	v1 =	vimm.f32 $0.0e+00;
	s7 =	smax.u32 s9, $0x1;
	s9 =	simm.s32 $0x1;
	s13 =	sshrl.u32 s4, $0x3  }
.LBB2_1:
0xd: {  	s14 =	simm.s32 $0x0  }
.LBB2_2:
0xe: {  	p0 =	sne.s32 s14, $0x13C0  }
.Ltmp0:
0xf: {  	_ = 	snop;
	(pc) =	sbr.rel @p0 .LBB2_2-.Ltmp0, $3  }
0x10: {  	_ =	sdelay $0x1  }
0x11: {  	s15 =	sshra.s32 s14, $0x2  }
0x12: {  	s14 =	sadd.s32 $0x40, s14;
	[tilespmem:s15+$0x2710] =	vst v0  }
0x13: {  	s14 =	simm.s32 $0x40;
	s15 =	simm.s32 $0x0  }
.LBB2_4:
0x14: {  	p0 =	sne.s32 s14, $0x9C00;
	[tilespmem:s15+$0x2C10] =	vst v1;
	s15 =	smov.u32 s14;
	s14 =	sadd.s32 $0x40, s14  }
.Ltmp1:
0x15: {  	(pc) =	sbr.rel @p0 .LBB2_4-.Ltmp1, $2  }
0x16: {  	_ =	sdelay $0x2  }
0x17: {  	s15 =	sshra.s32 s15, $0x2  }
0x18: {  	[tilespmem:s15+$0x2C10] =	vst v1  }
0x19: {  	[spmem:s4] =	stream.linear.scatter [tilespmem:s8], [sflag:$0x1], $0x2710, $0x38;
	[tilespmem:$0x7A30] =	vst v63  }
0x1a: {  	_ =	swait.ge [sflag:s9], $0x2710  }
0x1b: {  	[sflag:s9] =	ssyncset.done $0x0  }
0x1c: {  	s14 =	simm.s32 $0x0;
	[sflag:s9] =	ssyncadd.s32 $0xFFFFD8F0  }
0x1d: {  	[tilespmem:s14], [sflag:$0x1] =	stream.linear.gather [hbm4b:s5+s14], $0x2710, $0x38;
	[tilespmem:$0x7A30] =	vst v63  }
0x1e: {  	_ =	swait.ge [sflag:s9], $0x2710  }
0x1f: {  	[sflag:s9] =	ssyncset.done $0x0  }
0x20: {  	[sflag:s9] =	ssyncadd.s32 $0xFFFFD8F0  }
0x21: {  	s31 =	simm.s32 $0x0;
	[bflag:$0x0] =	sbarrier.arrive $0xFFFF  }
0x22: {  	[spmem:s2] =	stream.indirect.scatter.add.f32 [tilespmem:s11], [sflag:$0x1], $0x10, s31, s10, $0xb8;
	[tilespmem:$0x7A30] =	vst v63  }
0x23: {  	_ =	swait.ge [sflag:s9], $0x500  }
0x24: {  	s14 =	simm.s32 $0x140;
	[sflag:s9] =	ssyncset.done $0x0  }
.LBB2_6:
0x25: {  	s15 =	sshra.s32 s14, $0x2;
	[sflag:s9] =	ssyncadd.s32 $0xFFFFFB00;
	p0 =	sne.s32 s14, $0x9B00  }
0x26: {  	[spmem:s2] =	stream.indirect.scatter.add.f32 [tilespmem:s11], [sflag:$0x1], $0x10, s15, s10, $0xb8;
	[tilespmem:$0x7A30] =	vst v63  }
.Ltmp2:
0x27: {  	_ = 	snop;
	(pc) =	sbr.rel @p0 .LBB2_6-.Ltmp2, $4  }
0x28: {  	_ = 	snop  }
0x29: {  	s14 =	sadd.s32 $0x140, s14  }
0x2a: {  	_ =	swait.ge [sflag:s9], $0x500  }
0x2b: {  	[sflag:s9] =	ssyncset.done $0x0  }
0x2c: {  	s3 =	sadd.s32 $0x1, s3  }
0x2d: {  	[sflag:s9] =	ssyncadd.s32 $0xFFFFFB00;
	p0 =	sne.s32 s3, s7  }
.Ltmp3:
0x2e: {  	[bflag:$0x0] =	sbarrier.arrive $0xFFFF;
	(pc) =	sbr.rel @p0 .LBB2_1-.Ltmp3, $4  }
0x2f: {  	[hbm:s6], [sflag:s12] =	dma.local [spmem:s13], $0x4E2  }
0x30: {  	_ =	swait.ge [sflag:s9], $0x4E2  }
0x31: {  	[sflag:s9] =	ssyncset.done $0x0  }
0x32: {  	[sflag:s9] =	ssyncadd.s32 $0xFFFFFB1E  }
0x33: {  	_ =	sfence.sel $0x180000  }
0x34: {  	[bflag:$0x0] =	sbarrier.arrive $0xFFFF  }
0x35: {  	p0 =	sne.s32 s0, $0x0;
	_ =	strace $0x90000047  }
0x36: {  	s0 =	sadd.s32 @!p0 $0x100000, s1;
	[bflag:$0x2] =	sbarrier.arrive $0xFFFF  }
0x37: {  	[sflag:s0] =	ssyncadd.tile.s32 @!p0 $0x1;
	_ =	shalt  }
.Lfunc_end2:
_tile_overlayer_lowered:
.L_overlay_start_2:
0x38: {  	(tag) =	ssettag $0x2  }
0x39: {  	s0 =	rddreg [dreg:$0x0];
	s2 =	stileid.u32  }
0x3a: {  	s1 =	rddreg [dreg:$0x1];
	p0 =	sne.s32 s2, $0x0  }
0x3b: {  	s3 =	rddreg [dreg:$0x2];
	[bflag:$0x3] =	sbarrier.arrive $0xFFFF;
	s2 =	simm.s32 @!p0 $0x1C01  }
0x3c: {  	[timem:s3], [sflag:s2] =	dma.local @!p0 [hbm:s0], s1  }
0x3d: {  	s0 =	simm.s32 @!p0 $0x1  }
0x3e: {  	_ =	swait.ge @!p0 [sflag:s0], s1  }
0x3f: {  	s1 =	ssub.s32 @!p0 $0x0, s1;
	[sflag:s0] =	ssyncset.done @!p0 $0x0  }
0x40: {  	[sflag:s0] =	ssyncadd.s32 @!p0 s1  }
0x41: {  	[bflag:$0x3] =	sbarrier.arrive $0xFFFF  }
0x42: {  	_ =	shalt  }

</sc_bundles>
